<compile_context>
chip_gen: v7x
topology: tpu7x:2x2x1
jax: 0.10.2.dev20260603
libtpu: 0.0.44.dev20260713+nightly
codegen_flags: <defaults>
</compile_context>

<pallas_src>
import functools

import jax
import jax.numpy as jnp
from jax import lax
from jax.experimental import pallas as pl
from jax.experimental.pallas import tpu as pltpu
from jax.experimental.pallas import tpu_sc as plsc

N = 10000
E = 160000
H = 256
HH = 128
K = 16
G = 3
L = 3
EPS = 1e-5

NP = 10240
EP = 163840
BN = 2048
NBLK = NP // BN

NTILE = 16
CH = 128
RT = NP // NTILE
EPT = EP // NTILE
NCH = EPT // CH
EPT2 = EP // (2 * NTILE)
NCH2 = EPT2 // CH
DW = 128


def _sc_agg_body(h0, h1, src_r, dst_r, zero_r, agg0, agg1,
                 isrc, idst, rows, acc, sem):
    c = lax.axis_index("c")
    s = lax.axis_index("s")
    pltpu.sync_copy(zero_r.at[pl.ds(s * RT, RT)], acc.at[pl.ds(s * RT, RT)])
    plsc.subcore_barrier()

    def run(h_hbm):
        def body(j, carry):
            base = s * EPT + j * CH
            pltpu.sync_copy(src_r.at[pl.ds(base, CH)], isrc)
            pltpu.sync_copy(dst_r.at[pl.ds(base, CH)], idst)
            pltpu.async_copy(h_hbm.at[isrc], rows, sem).wait()
            pltpu.sync_copy(rows, acc.at[idst], add=True)
            return carry
        lax.fori_loop(0, NCH, body, 0)

    @pl.when(c == 0)
    def _():
        run(h0)

    @pl.when(c == 1)
    def _():
        run(h1)

    plsc.subcore_barrier()

    @pl.when(c == 0)
    def _():
        pltpu.sync_copy(acc.at[pl.ds(s * RT, RT)], agg0.at[pl.ds(s * RT, RT)])

    @pl.when(c == 1)
    def _():
        pltpu.sync_copy(acc.at[pl.ds(s * RT, RT)], agg1.at[pl.ds(s * RT, RT)])


def _sc_deg_body(dst_r, ones_r, zero_r, deg_o, idst, ones_v, acc, sem):
    c = lax.axis_index("c")
    s = lax.axis_index("s")
    pltpu.sync_copy(zero_r.at[pl.ds(s * RT, RT)], acc.at[pl.ds(s * RT, RT)])
    pltpu.sync_copy(ones_r, ones_v)
    plsc.subcore_barrier()

    def body(j, carry):
        base = c * (EP // 2) + s * EPT2 + j * CH
        pltpu.sync_copy(dst_r.at[pl.ds(base, CH)], idst)
        pltpu.sync_copy(ones_v, acc.at[idst], add=True)
        return carry
    lax.fori_loop(0, NCH2, body, 0)

    plsc.subcore_barrier()
    pltpu.sync_copy(acc.at[pl.ds(s * RT, RT)], deg_o.at[c, pl.ds(s * RT, RT)])


@functools.lru_cache(maxsize=None)
def _sc_kernels():
    mesh = plsc.VectorSubcoreMesh(core_axis_name="c", subcore_axis_name="s")
    agg = pl.kernel(
        _sc_agg_body,
        out_type=[jax.ShapeDtypeStruct((NP, HH), jnp.float32),
                  jax.ShapeDtypeStruct((NP, HH), jnp.float32)],
        mesh=mesh,
        scratch_types=[
            pltpu.VMEM((CH,), jnp.int32),
            pltpu.VMEM((CH,), jnp.int32),
            pltpu.VMEM((CH, HH), jnp.float32),
            pltpu.VMEM_SHARED((NP, HH), jnp.float32),
            pltpu.SemaphoreType.DMA,
        ],
    )
    deg = pl.kernel(
        _sc_deg_body,
        out_type=jax.ShapeDtypeStruct((2, NP, DW), jnp.float32),
        mesh=mesh,
        scratch_types=[
            pltpu.VMEM((CH,), jnp.int32),
            pltpu.VMEM((CH, DW), jnp.float32),
            pltpu.VMEM_SHARED((NP, DW), jnp.float32),
            pltpu.SemaphoreType.DMA,
        ],
    )
    return agg, deg



def _fold_sum(t):
    while t.shape[-1] > 1:
        w = t.shape[-1] // 2
        t = t[..., :w] + t[..., w:]
    return t


def _ln_relu(x, g, b):
    m = _fold_sum(x) * (1.0 / H)
    xc = x - m
    v = _fold_sum(xc * xc) * (1.0 / H)
    return jnp.maximum(xc / jnp.sqrt(v + EPS) * g + b, 0.0)


def _vq(xn, cb_ref, step):
    r = xn
    c128 = lax.broadcasted_iota(jnp.int32, (BN, HH), 1)
    ids_cols = jnp.zeros((BN, HH), jnp.int32)
    iot = lax.broadcasted_iota(jnp.int32, (BN, K), 1)
    for g in range(G):
        cbg = cb_ref[g]
        csq = _fold_sum(cbg * cbg)[:, 0]
        rsum = _fold_sum(r * r)
        dsc = lax.dot_general(r, cbg, (((1,), (1,)), ((), ())),
                              preferred_element_type=jnp.float32)
        scores = (rsum - 2.0 * dsc) + csq[None, :]
        mind = jnp.min(scores, axis=1, keepdims=True)
        idx = jnp.min(jnp.where(scores <= mind, iot, K), axis=1,
                      keepdims=True)
        oh = (iot == idx).astype(jnp.float32)
        q = jnp.dot(oh, cbg, preferred_element_type=jnp.float32)
        r = r - q
        ids_cols = ids_cols + jnp.where(c128 == g, idx, 0)
    rows = lax.broadcasted_iota(jnp.int32, (BN, H), 0) + step * BN
    ssq = jnp.sum(jnp.where(rows < N, r * r, 0.0))
    return ids_cols, ssq


def _k_in(x_ref, w1t, b1, g0, b0, h0_ref, h1_ref):
    x0 = jnp.dot(x_ref[...], w1t[...],
                 preferred_element_type=jnp.float32) + b1[...]
    h = _ln_relu(x0, g0[...], b0[...])
    h0_ref[...] = h[:, :HH]
    h1_ref[...] = h[:, HH:]


def _mid_common(m0, m1, h0p, h1p, wlt, wrt, bl, cb):
    mean = jnp.concatenate([m0[...], m1[...]], axis=1)
    hprev = jnp.concatenate([h0p[...], h1p[...]], axis=1)
    xn = (jnp.dot(mean, wlt[...], preferred_element_type=jnp.float32)
          + bl[...]
          + jnp.dot(hprev, wrt[...], preferred_element_type=jnp.float32))
    i = pl.program_id(0)
    ids_cols, ssq = _vq(xn, cb, i)
    return xn, ids_cols, ssq, i


def _k_mid(m0, m1, h0p, h1p, wlt, wrt, bl, cb, g1, b1n,
           h0_ref, h1_ref, ids_ref, loss_ref):
    xn, ids_cols, ssq, i = _mid_common(m0, m1, h0p, h1p, wlt, wrt, bl, cb)
    hn = _ln_relu(xn, g1[...], b1n[...])
    h0_ref[...] = hn[:, :HH]
    h1_ref[...] = hn[:, HH:]
    ids_ref[...] = ids_cols

    @pl.when(i == 0)
    def _():
        loss_ref[...] = jnp.zeros_like(loss_ref)
    loss_ref[...] += ssq


def _k_out(m0, m1, h0p, h1p, wlt, wrt, bl, cb, fg, fb,
           y_ref, ids_ref, loss_ref):
    xn, ids_cols, ssq, i = _mid_common(m0, m1, h0p, h1p, wlt, wrt, bl, cb)
    y_ref[...] = _ln_relu(xn, fg[...], fb[...])
    ids_ref[...] = ids_cols

    @pl.when(i == 0)
    def _():
        loss_ref[...] = jnp.zeros_like(loss_ref)
    loss_ref[...] += ssq


def _k_fin(y_ref, w2t, b2, out_ref):
    out_ref[...] = jnp.dot(y_ref[...], w2t[...],
                           preferred_element_type=jnp.float32) + b2[...]


def _row_spec(cols):
    return pl.BlockSpec((BN, cols), lambda i: (i, 0))


def _full_spec(shape):
    ndim = len(shape)
    return pl.BlockSpec(shape, lambda i: (0,) * ndim)


_SPEC_H = _row_spec(HH)
_SPEC_F = _row_spec(H)
_SPEC_W = _full_spec((H, H))
_SPEC_B = _full_spec((1, H))
_SPEC_CB = _full_spec((G, K, H))
_SPEC_LOSS = pl.BlockSpec((1, 1), lambda i: (0, 0))

_OUT_HH = [jax.ShapeDtypeStruct((NP, HH), jnp.float32),
           jax.ShapeDtypeStruct((NP, HH), jnp.float32)]
_OUT_IDSLOSS = [jax.ShapeDtypeStruct((NP, HH), jnp.int32),
                jax.ShapeDtypeStruct((1, 1), jnp.float32)]

_in_call = pl.pallas_call(
    _k_in,
    grid=(NBLK,),
    in_specs=[_SPEC_F, _SPEC_W, _SPEC_B, _SPEC_B, _SPEC_B],
    out_specs=[_SPEC_H, _SPEC_H],
    out_shape=_OUT_HH,
)

_mid_call = pl.pallas_call(
    _k_mid,
    grid=(NBLK,),
    in_specs=[_SPEC_H, _SPEC_H, _SPEC_H, _SPEC_H, _SPEC_W, _SPEC_W,
              _SPEC_B, _SPEC_CB, _SPEC_B, _SPEC_B],
    out_specs=[_SPEC_H, _SPEC_H, _row_spec(HH), _SPEC_LOSS],
    out_shape=_OUT_HH + _OUT_IDSLOSS,
)

_out_call = pl.pallas_call(
    _k_out,
    grid=(NBLK,),
    in_specs=[_SPEC_H, _SPEC_H, _SPEC_H, _SPEC_H, _SPEC_W, _SPEC_W,
              _SPEC_B, _SPEC_CB, _SPEC_B, _SPEC_B],
    out_specs=[_SPEC_F, _row_spec(HH), _SPEC_LOSS],
    out_shape=[jax.ShapeDtypeStruct((NP, H), jnp.float32)] + _OUT_IDSLOSS,
)

_fin_call = pl.pallas_call(
    _k_fin,
    grid=(NBLK,),
    in_specs=[_SPEC_F, _SPEC_W, _SPEC_B],
    out_specs=_SPEC_F,
    out_shape=jax.ShapeDtypeStruct((NP, H), jnp.float32),
)


def kernel(x, edge_index, lin1_W, lin1_b, blk_g, blk_b, conv_Wl, conv_bl,
           conv_Wr, codebooks, fin_g, fin_b, lin2_W, lin2_b):
    f32 = jnp.float32
    xp = jnp.pad(x, ((0, NP - N), (0, 0)))
    src = jnp.pad(edge_index[0], (0, EP - E))
    dst = jnp.pad(edge_index[1], (0, EP - E), constant_values=N)

    zeros128 = jnp.zeros((NP, HH), f32)
    zeros_dw = jnp.zeros((NP, DW), f32)
    ones_dw = jnp.ones((CH, DW), f32)

    _sc_agg, _sc_deg = _sc_kernels()
    degp = _sc_deg(dst, ones_dw, zeros_dw)
    degc = jnp.clip(degp[0, :, 0] + degp[1, :, 0], 1.0)[:, None]

    h0, h1 = _in_call(xp, lin1_W.T, lin1_b[None, :], blk_g[0:1], blk_b[0:1])

    losses = []
    ids_list = []
    for i in range(L):
        agg0, agg1 = _sc_agg(h0, h1, src, dst, zeros128)
        m0 = agg0 / degc
        m1 = agg1 / degc
        wlt = conv_Wl[i].T
        wrt = conv_Wr[i].T
        bl = conv_bl[i][None, :]
        cb = codebooks[i]
        if i < L - 1:
            h0n, h1n, ids_i, l_i = _mid_call(
                m0, m1, h0, h1, wlt, wrt, bl, cb,
                blk_g[i + 1:i + 2], blk_b[i + 1:i + 2])
            h0, h1 = h0n, h1n
        else:
            y, ids_i, l_i = _out_call(
                m0, m1, h0, h1, wlt, wrt, bl, cb, fin_g[None, :],
                fin_b[None, :])
        ids_list.append(ids_i[:N, :G])
        losses.append(l_i[0, 0])

    out_p = _fin_call(y, lin2_W.T, lin2_b[None, :])
    total_loss = (losses[0] + losses[1] + losses[2]) / (N * H)
    ids = jnp.concatenate(ids_list, axis=1)
    return out_p[:N], total_loss, ids

# --- scband reference (transcript-rebuilt; emitter-appended) ---
"""Pipeline reference for scband-gnn-13657996001656 (READ-ONLY COPY).

The authoritative reference and input builder live on the scoring server;
editing this copy changes nothing except your own understanding.
"""

import jax, jax.numpy as jnp
import numpy as np

N = 10000
E = 160000
D_IN = 256
H = 256
D_OUT = 256
L = 3
G = 3
K = 16
BETA = 0.98
EPS = 1e-5


def _ln(x, g, b):
    m = x.mean(-1, keepdims=True)
    v = ((x - m) ** 2).mean(-1, keepdims=True)
    return (x - m) / jnp.sqrt(v + EPS) * g + b


def setup_inputs(seed: int = 0) -> dict:
    key = jax.random.key(seed)
    ks = jax.random.split(key, 10)
    s = 0.05
    return {
        'x': jax.random.normal(ks[0], (N, D_IN), jnp.float32),
        'edge_index': jax.random.randint(ks[1], (2, E), 0, N, dtype=jnp.int32),
        'lin1_W': jax.random.normal(ks[2], (H, D_IN), jnp.float32) * s,
        'lin1_b': jnp.zeros((H,), jnp.float32),
        'blk_g': jnp.ones((L, H), jnp.float32),
        'blk_b': jnp.zeros((L, H), jnp.float32),
        'conv_Wl': jax.random.normal(ks[3], (L, H, H), jnp.float32) * s,
        'conv_bl': jnp.zeros((L, H), jnp.float32),
        'conv_Wr': jax.random.normal(ks[4], (L, H, H), jnp.float32) * s,
        'codebooks': jax.random.normal(ks[5], (L, G, K, H), jnp.float32) * s,
        'fin_g': jnp.ones((H,), jnp.float32),
        'fin_b': jnp.zeros((H,), jnp.float32),
        'lin2_W': jax.random.normal(ks[6], (D_OUT, H), jnp.float32) * s,
        'lin2_b': jnp.zeros((D_OUT,), jnp.float32),
    }


def reference(x, edge_index, lin1_W, lin1_b, blk_g, blk_b, conv_Wl, conv_bl, conv_Wr, codebooks, fin_g, fin_b, lin2_W, lin2_b):
    # eval mode: dropout layers are identity
    src = edge_index[0]
    dst = edge_index[1]
    x = x @ lin1_W.T + lin1_b
    total_loss = jnp.asarray(0.0, jnp.float32)
    ids = []
    for i in range(L):
        # GNNBlock: LayerNorm -> relu -> (dropout) -> SAGEConv
        h = jax.nn.relu(_ln(x, blk_g[i], blk_b[i]))
        agg = jax.ops.segment_sum(h[src], dst, num_segments=N)
        deg = jax.ops.segment_sum(jnp.ones((E,), h.dtype), dst, num_segments=N)
        mean = agg / jnp.clip(deg, 1.0)[:, None]
        x = mean @ conv_Wl[i].T + conv_bl[i] + h @ conv_Wr[i].T
        # vqtorch-style ResidualVectorQuant (groups=3): quantized output is
        # discarded in the torch forward; only loss and code ids are used.
        r = x
        zq = jnp.zeros_like(x)
        lids = []
        for g in range(G):
            cb = codebooks[i, g]
            d = (r * r).sum(-1, keepdims=True) - 2.0 * (r @ cb.T) + (cb * cb).sum(-1)[None, :]
            idx = jnp.argmin(d, axis=-1)
            q = cb[idx]
            zq = zq + q
            r = r - q
            lids.append(idx)
        loss = BETA * jnp.mean((jax.lax.stop_gradient(zq) - x) ** 2) + (1.0 - BETA) * jnp.mean((zq - jax.lax.stop_gradient(x)) ** 2)
        total_loss = total_loss + loss
        ids.append(jnp.stack(lids, axis=1))
    x = jax.nn.relu(_ln(x, fin_g, fin_b))
    out = x @ lin2_W.T + lin2_b
    return out, total_loss, jnp.concatenate(ids, axis=1)

if __name__ == "__main__":
    import jax
    _d = setup_inputs()
    print(jax.jit(kernel)(*tuple(_d.values())))

</pallas_src>

<mosaic_0001>
#map = affine_map<(d0, d1) -> (0)>
#map1 = affine_map<(d0, d1) -> (0, 0)>
#map2 = affine_map<(d0, d1) -> (0, 0, 0)>
module attributes {stable_mosaic.version = 14 : i64} {
  func.func @_sc_deg_body(%arg0: i32, %arg1: i32, %arg2: memref<163840xi32, #tpu.memory_space<hbm>>, %arg3: memref<128x128xf32, #tpu.memory_space<hbm>>, %arg4: memref<10240x128xf32, #tpu.memory_space<hbm>>, %arg5: memref<2x10240x128xf32, #tpu.memory_space<hbm>>, %arg6: memref<128xi32, #tpu.memory_space<vmem>>, %arg7: memref<128x128xf32, #tpu.memory_space<vmem>>, %arg8: memref<10240x128xf32, #tpu.memory_space<vmem_shared>>, %arg9: memref<!tpu.dma_semaphore, #tpu.memory_space<semaphore_mem>>) attributes {dimension_semantics = [#tpu.dimension_semantics<core_parallel>, #tpu.dimension_semantics<subcore_parallel>], iteration_bounds = array<i64: 2, 16>, scalar_prefetch = 0 : i64, scratch_operands = 4 : i64, tpu.core_type = #tpu.core_type<sc_vector_subcore>, window_params = [{transform_indices = #map}, {transform_indices = #map1}, {transform_indices = #map1}, {transform_indices = #map2}]} {
    %mul3A = arith.constant 640 : i32
    %mul3A_0 = arith.muli %arg1, %mul3A : i32
    %mul3A_1 = arith.constant 640 : i32
    %mul3A_2 = arith.muli %arg1, %mul3A_1 : i32
    "tpu.region"() ({
      %run_scoped3A = tpu.sem_alloc : memref<!tpu.dma_semaphore, #tpu.memory_space<semaphore_mem>>
      %dma_start3A = arith.constant 0 : i32
      %dma_start3A_13 = tpu.memref_slice %arg8[%mul3A_2, %dma_start3A] : memref<10240x128xf32, #tpu.memory_space<vmem_shared>> -> memref<640x128xf32, #tpu.memory_space<vmem_shared>>
      %dma_start3A_14 = arith.constant 0 : i32
      %dma_start3A_15 = tpu.memref_slice %arg4[%mul3A_0, %dma_start3A_14] : memref<10240x128xf32, #tpu.memory_space<hbm>> -> memref<640x128xf32, #tpu.memory_space<hbm>>
      tpu.enqueue_dma source(%dma_start3A_15 : memref<640x128xf32, #tpu.memory_space<hbm>>) target(%dma_start3A_13 : memref<640x128xf32, #tpu.memory_space<vmem_shared>>) target_semaphore(%run_scoped3A : memref<!tpu.dma_semaphore, #tpu.memory_space<semaphore_mem>>)
      %dma_wait3A = arith.constant 0 : i32
      %dma_wait3A_16 = tpu.memref_slice %arg8[%mul3A_2, %dma_wait3A] : memref<10240x128xf32, #tpu.memory_space<vmem_shared>> -> memref<640x128xf32, #tpu.memory_space<vmem_shared>>
      %dma_wait3A_17 = arith.constant 0 : i32
      %dma_wait3A_18 = tpu.memref_slice %arg4[%mul3A_0, %dma_wait3A_17] : memref<10240x128xf32, #tpu.memory_space<hbm>> -> memref<640x128xf32, #tpu.memory_space<hbm>>
      tpu.wait_dma2 semaphore(%run_scoped3A : memref<!tpu.dma_semaphore, #tpu.memory_space<semaphore_mem>>) src(%dma_wait3A_18 : memref<640x128xf32, #tpu.memory_space<hbm>>) dst(%dma_wait3A_16 : memref<640x128xf32, #tpu.memory_space<vmem_shared>>)
      tpu.yield
    }) : () -> ()
    "tpu.region"() ({
      %run_scoped3A = tpu.sem_alloc : memref<!tpu.dma_semaphore, #tpu.memory_space<semaphore_mem>>
      tpu.enqueue_dma source(%arg3 : memref<128x128xf32, #tpu.memory_space<hbm>>) target(%arg7 : memref<128x128xf32, #tpu.memory_space<vmem>>) target_semaphore(%run_scoped3A : memref<!tpu.dma_semaphore, #tpu.memory_space<semaphore_mem>>)
      tpu.wait_dma2 semaphore(%run_scoped3A : memref<!tpu.dma_semaphore, #tpu.memory_space<semaphore_mem>>) src(%arg3 : memref<128x128xf32, #tpu.memory_space<hbm>>) dst(%arg7 : memref<128x128xf32, #tpu.memory_space<vmem>>)
      tpu.yield
    }) : () -> ()
    %barrier3A = arith.constant 0 : index
    tpu.barrier barrier_id(%barrier3A)
    %scan3A = arith.constant 0 : i32
    %scan3A_3 = arith.constant 0 : i32
    %scan3A_4 = arith.constant 40 : i32
    %scan3A_5 = arith.addi %scan3A_3, %scan3A_4 : i32
    %scan3A_6 = arith.constant 1 : i32
    scf.for %scan3A_13 = %scan3A_3 to %scan3A_5 step %scan3A_6  : i32 {
      %mul3A_14 = arith.constant 81920 : i32
      %mul3A_15 = arith.muli %arg0, %mul3A_14 : i32
      %mul3A_16 = arith.constant 5120 : i32
      %mul3A_17 = arith.muli %arg1, %mul3A_16 : i32
      %add3A = arith.addi %mul3A_15, %mul3A_17 : i32
      %mul3A_18 = arith.constant 128 : i32
      %mul3A_19 = arith.muli %scan3A_13, %mul3A_18 : i32
      %add3A_20 = arith.addi %add3A, %mul3A_19 : i32
      "tpu.region"() ({
        %run_scoped3A = tpu.sem_alloc : memref<!tpu.dma_semaphore, #tpu.memory_space<semaphore_mem>>
        %dma_start3A = tpu.memref_slice %arg2[%add3A_20] : memref<163840xi32, #tpu.memory_space<hbm>> -> memref<128xi32, #tpu.memory_space<hbm>>
        %dma_start3A_21 = tpu.memref_slice %arg2[%add3A_20] : memref<163840xi32, #tpu.memory_space<hbm>> -> memref<128xi32, #tpu.memory_space<hbm>>
        tpu.enqueue_dma source(%dma_start3A_21 : memref<128xi32, #tpu.memory_space<hbm>>) target(%arg6 : memref<128xi32, #tpu.memory_space<vmem>>) target_semaphore(%run_scoped3A : memref<!tpu.dma_semaphore, #tpu.memory_space<semaphore_mem>>)
        %dma_wait3A = tpu.memref_slice %arg2[%add3A_20] : memref<163840xi32, #tpu.memory_space<hbm>> -> memref<128xi32, #tpu.memory_space<hbm>>
        %dma_wait3A_22 = tpu.memref_slice %arg2[%add3A_20] : memref<163840xi32, #tpu.memory_space<hbm>> -> memref<128xi32, #tpu.memory_space<hbm>>
        tpu.wait_dma2 semaphore(%run_scoped3A : memref<!tpu.dma_semaphore, #tpu.memory_space<semaphore_mem>>) src(%dma_wait3A_22 : memref<128xi32, #tpu.memory_space<hbm>>) dst(%arg6 : memref<128xi32, #tpu.memory_space<vmem>>)
        tpu.yield
      }) : () -> ()
      "tpu.region"() ({
        %run_scoped3A = tpu.sem_alloc : memref<!tpu.dma_semaphore, #tpu.memory_space<semaphore_mem>>
        %dma_start3A = arith.constant 0 : i32
        %dma_start3A_21 = arith.constant 0 : i32
        %dma_start3A_22 = tpu.memref_slice %arg8[%dma_start3A, %dma_start3A_21] : memref<10240x128xf32, #tpu.memory_space<vmem_shared>> -> memref<10240x128xf32, #tpu.memory_space<vmem_shared>>
        tpu.enqueue_indirect_dma source(%arg7 : memref<128x128xf32, #tpu.memory_space<vmem>>) target(%dma_start3A_22 : memref<10240x128xf32, #tpu.memory_space<vmem_shared>>) offsets(%arg6 : memref<128xi32, #tpu.memory_space<vmem>>) semaphore(%run_scoped3A : memref<!tpu.dma_semaphore, #tpu.memory_space<semaphore_mem>>) {add = true}
        %dma_wait3A = arith.constant 0 : i32
        %dma_wait3A_23 = arith.constant 0 : i32
        %dma_wait3A_24 = tpu.memref_slice %arg8[%dma_wait3A, %dma_wait3A_23] : memref<10240x128xf32, #tpu.memory_space<vmem_shared>> -> memref<10240x128xf32, #tpu.memory_space<vmem_shared>>
        tpu.wait_indirect_dma semaphore(%run_scoped3A : memref<!tpu.dma_semaphore, #tpu.memory_space<semaphore_mem>>) src(%arg7 : memref<128x128xf32, #tpu.memory_space<vmem>>) dst(%dma_wait3A_24 : memref<10240x128xf32, #tpu.memory_space<vmem_shared>>)
        tpu.yield
      }) : () -> ()
    }
    %scan3A_7 = arith.constant 40 : i32
    %barrier3A_8 = arith.constant 0 : index
    tpu.barrier barrier_id(%barrier3A_8)
    %mul3A_9 = arith.constant 640 : i32
    %mul3A_10 = arith.muli %arg1, %mul3A_9 : i32
    %mul3A_11 = arith.constant 640 : i32
    %mul3A_12 = arith.muli %arg1, %mul3A_11 : i32
    "tpu.region"() ({
      %run_scoped3A = tpu.sem_alloc : memref<!tpu.dma_semaphore, #tpu.memory_space<semaphore_mem>>
      %dma_start3A = arith.constant 0 : i32
      %dma_start3A_13 = tpu.memref_slice %arg5[%arg0, %mul3A_12, %dma_start3A] : memref<2x10240x128xf32, #tpu.memory_space<hbm>> -> memref<1x640x128xf32, #tpu.memory_space<hbm>>
      %dma_start3A_14 = tpu.memref_squeeze %dma_start3A_13 : memref<1x640x128xf32, #tpu.memory_space<hbm>> -> memref<640x128xf32, #tpu.memory_space<hbm>>
      %dma_start3A_15 = arith.constant 0 : i32
      %dma_start3A_16 = tpu.memref_slice %arg8[%mul3A_10, %dma_start3A_15] : memref<10240x128xf32, #tpu.memory_space<vmem_shared>> -> memref<640x128xf32, #tpu.memory_space<vmem_shared>>
      tpu.enqueue_dma source(%dma_start3A_16 : memref<640x128xf32, #tpu.memory_space<vmem_shared>>) target(%dma_start3A_14 : memref<640x128xf32, #tpu.memory_space<hbm>>) target_semaphore(%run_scoped3A : memref<!tpu.dma_semaphore, #tpu.memory_space<semaphore_mem>>)
      %dma_wait3A = arith.constant 0 : i32
      %dma_wait3A_17 = tpu.memref_slice %arg5[%arg0, %mul3A_12, %dma_wait3A] : memref<2x10240x128xf32, #tpu.memory_space<hbm>> -> memref<1x640x128xf32, #tpu.memory_space<hbm>>
      %dma_wait3A_18 = tpu.memref_squeeze %dma_wait3A_17 : memref<1x640x128xf32, #tpu.memory_space<hbm>> -> memref<640x128xf32, #tpu.memory_space<hbm>>
      %dma_wait3A_19 = arith.constant 0 : i32
      %dma_wait3A_20 = tpu.memref_slice %arg8[%mul3A_10, %dma_wait3A_19] : memref<10240x128xf32, #tpu.memory_space<vmem_shared>> -> memref<640x128xf32, #tpu.memory_space<vmem_shared>>
      tpu.wait_dma2 semaphore(%run_scoped3A : memref<!tpu.dma_semaphore, #tpu.memory_space<semaphore_mem>>) src(%dma_wait3A_20 : memref<640x128xf32, #tpu.memory_space<vmem_shared>>) dst(%dma_wait3A_18 : memref<640x128xf32, #tpu.memory_space<hbm>>)
      tpu.yield
    }) : () -> ()
    return
  }
}

#map = affine_map<(d0, d1) -> (0, 0)>
#map1 = affine_map<(d0, d1) -> (0)>
module attributes {stable_mosaic.version = 14 : i64} {
  func.func @_sc_agg_body(%arg0: i32, %arg1: i32, %arg2: memref<10240x128xf32, #tpu.memory_space<hbm>>, %arg3: memref<10240x128xf32, #tpu.memory_space<hbm>>, %arg4: memref<163840xi32, #tpu.memory_space<hbm>>, %arg5: memref<163840xi32, #tpu.memory_space<hbm>>, %arg6: memref<10240x128xf32, #tpu.memory_space<hbm>>, %arg7: memref<10240x128xf32, #tpu.memory_space<hbm>>, %arg8: memref<10240x128xf32, #tpu.memory_space<hbm>>, %arg9: memref<128xi32, #tpu.memory_space<vmem>>, %arg10: memref<128xi32, #tpu.memory_space<vmem>>, %arg11: memref<128x128xf32, #tpu.memory_space<vmem>>, %arg12: memref<10240x128xf32, #tpu.memory_space<vmem_shared>>, %arg13: memref<!tpu.dma_semaphore, #tpu.memory_space<semaphore_mem>>) attributes {dimension_semantics = [#tpu.dimension_semantics<core_parallel>, #tpu.dimension_semantics<subcore_parallel>], iteration_bounds = array<i64: 2, 16>, scalar_prefetch = 0 : i64, scratch_operands = 5 : i64, tpu.core_type = #tpu.core_type<sc_vector_subcore>, window_params = [{transform_indices = #map}, {transform_indices = #map}, {transform_indices = #map1}, {transform_indices = #map1}, {transform_indices = #map}, {transform_indices = #map}, {transform_indices = #map}]} {
    %mul3A = arith.constant 640 : i32
    %mul3A_0 = arith.muli %arg1, %mul3A : i32
    %mul3A_1 = arith.constant 640 : i32
    %mul3A_2 = arith.muli %arg1, %mul3A_1 : i32
    "tpu.region"() ({
      %run_scoped3A = tpu.sem_alloc : memref<!tpu.dma_semaphore, #tpu.memory_space<semaphore_mem>>
      %dma_start3A = arith.constant 0 : i32
      %dma_start3A_21 = tpu.memref_slice %arg12[%mul3A_2, %dma_start3A] : memref<10240x128xf32, #tpu.memory_space<vmem_shared>> -> memref<640x128xf32, #tpu.memory_space<vmem_shared>>
      %dma_start3A_22 = arith.constant 0 : i32
      %dma_start3A_23 = tpu.memref_slice %arg6[%mul3A_0, %dma_start3A_22] : memref<10240x128xf32, #tpu.memory_space<hbm>> -> memref<640x128xf32, #tpu.memory_space<hbm>>
      tpu.enqueue_dma source(%dma_start3A_23 : memref<640x128xf32, #tpu.memory_space<hbm>>) target(%dma_start3A_21 : memref<640x128xf32, #tpu.memory_space<vmem_shared>>) target_semaphore(%run_scoped3A : memref<!tpu.dma_semaphore, #tpu.memory_space<semaphore_mem>>)
      %dma_wait3A = arith.constant 0 : i32
      %dma_wait3A_24 = tpu.memref_slice %arg12[%mul3A_2, %dma_wait3A] : memref<10240x128xf32, #tpu.memory_space<vmem_shared>> -> memref<640x128xf32, #tpu.memory_space<vmem_shared>>
      %dma_wait3A_25 = arith.constant 0 : i32
      %dma_wait3A_26 = tpu.memref_slice %arg6[%mul3A_0, %dma_wait3A_25] : memref<10240x128xf32, #tpu.memory_space<hbm>> -> memref<640x128xf32, #tpu.memory_space<hbm>>
      tpu.wait_dma2 semaphore(%run_scoped3A : memref<!tpu.dma_semaphore, #tpu.memory_space<semaphore_mem>>) src(%dma_wait3A_26 : memref<640x128xf32, #tpu.memory_space<hbm>>) dst(%dma_wait3A_24 : memref<640x128xf32, #tpu.memory_space<vmem_shared>>)
      tpu.yield
    }) : () -> ()
    %barrier3A = arith.constant 0 : index
    tpu.barrier barrier_id(%barrier3A)
    %eq3A = arith.constant 0 : i32
    %eq3A_3 = arith.cmpi eq, %arg0, %eq3A : i32
    %convert_element_type3A = arith.extui %eq3A_3 : i1 to i32
    %cond3A = arith.constant 0 : i32
    %cond3A_4 = arith.cmpi ne, %convert_element_type3A, %cond3A : i32
    scf.if %cond3A_4 {
      %scan3A = arith.constant 0 : i32
      %scan3A_21 = arith.constant 0 : i32
      %scan3A_22 = arith.constant 80 : i32
      %scan3A_23 = arith.addi %scan3A_21, %scan3A_22 : i32
      %scan3A_24 = arith.constant 1 : i32
      scf.for %scan3A_26 = %scan3A_21 to %scan3A_23 step %scan3A_24  : i32 {
        %mul3A_27 = arith.constant 10240 : i32
        %mul3A_28 = arith.muli %arg1, %mul3A_27 : i32
        %mul3A_29 = arith.constant 128 : i32
        %mul3A_30 = arith.muli %scan3A_26, %mul3A_29 : i32
        %add3A = arith.addi %mul3A_28, %mul3A_30 : i32
        "tpu.region"() ({
          %run_scoped3A = tpu.sem_alloc : memref<!tpu.dma_semaphore, #tpu.memory_space<semaphore_mem>>
          %dma_start3A_35 = tpu.memref_slice %arg4[%add3A] : memref<163840xi32, #tpu.memory_space<hbm>> -> memref<128xi32, #tpu.memory_space<hbm>>
          %dma_start3A_36 = tpu.memref_slice %arg4[%add3A] : memref<163840xi32, #tpu.memory_space<hbm>> -> memref<128xi32, #tpu.memory_space<hbm>>
          tpu.enqueue_dma source(%dma_start3A_36 : memref<128xi32, #tpu.memory_space<hbm>>) target(%arg9 : memref<128xi32, #tpu.memory_space<vmem>>) target_semaphore(%run_scoped3A : memref<!tpu.dma_semaphore, #tpu.memory_space<semaphore_mem>>)
          %dma_wait3A_37 = tpu.memref_slice %arg4[%add3A] : memref<163840xi32, #tpu.memory_space<hbm>> -> memref<128xi32, #tpu.memory_space<hbm>>
          %dma_wait3A_38 = tpu.memref_slice %arg4[%add3A] : memref<163840xi32, #tpu.memory_space<hbm>> -> memref<128xi32, #tpu.memory_space<hbm>>
          tpu.wait_dma2 semaphore(%run_scoped3A : memref<!tpu.dma_semaphore, #tpu.memory_space<semaphore_mem>>) src(%dma_wait3A_38 : memref<128xi32, #tpu.memory_space<hbm>>) dst(%arg9 : memref<128xi32, #tpu.memory_space<vmem>>)
          tpu.yield
        }) : () -> ()
        "tpu.region"() ({
          %run_scoped3A = tpu.sem_alloc : memref<!tpu.dma_semaphore, #tpu.memory_space<semaphore_mem>>
          %dma_start3A_35 = tpu.memref_slice %arg5[%add3A] : memref<163840xi32, #tpu.memory_space<hbm>> -> memref<128xi32, #tpu.memory_space<hbm>>
          %dma_start3A_36 = tpu.memref_slice %arg5[%add3A] : memref<163840xi32, #tpu.memory_space<hbm>> -> memref<128xi32, #tpu.memory_space<hbm>>
          tpu.enqueue_dma source(%dma_start3A_36 : memref<128xi32, #tpu.memory_space<hbm>>) target(%arg10 : memref<128xi32, #tpu.memory_space<vmem>>) target_semaphore(%run_scoped3A : memref<!tpu.dma_semaphore, #tpu.memory_space<semaphore_mem>>)
          %dma_wait3A_37 = tpu.memref_slice %arg5[%add3A] : memref<163840xi32, #tpu.memory_space<hbm>> -> memref<128xi32, #tpu.memory_space<hbm>>
          %dma_wait3A_38 = tpu.memref_slice %arg5[%add3A] : memref<163840xi32, #tpu.memory_space<hbm>> -> memref<128xi32, #tpu.memory_space<hbm>>
          tpu.wait_dma2 semaphore(%run_scoped3A : memref<!tpu.dma_semaphore, #tpu.memory_space<semaphore_mem>>) src(%dma_wait3A_38 : memref<128xi32, #tpu.memory_space<hbm>>) dst(%arg10 : memref<128xi32, #tpu.memory_space<vmem>>)
          tpu.yield
        }) : () -> ()
        %dma_start3A = arith.constant 0 : i32
        %dma_start3A_31 = arith.constant 0 : i32
        %dma_start3A_32 = tpu.memref_slice %arg2[%dma_start3A, %dma_start3A_31] : memref<10240x128xf32, #tpu.memory_space<hbm>> -> memref<10240x128xf32, #tpu.memory_space<hbm>>
        tpu.enqueue_indirect_dma source(%dma_start3A_32 : memref<10240x128xf32, #tpu.memory_space<hbm>>) target(%arg11 : memref<128x128xf32, #tpu.memory_space<vmem>>) offsets(%arg9 : memref<128xi32, #tpu.memory_space<vmem>>) semaphore(%arg13 : memref<!tpu.dma_semaphore, #tpu.memory_space<semaphore_mem>>)
        %dma_wait3A = arith.constant 0 : i32
        %dma_wait3A_33 = arith.constant 0 : i32
        %dma_wait3A_34 = tpu.memref_slice %arg2[%dma_wait3A, %dma_wait3A_33] : memref<10240x128xf32, #tpu.memory_space<hbm>> -> memref<10240x128xf32, #tpu.memory_space<hbm>>
        tpu.wait_indirect_dma semaphore(%arg13 : memref<!tpu.dma_semaphore, #tpu.memory_space<semaphore_mem>>) src(%dma_wait3A_34 : memref<10240x128xf32, #tpu.memory_space<hbm>>) dst(%arg11 : memref<128x128xf32, #tpu.memory_space<vmem>>)
        "tpu.region"() ({
          %run_scoped3A = tpu.sem_alloc : memref<!tpu.dma_semaphore, #tpu.memory_space<semaphore_mem>>
          %dma_start3A_35 = arith.constant 0 : i32
          %dma_start3A_36 = arith.constant 0 : i32
          %dma_start3A_37 = tpu.memref_slice %arg12[%dma_start3A_35, %dma_start3A_36] : memref<10240x128xf32, #tpu.memory_space<vmem_shared>> -> memref<10240x128xf32, #tpu.memory_space<vmem_shared>>
          tpu.enqueue_indirect_dma source(%arg11 : memref<128x128xf32, #tpu.memory_space<vmem>>) target(%dma_start3A_37 : memref<10240x128xf32, #tpu.memory_space<vmem_shared>>) offsets(%arg10 : memref<128xi32, #tpu.memory_space<vmem>>) semaphore(%run_scoped3A : memref<!tpu.dma_semaphore, #tpu.memory_space<semaphore_mem>>) {add = true}
          %dma_wait3A_38 = arith.constant 0 : i32
          %dma_wait3A_39 = arith.constant 0 : i32
          %dma_wait3A_40 = tpu.memref_slice %arg12[%dma_wait3A_38, %dma_wait3A_39] : memref<10240x128xf32, #tpu.memory_space<vmem_shared>> -> memref<10240x128xf32, #tpu.memory_space<vmem_shared>>
          tpu.wait_indirect_dma semaphore(%run_scoped3A : memref<!tpu.dma_semaphore, #tpu.memory_space<semaphore_mem>>) src(%arg11 : memref<128x128xf32, #tpu.memory_space<vmem>>) dst(%dma_wait3A_40 : memref<10240x128xf32, #tpu.memory_space<vmem_shared>>)
          tpu.yield
        }) : () -> ()
      }
      %scan3A_25 = arith.constant 80 : i32
    } else {
    }
    %eq3A_5 = arith.constant 1 : i32
    %eq3A_6 = arith.cmpi eq, %arg0, %eq3A_5 : i32
    %convert_element_type3A_7 = arith.extui %eq3A_6 : i1 to i32
    %cond3A_8 = arith.constant 0 : i32
    %cond3A_9 = arith.cmpi ne, %convert_element_type3A_7, %cond3A_8 : i32
    scf.if %cond3A_9 {
      %scan3A = arith.constant 0 : i32
      %scan3A_21 = arith.constant 0 : i32
      %scan3A_22 = arith.constant 80 : i32
      %scan3A_23 = arith.addi %scan3A_21, %scan3A_22 : i32
      %scan3A_24 = arith.constant 1 : i32
      scf.for %scan3A_26 = %scan3A_21 to %scan3A_23 step %scan3A_24  : i32 {
        %mul3A_27 = arith.constant 10240 : i32
        %mul3A_28 = arith.muli %arg1, %mul3A_27 : i32
        %mul3A_29 = arith.constant 128 : i32
        %mul3A_30 = arith.muli %scan3A_26, %mul3A_29 : i32
        %add3A = arith.addi %mul3A_28, %mul3A_30 : i32
        "tpu.region"() ({
          %run_scoped3A = tpu.sem_alloc : memref<!tpu.dma_semaphore, #tpu.memory_space<semaphore_mem>>
          %dma_start3A_35 = tpu.memref_slice %arg4[%add3A] : memref<163840xi32, #tpu.memory_space<hbm>> -> memref<128xi32, #tpu.memory_space<hbm>>
          %dma_start3A_36 = tpu.memref_slice %arg4[%add3A] : memref<163840xi32, #tpu.memory_space<hbm>> -> memref<128xi32, #tpu.memory_space<hbm>>
          tpu.enqueue_dma source(%dma_start3A_36 : memref<128xi32, #tpu.memory_space<hbm>>) target(%arg9 : memref<128xi32, #tpu.memory_space<vmem>>) target_semaphore(%run_scoped3A : memref<!tpu.dma_semaphore, #tpu.memory_space<semaphore_mem>>)
          %dma_wait3A_37 = tpu.memref_slice %arg4[%add3A] : memref<163840xi32, #tpu.memory_space<hbm>> -> memref<128xi32, #tpu.memory_space<hbm>>
          %dma_wait3A_38 = tpu.memref_slice %arg4[%add3A] : memref<163840xi32, #tpu.memory_space<hbm>> -> memref<128xi32, #tpu.memory_space<hbm>>
          tpu.wait_dma2 semaphore(%run_scoped3A : memref<!tpu.dma_semaphore, #tpu.memory_space<semaphore_mem>>) src(%dma_wait3A_38 : memref<128xi32, #tpu.memory_space<hbm>>) dst(%arg9 : memref<128xi32, #tpu.memory_space<vmem>>)
          tpu.yield
        }) : () -> ()
        "tpu.region"() ({
          %run_scoped3A = tpu.sem_alloc : memref<!tpu.dma_semaphore, #tpu.memory_space<semaphore_mem>>
          %dma_start3A_35 = tpu.memref_slice %arg5[%add3A] : memref<163840xi32, #tpu.memory_space<hbm>> -> memref<128xi32, #tpu.memory_space<hbm>>
          %dma_start3A_36 = tpu.memref_slice %arg5[%add3A] : memref<163840xi32, #tpu.memory_space<hbm>> -> memref<128xi32, #tpu.memory_space<hbm>>
          tpu.enqueue_dma source(%dma_start3A_36 : memref<128xi32, #tpu.memory_space<hbm>>) target(%arg10 : memref<128xi32, #tpu.memory_space<vmem>>) target_semaphore(%run_scoped3A : memref<!tpu.dma_semaphore, #tpu.memory_space<semaphore_mem>>)
          %dma_wait3A_37 = tpu.memref_slice %arg5[%add3A] : memref<163840xi32, #tpu.memory_space<hbm>> -> memref<128xi32, #tpu.memory_space<hbm>>
          %dma_wait3A_38 = tpu.memref_slice %arg5[%add3A] : memref<163840xi32, #tpu.memory_space<hbm>> -> memref<128xi32, #tpu.memory_space<hbm>>
          tpu.wait_dma2 semaphore(%run_scoped3A : memref<!tpu.dma_semaphore, #tpu.memory_space<semaphore_mem>>) src(%dma_wait3A_38 : memref<128xi32, #tpu.memory_space<hbm>>) dst(%arg10 : memref<128xi32, #tpu.memory_space<vmem>>)
          tpu.yield
        }) : () -> ()
        %dma_start3A = arith.constant 0 : i32
        %dma_start3A_31 = arith.constant 0 : i32
        %dma_start3A_32 = tpu.memref_slice %arg3[%dma_start3A, %dma_start3A_31] : memref<10240x128xf32, #tpu.memory_space<hbm>> -> memref<10240x128xf32, #tpu.memory_space<hbm>>
        tpu.enqueue_indirect_dma source(%dma_start3A_32 : memref<10240x128xf32, #tpu.memory_space<hbm>>) target(%arg11 : memref<128x128xf32, #tpu.memory_space<vmem>>) offsets(%arg9 : memref<128xi32, #tpu.memory_space<vmem>>) semaphore(%arg13 : memref<!tpu.dma_semaphore, #tpu.memory_space<semaphore_mem>>)
        %dma_wait3A = arith.constant 0 : i32
        %dma_wait3A_33 = arith.constant 0 : i32
        %dma_wait3A_34 = tpu.memref_slice %arg3[%dma_wait3A, %dma_wait3A_33] : memref<10240x128xf32, #tpu.memory_space<hbm>> -> memref<10240x128xf32, #tpu.memory_space<hbm>>
        tpu.wait_indirect_dma semaphore(%arg13 : memref<!tpu.dma_semaphore, #tpu.memory_space<semaphore_mem>>) src(%dma_wait3A_34 : memref<10240x128xf32, #tpu.memory_space<hbm>>) dst(%arg11 : memref<128x128xf32, #tpu.memory_space<vmem>>)
        "tpu.region"() ({
          %run_scoped3A = tpu.sem_alloc : memref<!tpu.dma_semaphore, #tpu.memory_space<semaphore_mem>>
          %dma_start3A_35 = arith.constant 0 : i32
          %dma_start3A_36 = arith.constant 0 : i32
          %dma_start3A_37 = tpu.memref_slice %arg12[%dma_start3A_35, %dma_start3A_36] : memref<10240x128xf32, #tpu.memory_space<vmem_shared>> -> memref<10240x128xf32, #tpu.memory_space<vmem_shared>>
          tpu.enqueue_indirect_dma source(%arg11 : memref<128x128xf32, #tpu.memory_space<vmem>>) target(%dma_start3A_37 : memref<10240x128xf32, #tpu.memory_space<vmem_shared>>) offsets(%arg10 : memref<128xi32, #tpu.memory_space<vmem>>) semaphore(%run_scoped3A : memref<!tpu.dma_semaphore, #tpu.memory_space<semaphore_mem>>) {add = true}
          %dma_wait3A_38 = arith.constant 0 : i32
          %dma_wait3A_39 = arith.constant 0 : i32
          %dma_wait3A_40 = tpu.memref_slice %arg12[%dma_wait3A_38, %dma_wait3A_39] : memref<10240x128xf32, #tpu.memory_space<vmem_shared>> -> memref<10240x128xf32, #tpu.memory_space<vmem_shared>>
          tpu.wait_indirect_dma semaphore(%run_scoped3A : memref<!tpu.dma_semaphore, #tpu.memory_space<semaphore_mem>>) src(%arg11 : memref<128x128xf32, #tpu.memory_space<vmem>>) dst(%dma_wait3A_40 : memref<10240x128xf32, #tpu.memory_space<vmem_shared>>)
          tpu.yield
        }) : () -> ()
      }
      %scan3A_25 = arith.constant 80 : i32
    } else {
    }
    %barrier3A_10 = arith.constant 0 : index
    tpu.barrier barrier_id(%barrier3A_10)
    %eq3A_11 = arith.constant 0 : i32
    %eq3A_12 = arith.cmpi eq, %arg0, %eq3A_11 : i32
    %convert_element_type3A_13 = arith.extui %eq3A_12 : i1 to i32
    %cond3A_14 = arith.constant 0 : i32
    %cond3A_15 = arith.cmpi ne, %convert_element_type3A_13, %cond3A_14 : i32
    scf.if %cond3A_15 {
      %mul3A_21 = arith.constant 640 : i32
      %mul3A_22 = arith.muli %arg1, %mul3A_21 : i32
      %mul3A_23 = arith.constant 640 : i32
      %mul3A_24 = arith.muli %arg1, %mul3A_23 : i32
      "tpu.region"() ({
        %run_scoped3A = tpu.sem_alloc : memref<!tpu.dma_semaphore, #tpu.memory_space<semaphore_mem>>
        %dma_start3A = arith.constant 0 : i32
        %dma_start3A_25 = tpu.memref_slice %arg7[%mul3A_24, %dma_start3A] : memref<10240x128xf32, #tpu.memory_space<hbm>> -> memref<640x128xf32, #tpu.memory_space<hbm>>
        %dma_start3A_26 = arith.constant 0 : i32
        %dma_start3A_27 = tpu.memref_slice %arg12[%mul3A_22, %dma_start3A_26] : memref<10240x128xf32, #tpu.memory_space<vmem_shared>> -> memref<640x128xf32, #tpu.memory_space<vmem_shared>>
        tpu.enqueue_dma source(%dma_start3A_27 : memref<640x128xf32, #tpu.memory_space<vmem_shared>>) target(%dma_start3A_25 : memref<640x128xf32, #tpu.memory_space<hbm>>) target_semaphore(%run_scoped3A : memref<!tpu.dma_semaphore, #tpu.memory_space<semaphore_mem>>)
        %dma_wait3A = arith.constant 0 : i32
        %dma_wait3A_28 = tpu.memref_slice %arg7[%mul3A_24, %dma_wait3A] : memref<10240x128xf32, #tpu.memory_space<hbm>> -> memref<640x128xf32, #tpu.memory_space<hbm>>
        %dma_wait3A_29 = arith.constant 0 : i32
        %dma_wait3A_30 = tpu.memref_slice %arg12[%mul3A_22, %dma_wait3A_29] : memref<10240x128xf32, #tpu.memory_space<vmem_shared>> -> memref<640x128xf32, #tpu.memory_space<vmem_shared>>
        tpu.wait_dma2 semaphore(%run_scoped3A : memref<!tpu.dma_semaphore, #tpu.memory_space<semaphore_mem>>) src(%dma_wait3A_30 : memref<640x128xf32, #tpu.memory_space<vmem_shared>>) dst(%dma_wait3A_28 : memref<640x128xf32, #tpu.memory_space<hbm>>)
        tpu.yield
      }) : () -> ()
    } else {
    }
    %eq3A_16 = arith.constant 1 : i32
    %eq3A_17 = arith.cmpi eq, %arg0, %eq3A_16 : i32
    %convert_element_type3A_18 = arith.extui %eq3A_17 : i1 to i32
    %cond3A_19 = arith.constant 0 : i32
    %cond3A_20 = arith.cmpi ne, %convert_element_type3A_18, %cond3A_19 : i32
    scf.if %cond3A_20 {
      %mul3A_21 = arith.constant 640 : i32
      %mul3A_22 = arith.muli %arg1, %mul3A_21 : i32
      %mul3A_23 = arith.constant 640 : i32
      %mul3A_24 = arith.muli %arg1, %mul3A_23 : i32
      "tpu.region"() ({
        %run_scoped3A = tpu.sem_alloc : memref<!tpu.dma_semaphore, #tpu.memory_space<semaphore_mem>>
        %dma_start3A = arith.constant 0 : i32
        %dma_start3A_25 = tpu.memref_slice %arg8[%mul3A_24, %dma_start3A] : memref<10240x128xf32, #tpu.memory_space<hbm>> -> memref<640x128xf32, #tpu.memory_space<hbm>>
        %dma_start3A_26 = arith.constant 0 : i32
        %dma_start3A_27 = tpu.memref_slice %arg12[%mul3A_22, %dma_start3A_26] : memref<10240x128xf32, #tpu.memory_space<vmem_shared>> -> memref<640x128xf32, #tpu.memory_space<vmem_shared>>
        tpu.enqueue_dma source(%dma_start3A_27 : memref<640x128xf32, #tpu.memory_space<vmem_shared>>) target(%dma_start3A_25 : memref<640x128xf32, #tpu.memory_space<hbm>>) target_semaphore(%run_scoped3A : memref<!tpu.dma_semaphore, #tpu.memory_space<semaphore_mem>>)
        %dma_wait3A = arith.constant 0 : i32
        %dma_wait3A_28 = tpu.memref_slice %arg8[%mul3A_24, %dma_wait3A] : memref<10240x128xf32, #tpu.memory_space<hbm>> -> memref<640x128xf32, #tpu.memory_space<hbm>>
        %dma_wait3A_29 = arith.constant 0 : i32
        %dma_wait3A_30 = tpu.memref_slice %arg12[%mul3A_22, %dma_wait3A_29] : memref<10240x128xf32, #tpu.memory_space<vmem_shared>> -> memref<640x128xf32, #tpu.memory_space<vmem_shared>>
        tpu.wait_dma2 semaphore(%run_scoped3A : memref<!tpu.dma_semaphore, #tpu.memory_space<semaphore_mem>>) src(%dma_wait3A_30 : memref<640x128xf32, #tpu.memory_space<vmem_shared>>) dst(%dma_wait3A_28 : memref<640x128xf32, #tpu.memory_space<hbm>>)
        tpu.yield
      }) : () -> ()
    } else {
    }
    return
  }
}

#map = affine_map<(d0, d1) -> (0, 0)>
#map1 = affine_map<(d0, d1) -> (0)>
module attributes {stable_mosaic.version = 14 : i64} {
  func.func @_sc_agg_body(%arg0: i32, %arg1: i32, %arg2: memref<10240x128xf32, #tpu.memory_space<hbm>>, %arg3: memref<10240x128xf32, #tpu.memory_space<hbm>>, %arg4: memref<163840xi32, #tpu.memory_space<hbm>>, %arg5: memref<163840xi32, #tpu.memory_space<hbm>>, %arg6: memref<10240x128xf32, #tpu.memory_space<hbm>>, %arg7: memref<10240x128xf32, #tpu.memory_space<hbm>>, %arg8: memref<10240x128xf32, #tpu.memory_space<hbm>>, %arg9: memref<128xi32, #tpu.memory_space<vmem>>, %arg10: memref<128xi32, #tpu.memory_space<vmem>>, %arg11: memref<128x128xf32, #tpu.memory_space<vmem>>, %arg12: memref<10240x128xf32, #tpu.memory_space<vmem_shared>>, %arg13: memref<!tpu.dma_semaphore, #tpu.memory_space<semaphore_mem>>) attributes {dimension_semantics = [#tpu.dimension_semantics<core_parallel>, #tpu.dimension_semantics<subcore_parallel>], iteration_bounds = array<i64: 2, 16>, scalar_prefetch = 0 : i64, scratch_operands = 5 : i64, tpu.core_type = #tpu.core_type<sc_vector_subcore>, window_params = [{transform_indices = #map}, {transform_indices = #map}, {transform_indices = #map1}, {transform_indices = #map1}, {transform_indices = #map}, {transform_indices = #map}, {transform_indices = #map}]} {
    %mul3A = arith.constant 640 : i32
    %mul3A_0 = arith.muli %arg1, %mul3A : i32
    %mul3A_1 = arith.constant 640 : i32
    %mul3A_2 = arith.muli %arg1, %mul3A_1 : i32
    "tpu.region"() ({
      %run_scoped3A = tpu.sem_alloc : memref<!tpu.dma_semaphore, #tpu.memory_space<semaphore_mem>>
      %dma_start3A = arith.constant 0 : i32
      %dma_start3A_21 = tpu.memref_slice %arg12[%mul3A_2, %dma_start3A] : memref<10240x128xf32, #tpu.memory_space<vmem_shared>> -> memref<640x128xf32, #tpu.memory_space<vmem_shared>>
      %dma_start3A_22 = arith.constant 0 : i32
      %dma_start3A_23 = tpu.memref_slice %arg6[%mul3A_0, %dma_start3A_22] : memref<10240x128xf32, #tpu.memory_space<hbm>> -> memref<640x128xf32, #tpu.memory_space<hbm>>
      tpu.enqueue_dma source(%dma_start3A_23 : memref<640x128xf32, #tpu.memory_space<hbm>>) target(%dma_start3A_21 : memref<640x128xf32, #tpu.memory_space<vmem_shared>>) target_semaphore(%run_scoped3A : memref<!tpu.dma_semaphore, #tpu.memory_space<semaphore_mem>>)
      %dma_wait3A = arith.constant 0 : i32
      %dma_wait3A_24 = tpu.memref_slice %arg12[%mul3A_2, %dma_wait3A] : memref<10240x128xf32, #tpu.memory_space<vmem_shared>> -> memref<640x128xf32, #tpu.memory_space<vmem_shared>>
      %dma_wait3A_25 = arith.constant 0 : i32
      %dma_wait3A_26 = tpu.memref_slice %arg6[%mul3A_0, %dma_wait3A_25] : memref<10240x128xf32, #tpu.memory_space<hbm>> -> memref<640x128xf32, #tpu.memory_space<hbm>>
      tpu.wait_dma2 semaphore(%run_scoped3A : memref<!tpu.dma_semaphore, #tpu.memory_space<semaphore_mem>>) src(%dma_wait3A_26 : memref<640x128xf32, #tpu.memory_space<hbm>>) dst(%dma_wait3A_24 : memref<640x128xf32, #tpu.memory_space<vmem_shared>>)
      tpu.yield
    }) : () -> ()
    %barrier3A = arith.constant 0 : index
    tpu.barrier barrier_id(%barrier3A)
    %eq3A = arith.constant 0 : i32
    %eq3A_3 = arith.cmpi eq, %arg0, %eq3A : i32
    %convert_element_type3A = arith.extui %eq3A_3 : i1 to i32
    %cond3A = arith.constant 0 : i32
    %cond3A_4 = arith.cmpi ne, %convert_element_type3A, %cond3A : i32
    scf.if %cond3A_4 {
      %scan3A = arith.constant 0 : i32
      %scan3A_21 = arith.constant 0 : i32
      %scan3A_22 = arith.constant 80 : i32
      %scan3A_23 = arith.addi %scan3A_21, %scan3A_22 : i32
      %scan3A_24 = arith.constant 1 : i32
      scf.for %scan3A_26 = %scan3A_21 to %scan3A_23 step %scan3A_24  : i32 {
        %mul3A_27 = arith.constant 10240 : i32
        %mul3A_28 = arith.muli %arg1, %mul3A_27 : i32
        %mul3A_29 = arith.constant 128 : i32
        %mul3A_30 = arith.muli %scan3A_26, %mul3A_29 : i32
        %add3A = arith.addi %mul3A_28, %mul3A_30 : i32
        "tpu.region"() ({
          %run_scoped3A = tpu.sem_alloc : memref<!tpu.dma_semaphore, #tpu.memory_space<semaphore_mem>>
          %dma_start3A_35 = tpu.memref_slice %arg4[%add3A] : memref<163840xi32, #tpu.memory_space<hbm>> -> memref<128xi32, #tpu.memory_space<hbm>>
          %dma_start3A_36 = tpu.memref_slice %arg4[%add3A] : memref<163840xi32, #tpu.memory_space<hbm>> -> memref<128xi32, #tpu.memory_space<hbm>>
          tpu.enqueue_dma source(%dma_start3A_36 : memref<128xi32, #tpu.memory_space<hbm>>) target(%arg9 : memref<128xi32, #tpu.memory_space<vmem>>) target_semaphore(%run_scoped3A : memref<!tpu.dma_semaphore, #tpu.memory_space<semaphore_mem>>)
          %dma_wait3A_37 = tpu.memref_slice %arg4[%add3A] : memref<163840xi32, #tpu.memory_space<hbm>> -> memref<128xi32, #tpu.memory_space<hbm>>
          %dma_wait3A_38 = tpu.memref_slice %arg4[%add3A] : memref<163840xi32, #tpu.memory_space<hbm>> -> memref<128xi32, #tpu.memory_space<hbm>>
          tpu.wait_dma2 semaphore(%run_scoped3A : memref<!tpu.dma_semaphore, #tpu.memory_space<semaphore_mem>>) src(%dma_wait3A_38 : memref<128xi32, #tpu.memory_space<hbm>>) dst(%arg9 : memref<128xi32, #tpu.memory_space<vmem>>)
          tpu.yield
        }) : () -> ()
        "tpu.region"() ({
          %run_scoped3A = tpu.sem_alloc : memref<!tpu.dma_semaphore, #tpu.memory_space<semaphore_mem>>
          %dma_start3A_35 = tpu.memref_slice %arg5[%add3A] : memref<163840xi32, #tpu.memory_space<hbm>> -> memref<128xi32, #tpu.memory_space<hbm>>
          %dma_start3A_36 = tpu.memref_slice %arg5[%add3A] : memref<163840xi32, #tpu.memory_space<hbm>> -> memref<128xi32, #tpu.memory_space<hbm>>
          tpu.enqueue_dma source(%dma_start3A_36 : memref<128xi32, #tpu.memory_space<hbm>>) target(%arg10 : memref<128xi32, #tpu.memory_space<vmem>>) target_semaphore(%run_scoped3A : memref<!tpu.dma_semaphore, #tpu.memory_space<semaphore_mem>>)
          %dma_wait3A_37 = tpu.memref_slice %arg5[%add3A] : memref<163840xi32, #tpu.memory_space<hbm>> -> memref<128xi32, #tpu.memory_space<hbm>>
          %dma_wait3A_38 = tpu.memref_slice %arg5[%add3A] : memref<163840xi32, #tpu.memory_space<hbm>> -> memref<128xi32, #tpu.memory_space<hbm>>
          tpu.wait_dma2 semaphore(%run_scoped3A : memref<!tpu.dma_semaphore, #tpu.memory_space<semaphore_mem>>) src(%dma_wait3A_38 : memref<128xi32, #tpu.memory_space<hbm>>) dst(%arg10 : memref<128xi32, #tpu.memory_space<vmem>>)
          tpu.yield
        }) : () -> ()
        %dma_start3A = arith.constant 0 : i32
        %dma_start3A_31 = arith.constant 0 : i32
        %dma_start3A_32 = tpu.memref_slice %arg2[%dma_start3A, %dma_start3A_31] : memref<10240x128xf32, #tpu.memory_space<hbm>> -> memref<10240x128xf32, #tpu.memory_space<hbm>>
        tpu.enqueue_indirect_dma source(%dma_start3A_32 : memref<10240x128xf32, #tpu.memory_space<hbm>>) target(%arg11 : memref<128x128xf32, #tpu.memory_space<vmem>>) offsets(%arg9 : memref<128xi32, #tpu.memory_space<vmem>>) semaphore(%arg13 : memref<!tpu.dma_semaphore, #tpu.memory_space<semaphore_mem>>)
        %dma_wait3A = arith.constant 0 : i32
        %dma_wait3A_33 = arith.constant 0 : i32
        %dma_wait3A_34 = tpu.memref_slice %arg2[%dma_wait3A, %dma_wait3A_33] : memref<10240x128xf32, #tpu.memory_space<hbm>> -> memref<10240x128xf32, #tpu.memory_space<hbm>>
        tpu.wait_indirect_dma semaphore(%arg13 : memref<!tpu.dma_semaphore, #tpu.memory_space<semaphore_mem>>) src(%dma_wait3A_34 : memref<10240x128xf32, #tpu.memory_space<hbm>>) dst(%arg11 : memref<128x128xf32, #tpu.memory_space<vmem>>)
        "tpu.region"() ({
          %run_scoped3A = tpu.sem_alloc : memref<!tpu.dma_semaphore, #tpu.memory_space<semaphore_mem>>
          %dma_start3A_35 = arith.constant 0 : i32
          %dma_start3A_36 = arith.constant 0 : i32
          %dma_start3A_37 = tpu.memref_slice %arg12[%dma_start3A_35, %dma_start3A_36] : memref<10240x128xf32, #tpu.memory_space<vmem_shared>> -> memref<10240x128xf32, #tpu.memory_space<vmem_shared>>
          tpu.enqueue_indirect_dma source(%arg11 : memref<128x128xf32, #tpu.memory_space<vmem>>) target(%dma_start3A_37 : memref<10240x128xf32, #tpu.memory_space<vmem_shared>>) offsets(%arg10 : memref<128xi32, #tpu.memory_space<vmem>>) semaphore(%run_scoped3A : memref<!tpu.dma_semaphore, #tpu.memory_space<semaphore_mem>>) {add = true}
          %dma_wait3A_38 = arith.constant 0 : i32
          %dma_wait3A_39 = arith.constant 0 : i32
          %dma_wait3A_40 = tpu.memref_slice %arg12[%dma_wait3A_38, %dma_wait3A_39] : memref<10240x128xf32, #tpu.memory_space<vmem_shared>> -> memref<10240x128xf32, #tpu.memory_space<vmem_shared>>
          tpu.wait_indirect_dma semaphore(%run_scoped3A : memref<!tpu.dma_semaphore, #tpu.memory_space<semaphore_mem>>) src(%arg11 : memref<128x128xf32, #tpu.memory_space<vmem>>) dst(%dma_wait3A_40 : memref<10240x128xf32, #tpu.memory_space<vmem_shared>>)
          tpu.yield
        }) : () -> ()
      }
      %scan3A_25 = arith.constant 80 : i32
    } else {
    }
    %eq3A_5 = arith.constant 1 : i32
    %eq3A_6 = arith.cmpi eq, %arg0, %eq3A_5 : i32
    %convert_element_type3A_7 = arith.extui %eq3A_6 : i1 to i32
    %cond3A_8 = arith.constant 0 : i32
    %cond3A_9 = arith.cmpi ne, %convert_element_type3A_7, %cond3A_8 : i32
    scf.if %cond3A_9 {
      %scan3A = arith.constant 0 : i32
      %scan3A_21 = arith.constant 0 : i32
      %scan3A_22 = arith.constant 80 : i32
      %scan3A_23 = arith.addi %scan3A_21, %scan3A_22 : i32
      %scan3A_24 = arith.constant 1 : i32
      scf.for %scan3A_26 = %scan3A_21 to %scan3A_23 step %scan3A_24  : i32 {
        %mul3A_27 = arith.constant 10240 : i32
        %mul3A_28 = arith.muli %arg1, %mul3A_27 : i32
        %mul3A_29 = arith.constant 128 : i32
        %mul3A_30 = arith.muli %scan3A_26, %mul3A_29 : i32
        %add3A = arith.addi %mul3A_28, %mul3A_30 : i32
        "tpu.region"() ({
          %run_scoped3A = tpu.sem_alloc : memref<!tpu.dma_semaphore, #tpu.memory_space<semaphore_mem>>
          %dma_start3A_35 = tpu.memref_slice %arg4[%add3A] : memref<163840xi32, #tpu.memory_space<hbm>> -> memref<128xi32, #tpu.memory_space<hbm>>
          %dma_start3A_36 = tpu.memref_slice %arg4[%add3A] : memref<163840xi32, #tpu.memory_space<hbm>> -> memref<128xi32, #tpu.memory_space<hbm>>
          tpu.enqueue_dma source(%dma_start3A_36 : memref<128xi32, #tpu.memory_space<hbm>>) target(%arg9 : memref<128xi32, #tpu.memory_space<vmem>>) target_semaphore(%run_scoped3A : memref<!tpu.dma_semaphore, #tpu.memory_space<semaphore_mem>>)
          %dma_wait3A_37 = tpu.memref_slice %arg4[%add3A] : memref<163840xi32, #tpu.memory_space<hbm>> -> memref<128xi32, #tpu.memory_space<hbm>>
          %dma_wait3A_38 = tpu.memref_slice %arg4[%add3A] : memref<163840xi32, #tpu.memory_space<hbm>> -> memref<128xi32, #tpu.memory_space<hbm>>
          tpu.wait_dma2 semaphore(%run_scoped3A : memref<!tpu.dma_semaphore, #tpu.memory_space<semaphore_mem>>) src(%dma_wait3A_38 : memref<128xi32, #tpu.memory_space<hbm>>) dst(%arg9 : memref<128xi32, #tpu.memory_space<vmem>>)
          tpu.yield
        }) : () -> ()
        "tpu.region"() ({
          %run_scoped3A = tpu.sem_alloc : memref<!tpu.dma_semaphore, #tpu.memory_space<semaphore_mem>>
          %dma_start3A_35 = tpu.memref_slice %arg5[%add3A] : memref<163840xi32, #tpu.memory_space<hbm>> -> memref<128xi32, #tpu.memory_space<hbm>>
          %dma_start3A_36 = tpu.memref_slice %arg5[%add3A] : memref<163840xi32, #tpu.memory_space<hbm>> -> memref<128xi32, #tpu.memory_space<hbm>>
          tpu.enqueue_dma source(%dma_start3A_36 : memref<128xi32, #tpu.memory_space<hbm>>) target(%arg10 : memref<128xi32, #tpu.memory_space<vmem>>) target_semaphore(%run_scoped3A : memref<!tpu.dma_semaphore, #tpu.memory_space<semaphore_mem>>)
          %dma_wait3A_37 = tpu.memref_slice %arg5[%add3A] : memref<163840xi32, #tpu.memory_space<hbm>> -> memref<128xi32, #tpu.memory_space<hbm>>
          %dma_wait3A_38 = tpu.memref_slice %arg5[%add3A] : memref<163840xi32, #tpu.memory_space<hbm>> -> memref<128xi32, #tpu.memory_space<hbm>>
          tpu.wait_dma2 semaphore(%run_scoped3A : memref<!tpu.dma_semaphore, #tpu.memory_space<semaphore_mem>>) src(%dma_wait3A_38 : memref<128xi32, #tpu.memory_space<hbm>>) dst(%arg10 : memref<128xi32, #tpu.memory_space<vmem>>)
          tpu.yield
        }) : () -> ()
        %dma_start3A = arith.constant 0 : i32
        %dma_start3A_31 = arith.constant 0 : i32
        %dma_start3A_32 = tpu.memref_slice %arg3[%dma_start3A, %dma_start3A_31] : memref<10240x128xf32, #tpu.memory_space<hbm>> -> memref<10240x128xf32, #tpu.memory_space<hbm>>
        tpu.enqueue_indirect_dma source(%dma_start3A_32 : memref<10240x128xf32, #tpu.memory_space<hbm>>) target(%arg11 : memref<128x128xf32, #tpu.memory_space<vmem>>) offsets(%arg9 : memref<128xi32, #tpu.memory_space<vmem>>) semaphore(%arg13 : memref<!tpu.dma_semaphore, #tpu.memory_space<semaphore_mem>>)
        %dma_wait3A = arith.constant 0 : i32
        %dma_wait3A_33 = arith.constant 0 : i32
        %dma_wait3A_34 = tpu.memref_slice %arg3[%dma_wait3A, %dma_wait3A_33] : memref<10240x128xf32, #tpu.memory_space<hbm>> -> memref<10240x128xf32, #tpu.memory_space<hbm>>
        tpu.wait_indirect_dma semaphore(%arg13 : memref<!tpu.dma_semaphore, #tpu.memory_space<semaphore_mem>>) src(%dma_wait3A_34 : memref<10240x128xf32, #tpu.memory_space<hbm>>) dst(%arg11 : memref<128x128xf32, #tpu.memory_space<vmem>>)
        "tpu.region"() ({
          %run_scoped3A = tpu.sem_alloc : memref<!tpu.dma_semaphore, #tpu.memory_space<semaphore_mem>>
          %dma_start3A_35 = arith.constant 0 : i32
          %dma_start3A_36 = arith.constant 0 : i32
          %dma_start3A_37 = tpu.memref_slice %arg12[%dma_start3A_35, %dma_start3A_36] : memref<10240x128xf32, #tpu.memory_space<vmem_shared>> -> memref<10240x128xf32, #tpu.memory_space<vmem_shared>>
          tpu.enqueue_indirect_dma source(%arg11 : memref<128x128xf32, #tpu.memory_space<vmem>>) target(%dma_start3A_37 : memref<10240x128xf32, #tpu.memory_space<vmem_shared>>) offsets(%arg10 : memref<128xi32, #tpu.memory_space<vmem>>) semaphore(%run_scoped3A : memref<!tpu.dma_semaphore, #tpu.memory_space<semaphore_mem>>) {add = true}
          %dma_wait3A_38 = arith.constant 0 : i32
          %dma_wait3A_39 = arith.constant 0 : i32
          %dma_wait3A_40 = tpu.memref_slice %arg12[%dma_wait3A_38, %dma_wait3A_39] : memref<10240x128xf32, #tpu.memory_space<vmem_shared>> -> memref<10240x128xf32, #tpu.memory_space<vmem_shared>>
          tpu.wait_indirect_dma semaphore(%run_scoped3A : memref<!tpu.dma_semaphore, #tpu.memory_space<semaphore_mem>>) src(%arg11 : memref<128x128xf32, #tpu.memory_space<vmem>>) dst(%dma_wait3A_40 : memref<10240x128xf32, #tpu.memory_space<vmem_shared>>)
          tpu.yield
        }) : () -> ()
      }
      %scan3A_25 = arith.constant 80 : i32
    } else {
    }
    %barrier3A_10 = arith.constant 0 : index
    tpu.barrier barrier_id(%barrier3A_10)
    %eq3A_11 = arith.constant 0 : i32
    %eq3A_12 = arith.cmpi eq, %arg0, %eq3A_11 : i32
    %convert_element_type3A_13 = arith.extui %eq3A_12 : i1 to i32
    %cond3A_14 = arith.constant 0 : i32
    %cond3A_15 = arith.cmpi ne, %convert_element_type3A_13, %cond3A_14 : i32
    scf.if %cond3A_15 {
      %mul3A_21 = arith.constant 640 : i32
      %mul3A_22 = arith.muli %arg1, %mul3A_21 : i32
      %mul3A_23 = arith.constant 640 : i32
      %mul3A_24 = arith.muli %arg1, %mul3A_23 : i32
      "tpu.region"() ({
        %run_scoped3A = tpu.sem_alloc : memref<!tpu.dma_semaphore, #tpu.memory_space<semaphore_mem>>
        %dma_start3A = arith.constant 0 : i32
        %dma_start3A_25 = tpu.memref_slice %arg7[%mul3A_24, %dma_start3A] : memref<10240x128xf32, #tpu.memory_space<hbm>> -> memref<640x128xf32, #tpu.memory_space<hbm>>
        %dma_start3A_26 = arith.constant 0 : i32
        %dma_start3A_27 = tpu.memref_slice %arg12[%mul3A_22, %dma_start3A_26] : memref<10240x128xf32, #tpu.memory_space<vmem_shared>> -> memref<640x128xf32, #tpu.memory_space<vmem_shared>>
        tpu.enqueue_dma source(%dma_start3A_27 : memref<640x128xf32, #tpu.memory_space<vmem_shared>>) target(%dma_start3A_25 : memref<640x128xf32, #tpu.memory_space<hbm>>) target_semaphore(%run_scoped3A : memref<!tpu.dma_semaphore, #tpu.memory_space<semaphore_mem>>)
        %dma_wait3A = arith.constant 0 : i32
        %dma_wait3A_28 = tpu.memref_slice %arg7[%mul3A_24, %dma_wait3A] : memref<10240x128xf32, #tpu.memory_space<hbm>> -> memref<640x128xf32, #tpu.memory_space<hbm>>
        %dma_wait3A_29 = arith.constant 0 : i32
        %dma_wait3A_30 = tpu.memref_slice %arg12[%mul3A_22, %dma_wait3A_29] : memref<10240x128xf32, #tpu.memory_space<vmem_shared>> -> memref<640x128xf32, #tpu.memory_space<vmem_shared>>
        tpu.wait_dma2 semaphore(%run_scoped3A : memref<!tpu.dma_semaphore, #tpu.memory_space<semaphore_mem>>) src(%dma_wait3A_30 : memref<640x128xf32, #tpu.memory_space<vmem_shared>>) dst(%dma_wait3A_28 : memref<640x128xf32, #tpu.memory_space<hbm>>)
        tpu.yield
      }) : () -> ()
    } else {
    }
    %eq3A_16 = arith.constant 1 : i32
    %eq3A_17 = arith.cmpi eq, %arg0, %eq3A_16 : i32
    %convert_element_type3A_18 = arith.extui %eq3A_17 : i1 to i32
    %cond3A_19 = arith.constant 0 : i32
    %cond3A_20 = arith.cmpi ne, %convert_element_type3A_18, %cond3A_19 : i32
    scf.if %cond3A_20 {
      %mul3A_21 = arith.constant 640 : i32
      %mul3A_22 = arith.muli %arg1, %mul3A_21 : i32
      %mul3A_23 = arith.constant 640 : i32
      %mul3A_24 = arith.muli %arg1, %mul3A_23 : i32
      "tpu.region"() ({
        %run_scoped3A = tpu.sem_alloc : memref<!tpu.dma_semaphore, #tpu.memory_space<semaphore_mem>>
        %dma_start3A = arith.constant 0 : i32
        %dma_start3A_25 = tpu.memref_slice %arg8[%mul3A_24, %dma_start3A] : memref<10240x128xf32, #tpu.memory_space<hbm>> -> memref<640x128xf32, #tpu.memory_space<hbm>>
        %dma_start3A_26 = arith.constant 0 : i32
        %dma_start3A_27 = tpu.memref_slice %arg12[%mul3A_22, %dma_start3A_26] : memref<10240x128xf32, #tpu.memory_space<vmem_shared>> -> memref<640x128xf32, #tpu.memory_space<vmem_shared>>
        tpu.enqueue_dma source(%dma_start3A_27 : memref<640x128xf32, #tpu.memory_space<vmem_shared>>) target(%dma_start3A_25 : memref<640x128xf32, #tpu.memory_space<hbm>>) target_semaphore(%run_scoped3A : memref<!tpu.dma_semaphore, #tpu.memory_space<semaphore_mem>>)
        %dma_wait3A = arith.constant 0 : i32
        %dma_wait3A_28 = tpu.memref_slice %arg8[%mul3A_24, %dma_wait3A] : memref<10240x128xf32, #tpu.memory_space<hbm>> -> memref<640x128xf32, #tpu.memory_space<hbm>>
        %dma_wait3A_29 = arith.constant 0 : i32
        %dma_wait3A_30 = tpu.memref_slice %arg12[%mul3A_22, %dma_wait3A_29] : memref<10240x128xf32, #tpu.memory_space<vmem_shared>> -> memref<640x128xf32, #tpu.memory_space<vmem_shared>>
        tpu.wait_dma2 semaphore(%run_scoped3A : memref<!tpu.dma_semaphore, #tpu.memory_space<semaphore_mem>>) src(%dma_wait3A_30 : memref<640x128xf32, #tpu.memory_space<vmem_shared>>) dst(%dma_wait3A_28 : memref<640x128xf32, #tpu.memory_space<hbm>>)
        tpu.yield
      }) : () -> ()
    } else {
    }
    return
  }
}

#map = affine_map<(d0, d1) -> (0, 0)>
#map1 = affine_map<(d0, d1) -> (0)>
module attributes {stable_mosaic.version = 14 : i64} {
  func.func @_sc_agg_body(%arg0: i32, %arg1: i32, %arg2: memref<10240x128xf32, #tpu.memory_space<hbm>>, %arg3: memref<10240x128xf32, #tpu.memory_space<hbm>>, %arg4: memref<163840xi32, #tpu.memory_space<hbm>>, %arg5: memref<163840xi32, #tpu.memory_space<hbm>>, %arg6: memref<10240x128xf32, #tpu.memory_space<hbm>>, %arg7: memref<10240x128xf32, #tpu.memory_space<hbm>>, %arg8: memref<10240x128xf32, #tpu.memory_space<hbm>>, %arg9: memref<128xi32, #tpu.memory_space<vmem>>, %arg10: memref<128xi32, #tpu.memory_space<vmem>>, %arg11: memref<128x128xf32, #tpu.memory_space<vmem>>, %arg12: memref<10240x128xf32, #tpu.memory_space<vmem_shared>>, %arg13: memref<!tpu.dma_semaphore, #tpu.memory_space<semaphore_mem>>) attributes {dimension_semantics = [#tpu.dimension_semantics<core_parallel>, #tpu.dimension_semantics<subcore_parallel>], iteration_bounds = array<i64: 2, 16>, scalar_prefetch = 0 : i64, scratch_operands = 5 : i64, tpu.core_type = #tpu.core_type<sc_vector_subcore>, window_params = [{transform_indices = #map}, {transform_indices = #map}, {transform_indices = #map1}, {transform_indices = #map1}, {transform_indices = #map}, {transform_indices = #map}, {transform_indices = #map}]} {
    %mul3A = arith.constant 640 : i32
    %mul3A_0 = arith.muli %arg1, %mul3A : i32
    %mul3A_1 = arith.constant 640 : i32
    %mul3A_2 = arith.muli %arg1, %mul3A_1 : i32
    "tpu.region"() ({
      %run_scoped3A = tpu.sem_alloc : memref<!tpu.dma_semaphore, #tpu.memory_space<semaphore_mem>>
      %dma_start3A = arith.constant 0 : i32
      %dma_start3A_21 = tpu.memref_slice %arg12[%mul3A_2, %dma_start3A] : memref<10240x128xf32, #tpu.memory_space<vmem_shared>> -> memref<640x128xf32, #tpu.memory_space<vmem_shared>>
      %dma_start3A_22 = arith.constant 0 : i32
      %dma_start3A_23 = tpu.memref_slice %arg6[%mul3A_0, %dma_start3A_22] : memref<10240x128xf32, #tpu.memory_space<hbm>> -> memref<640x128xf32, #tpu.memory_space<hbm>>
      tpu.enqueue_dma source(%dma_start3A_23 : memref<640x128xf32, #tpu.memory_space<hbm>>) target(%dma_start3A_21 : memref<640x128xf32, #tpu.memory_space<vmem_shared>>) target_semaphore(%run_scoped3A : memref<!tpu.dma_semaphore, #tpu.memory_space<semaphore_mem>>)
      %dma_wait3A = arith.constant 0 : i32
      %dma_wait3A_24 = tpu.memref_slice %arg12[%mul3A_2, %dma_wait3A] : memref<10240x128xf32, #tpu.memory_space<vmem_shared>> -> memref<640x128xf32, #tpu.memory_space<vmem_shared>>
      %dma_wait3A_25 = arith.constant 0 : i32
      %dma_wait3A_26 = tpu.memref_slice %arg6[%mul3A_0, %dma_wait3A_25] : memref<10240x128xf32, #tpu.memory_space<hbm>> -> memref<640x128xf32, #tpu.memory_space<hbm>>
      tpu.wait_dma2 semaphore(%run_scoped3A : memref<!tpu.dma_semaphore, #tpu.memory_space<semaphore_mem>>) src(%dma_wait3A_26 : memref<640x128xf32, #tpu.memory_space<hbm>>) dst(%dma_wait3A_24 : memref<640x128xf32, #tpu.memory_space<vmem_shared>>)
      tpu.yield
    }) : () -> ()
    %barrier3A = arith.constant 0 : index
    tpu.barrier barrier_id(%barrier3A)
    %eq3A = arith.constant 0 : i32
    %eq3A_3 = arith.cmpi eq, %arg0, %eq3A : i32
    %convert_element_type3A = arith.extui %eq3A_3 : i1 to i32
    %cond3A = arith.constant 0 : i32
    %cond3A_4 = arith.cmpi ne, %convert_element_type3A, %cond3A : i32
    scf.if %cond3A_4 {
      %scan3A = arith.constant 0 : i32
      %scan3A_21 = arith.constant 0 : i32
      %scan3A_22 = arith.constant 80 : i32
      %scan3A_23 = arith.addi %scan3A_21, %scan3A_22 : i32
      %scan3A_24 = arith.constant 1 : i32
      scf.for %scan3A_26 = %scan3A_21 to %scan3A_23 step %scan3A_24  : i32 {
        %mul3A_27 = arith.constant 10240 : i32
        %mul3A_28 = arith.muli %arg1, %mul3A_27 : i32
        %mul3A_29 = arith.constant 128 : i32
        %mul3A_30 = arith.muli %scan3A_26, %mul3A_29 : i32
        %add3A = arith.addi %mul3A_28, %mul3A_30 : i32
        "tpu.region"() ({
          %run_scoped3A = tpu.sem_alloc : memref<!tpu.dma_semaphore, #tpu.memory_space<semaphore_mem>>
          %dma_start3A_35 = tpu.memref_slice %arg4[%add3A] : memref<163840xi32, #tpu.memory_space<hbm>> -> memref<128xi32, #tpu.memory_space<hbm>>
          %dma_start3A_36 = tpu.memref_slice %arg4[%add3A] : memref<163840xi32, #tpu.memory_space<hbm>> -> memref<128xi32, #tpu.memory_space<hbm>>
          tpu.enqueue_dma source(%dma_start3A_36 : memref<128xi32, #tpu.memory_space<hbm>>) target(%arg9 : memref<128xi32, #tpu.memory_space<vmem>>) target_semaphore(%run_scoped3A : memref<!tpu.dma_semaphore, #tpu.memory_space<semaphore_mem>>)
          %dma_wait3A_37 = tpu.memref_slice %arg4[%add3A] : memref<163840xi32, #tpu.memory_space<hbm>> -> memref<128xi32, #tpu.memory_space<hbm>>
          %dma_wait3A_38 = tpu.memref_slice %arg4[%add3A] : memref<163840xi32, #tpu.memory_space<hbm>> -> memref<128xi32, #tpu.memory_space<hbm>>
          tpu.wait_dma2 semaphore(%run_scoped3A : memref<!tpu.dma_semaphore, #tpu.memory_space<semaphore_mem>>) src(%dma_wait3A_38 : memref<128xi32, #tpu.memory_space<hbm>>) dst(%arg9 : memref<128xi32, #tpu.memory_space<vmem>>)
          tpu.yield
        }) : () -> ()
        "tpu.region"() ({
          %run_scoped3A = tpu.sem_alloc : memref<!tpu.dma_semaphore, #tpu.memory_space<semaphore_mem>>
          %dma_start3A_35 = tpu.memref_slice %arg5[%add3A] : memref<163840xi32, #tpu.memory_space<hbm>> -> memref<128xi32, #tpu.memory_space<hbm>>
          %dma_start3A_36 = tpu.memref_slice %arg5[%add3A] : memref<163840xi32, #tpu.memory_space<hbm>> -> memref<128xi32, #tpu.memory_space<hbm>>
          tpu.enqueue_dma source(%dma_start3A_36 : memref<128xi32, #tpu.memory_space<hbm>>) target(%arg10 : memref<128xi32, #tpu.memory_space<vmem>>) target_semaphore(%run_scoped3A : memref<!tpu.dma_semaphore, #tpu.memory_space<semaphore_mem>>)
          %dma_wait3A_37 = tpu.memref_slice %arg5[%add3A] : memref<163840xi32, #tpu.memory_space<hbm>> -> memref<128xi32, #tpu.memory_space<hbm>>
          %dma_wait3A_38 = tpu.memref_slice %arg5[%add3A] : memref<163840xi32, #tpu.memory_space<hbm>> -> memref<128xi32, #tpu.memory_space<hbm>>
          tpu.wait_dma2 semaphore(%run_scoped3A : memref<!tpu.dma_semaphore, #tpu.memory_space<semaphore_mem>>) src(%dma_wait3A_38 : memref<128xi32, #tpu.memory_space<hbm>>) dst(%arg10 : memref<128xi32, #tpu.memory_space<vmem>>)
          tpu.yield
        }) : () -> ()
        %dma_start3A = arith.constant 0 : i32
        %dma_start3A_31 = arith.constant 0 : i32
        %dma_start3A_32 = tpu.memref_slice %arg2[%dma_start3A, %dma_start3A_31] : memref<10240x128xf32, #tpu.memory_space<hbm>> -> memref<10240x128xf32, #tpu.memory_space<hbm>>
        tpu.enqueue_indirect_dma source(%dma_start3A_32 : memref<10240x128xf32, #tpu.memory_space<hbm>>) target(%arg11 : memref<128x128xf32, #tpu.memory_space<vmem>>) offsets(%arg9 : memref<128xi32, #tpu.memory_space<vmem>>) semaphore(%arg13 : memref<!tpu.dma_semaphore, #tpu.memory_space<semaphore_mem>>)
        %dma_wait3A = arith.constant 0 : i32
        %dma_wait3A_33 = arith.constant 0 : i32
        %dma_wait3A_34 = tpu.memref_slice %arg2[%dma_wait3A, %dma_wait3A_33] : memref<10240x128xf32, #tpu.memory_space<hbm>> -> memref<10240x128xf32, #tpu.memory_space<hbm>>
        tpu.wait_indirect_dma semaphore(%arg13 : memref<!tpu.dma_semaphore, #tpu.memory_space<semaphore_mem>>) src(%dma_wait3A_34 : memref<10240x128xf32, #tpu.memory_space<hbm>>) dst(%arg11 : memref<128x128xf32, #tpu.memory_space<vmem>>)
        "tpu.region"() ({
          %run_scoped3A = tpu.sem_alloc : memref<!tpu.dma_semaphore, #tpu.memory_space<semaphore_mem>>
          %dma_start3A_35 = arith.constant 0 : i32
          %dma_start3A_36 = arith.constant 0 : i32
          %dma_start3A_37 = tpu.memref_slice %arg12[%dma_start3A_35, %dma_start3A_36] : memref<10240x128xf32, #tpu.memory_space<vmem_shared>> -> memref<10240x128xf32, #tpu.memory_space<vmem_shared>>
          tpu.enqueue_indirect_dma source(%arg11 : memref<128x128xf32, #tpu.memory_space<vmem>>) target(%dma_start3A_37 : memref<10240x128xf32, #tpu.memory_space<vmem_shared>>) offsets(%arg10 : memref<128xi32, #tpu.memory_space<vmem>>) semaphore(%run_scoped3A : memref<!tpu.dma_semaphore, #tpu.memory_space<semaphore_mem>>) {add = true}
          %dma_wait3A_38 = arith.constant 0 : i32
          %dma_wait3A_39 = arith.constant 0 : i32
          %dma_wait3A_40 = tpu.memref_slice %arg12[%dma_wait3A_38, %dma_wait3A_39] : memref<10240x128xf32, #tpu.memory_space<vmem_shared>> -> memref<10240x128xf32, #tpu.memory_space<vmem_shared>>
          tpu.wait_indirect_dma semaphore(%run_scoped3A : memref<!tpu.dma_semaphore, #tpu.memory_space<semaphore_mem>>) src(%arg11 : memref<128x128xf32, #tpu.memory_space<vmem>>) dst(%dma_wait3A_40 : memref<10240x128xf32, #tpu.memory_space<vmem_shared>>)
          tpu.yield
        }) : () -> ()
      }
      %scan3A_25 = arith.constant 80 : i32
    } else {
    }
    %eq3A_5 = arith.constant 1 : i32
    %eq3A_6 = arith.cmpi eq, %arg0, %eq3A_5 : i32
    %convert_element_type3A_7 = arith.extui %eq3A_6 : i1 to i32
    %cond3A_8 = arith.constant 0 : i32
    %cond3A_9 = arith.cmpi ne, %convert_element_type3A_7, %cond3A_8 : i32
    scf.if %cond3A_9 {
      %scan3A = arith.constant 0 : i32
      %scan3A_21 = arith.constant 0 : i32
      %scan3A_22 = arith.constant 80 : i32
      %scan3A_23 = arith.addi %scan3A_21, %scan3A_22 : i32
      %scan3A_24 = arith.constant 1 : i32
      scf.for %scan3A_26 = %scan3A_21 to %scan3A_23 step %scan3A_24  : i32 {
        %mul3A_27 = arith.constant 10240 : i32
        %mul3A_28 = arith.muli %arg1, %mul3A_27 : i32
        %mul3A_29 = arith.constant 128 : i32
        %mul3A_30 = arith.muli %scan3A_26, %mul3A_29 : i32
        %add3A = arith.addi %mul3A_28, %mul3A_30 : i32
        "tpu.region"() ({
          %run_scoped3A = tpu.sem_alloc : memref<!tpu.dma_semaphore, #tpu.memory_space<semaphore_mem>>
          %dma_start3A_35 = tpu.memref_slice %arg4[%add3A] : memref<163840xi32, #tpu.memory_space<hbm>> -> memref<128xi32, #tpu.memory_space<hbm>>
          %dma_start3A_36 = tpu.memref_slice %arg4[%add3A] : memref<163840xi32, #tpu.memory_space<hbm>> -> memref<128xi32, #tpu.memory_space<hbm>>
          tpu.enqueue_dma source(%dma_start3A_36 : memref<128xi32, #tpu.memory_space<hbm>>) target(%arg9 : memref<128xi32, #tpu.memory_space<vmem>>) target_semaphore(%run_scoped3A : memref<!tpu.dma_semaphore, #tpu.memory_space<semaphore_mem>>)
          %dma_wait3A_37 = tpu.memref_slice %arg4[%add3A] : memref<163840xi32, #tpu.memory_space<hbm>> -> memref<128xi32, #tpu.memory_space<hbm>>
          %dma_wait3A_38 = tpu.memref_slice %arg4[%add3A] : memref<163840xi32, #tpu.memory_space<hbm>> -> memref<128xi32, #tpu.memory_space<hbm>>
          tpu.wait_dma2 semaphore(%run_scoped3A : memref<!tpu.dma_semaphore, #tpu.memory_space<semaphore_mem>>) src(%dma_wait3A_38 : memref<128xi32, #tpu.memory_space<hbm>>) dst(%arg9 : memref<128xi32, #tpu.memory_space<vmem>>)
          tpu.yield
        }) : () -> ()
        "tpu.region"() ({
          %run_scoped3A = tpu.sem_alloc : memref<!tpu.dma_semaphore, #tpu.memory_space<semaphore_mem>>
          %dma_start3A_35 = tpu.memref_slice %arg5[%add3A] : memref<163840xi32, #tpu.memory_space<hbm>> -> memref<128xi32, #tpu.memory_space<hbm>>
          %dma_start3A_36 = tpu.memref_slice %arg5[%add3A] : memref<163840xi32, #tpu.memory_space<hbm>> -> memref<128xi32, #tpu.memory_space<hbm>>
          tpu.enqueue_dma source(%dma_start3A_36 : memref<128xi32, #tpu.memory_space<hbm>>) target(%arg10 : memref<128xi32, #tpu.memory_space<vmem>>) target_semaphore(%run_scoped3A : memref<!tpu.dma_semaphore, #tpu.memory_space<semaphore_mem>>)
          %dma_wait3A_37 = tpu.memref_slice %arg5[%add3A] : memref<163840xi32, #tpu.memory_space<hbm>> -> memref<128xi32, #tpu.memory_space<hbm>>
          %dma_wait3A_38 = tpu.memref_slice %arg5[%add3A] : memref<163840xi32, #tpu.memory_space<hbm>> -> memref<128xi32, #tpu.memory_space<hbm>>
          tpu.wait_dma2 semaphore(%run_scoped3A : memref<!tpu.dma_semaphore, #tpu.memory_space<semaphore_mem>>) src(%dma_wait3A_38 : memref<128xi32, #tpu.memory_space<hbm>>) dst(%arg10 : memref<128xi32, #tpu.memory_space<vmem>>)
          tpu.yield
        }) : () -> ()
        %dma_start3A = arith.constant 0 : i32
        %dma_start3A_31 = arith.constant 0 : i32
        %dma_start3A_32 = tpu.memref_slice %arg3[%dma_start3A, %dma_start3A_31] : memref<10240x128xf32, #tpu.memory_space<hbm>> -> memref<10240x128xf32, #tpu.memory_space<hbm>>
        tpu.enqueue_indirect_dma source(%dma_start3A_32 : memref<10240x128xf32, #tpu.memory_space<hbm>>) target(%arg11 : memref<128x128xf32, #tpu.memory_space<vmem>>) offsets(%arg9 : memref<128xi32, #tpu.memory_space<vmem>>) semaphore(%arg13 : memref<!tpu.dma_semaphore, #tpu.memory_space<semaphore_mem>>)
        %dma_wait3A = arith.constant 0 : i32
        %dma_wait3A_33 = arith.constant 0 : i32
        %dma_wait3A_34 = tpu.memref_slice %arg3[%dma_wait3A, %dma_wait3A_33] : memref<10240x128xf32, #tpu.memory_space<hbm>> -> memref<10240x128xf32, #tpu.memory_space<hbm>>
        tpu.wait_indirect_dma semaphore(%arg13 : memref<!tpu.dma_semaphore, #tpu.memory_space<semaphore_mem>>) src(%dma_wait3A_34 : memref<10240x128xf32, #tpu.memory_space<hbm>>) dst(%arg11 : memref<128x128xf32, #tpu.memory_space<vmem>>)
        "tpu.region"() ({
          %run_scoped3A = tpu.sem_alloc : memref<!tpu.dma_semaphore, #tpu.memory_space<semaphore_mem>>
          %dma_start3A_35 = arith.constant 0 : i32
          %dma_start3A_36 = arith.constant 0 : i32
          %dma_start3A_37 = tpu.memref_slice %arg12[%dma_start3A_35, %dma_start3A_36] : memref<10240x128xf32, #tpu.memory_space<vmem_shared>> -> memref<10240x128xf32, #tpu.memory_space<vmem_shared>>
          tpu.enqueue_indirect_dma source(%arg11 : memref<128x128xf32, #tpu.memory_space<vmem>>) target(%dma_start3A_37 : memref<10240x128xf32, #tpu.memory_space<vmem_shared>>) offsets(%arg10 : memref<128xi32, #tpu.memory_space<vmem>>) semaphore(%run_scoped3A : memref<!tpu.dma_semaphore, #tpu.memory_space<semaphore_mem>>) {add = true}
          %dma_wait3A_38 = arith.constant 0 : i32
          %dma_wait3A_39 = arith.constant 0 : i32
          %dma_wait3A_40 = tpu.memref_slice %arg12[%dma_wait3A_38, %dma_wait3A_39] : memref<10240x128xf32, #tpu.memory_space<vmem_shared>> -> memref<10240x128xf32, #tpu.memory_space<vmem_shared>>
          tpu.wait_indirect_dma semaphore(%run_scoped3A : memref<!tpu.dma_semaphore, #tpu.memory_space<semaphore_mem>>) src(%arg11 : memref<128x128xf32, #tpu.memory_space<vmem>>) dst(%dma_wait3A_40 : memref<10240x128xf32, #tpu.memory_space<vmem_shared>>)
          tpu.yield
        }) : () -> ()
      }
      %scan3A_25 = arith.constant 80 : i32
    } else {
    }
    %barrier3A_10 = arith.constant 0 : index
    tpu.barrier barrier_id(%barrier3A_10)
    %eq3A_11 = arith.constant 0 : i32
    %eq3A_12 = arith.cmpi eq, %arg0, %eq3A_11 : i32
    %convert_element_type3A_13 = arith.extui %eq3A_12 : i1 to i32
    %cond3A_14 = arith.constant 0 : i32
    %cond3A_15 = arith.cmpi ne, %convert_element_type3A_13, %cond3A_14 : i32
    scf.if %cond3A_15 {
      %mul3A_21 = arith.constant 640 : i32
      %mul3A_22 = arith.muli %arg1, %mul3A_21 : i32
      %mul3A_23 = arith.constant 640 : i32
      %mul3A_24 = arith.muli %arg1, %mul3A_23 : i32
      "tpu.region"() ({
        %run_scoped3A = tpu.sem_alloc : memref<!tpu.dma_semaphore, #tpu.memory_space<semaphore_mem>>
        %dma_start3A = arith.constant 0 : i32
        %dma_start3A_25 = tpu.memref_slice %arg7[%mul3A_24, %dma_start3A] : memref<10240x128xf32, #tpu.memory_space<hbm>> -> memref<640x128xf32, #tpu.memory_space<hbm>>
        %dma_start3A_26 = arith.constant 0 : i32
        %dma_start3A_27 = tpu.memref_slice %arg12[%mul3A_22, %dma_start3A_26] : memref<10240x128xf32, #tpu.memory_space<vmem_shared>> -> memref<640x128xf32, #tpu.memory_space<vmem_shared>>
        tpu.enqueue_dma source(%dma_start3A_27 : memref<640x128xf32, #tpu.memory_space<vmem_shared>>) target(%dma_start3A_25 : memref<640x128xf32, #tpu.memory_space<hbm>>) target_semaphore(%run_scoped3A : memref<!tpu.dma_semaphore, #tpu.memory_space<semaphore_mem>>)
        %dma_wait3A = arith.constant 0 : i32
        %dma_wait3A_28 = tpu.memref_slice %arg7[%mul3A_24, %dma_wait3A] : memref<10240x128xf32, #tpu.memory_space<hbm>> -> memref<640x128xf32, #tpu.memory_space<hbm>>
        %dma_wait3A_29 = arith.constant 0 : i32
        %dma_wait3A_30 = tpu.memref_slice %arg12[%mul3A_22, %dma_wait3A_29] : memref<10240x128xf32, #tpu.memory_space<vmem_shared>> -> memref<640x128xf32, #tpu.memory_space<vmem_shared>>
        tpu.wait_dma2 semaphore(%run_scoped3A : memref<!tpu.dma_semaphore, #tpu.memory_space<semaphore_mem>>) src(%dma_wait3A_30 : memref<640x128xf32, #tpu.memory_space<vmem_shared>>) dst(%dma_wait3A_28 : memref<640x128xf32, #tpu.memory_space<hbm>>)
        tpu.yield
      }) : () -> ()
    } else {
    }
    %eq3A_16 = arith.constant 1 : i32
    %eq3A_17 = arith.cmpi eq, %arg0, %eq3A_16 : i32
    %convert_element_type3A_18 = arith.extui %eq3A_17 : i1 to i32
    %cond3A_19 = arith.constant 0 : i32
    %cond3A_20 = arith.cmpi ne, %convert_element_type3A_18, %cond3A_19 : i32
    scf.if %cond3A_20 {
      %mul3A_21 = arith.constant 640 : i32
      %mul3A_22 = arith.muli %arg1, %mul3A_21 : i32
      %mul3A_23 = arith.constant 640 : i32
      %mul3A_24 = arith.muli %arg1, %mul3A_23 : i32
      "tpu.region"() ({
        %run_scoped3A = tpu.sem_alloc : memref<!tpu.dma_semaphore, #tpu.memory_space<semaphore_mem>>
        %dma_start3A = arith.constant 0 : i32
        %dma_start3A_25 = tpu.memref_slice %arg8[%mul3A_24, %dma_start3A] : memref<10240x128xf32, #tpu.memory_space<hbm>> -> memref<640x128xf32, #tpu.memory_space<hbm>>
        %dma_start3A_26 = arith.constant 0 : i32
        %dma_start3A_27 = tpu.memref_slice %arg12[%mul3A_22, %dma_start3A_26] : memref<10240x128xf32, #tpu.memory_space<vmem_shared>> -> memref<640x128xf32, #tpu.memory_space<vmem_shared>>
        tpu.enqueue_dma source(%dma_start3A_27 : memref<640x128xf32, #tpu.memory_space<vmem_shared>>) target(%dma_start3A_25 : memref<640x128xf32, #tpu.memory_space<hbm>>) target_semaphore(%run_scoped3A : memref<!tpu.dma_semaphore, #tpu.memory_space<semaphore_mem>>)
        %dma_wait3A = arith.constant 0 : i32
        %dma_wait3A_28 = tpu.memref_slice %arg8[%mul3A_24, %dma_wait3A] : memref<10240x128xf32, #tpu.memory_space<hbm>> -> memref<640x128xf32, #tpu.memory_space<hbm>>
        %dma_wait3A_29 = arith.constant 0 : i32
        %dma_wait3A_30 = tpu.memref_slice %arg12[%mul3A_22, %dma_wait3A_29] : memref<10240x128xf32, #tpu.memory_space<vmem_shared>> -> memref<640x128xf32, #tpu.memory_space<vmem_shared>>
        tpu.wait_dma2 semaphore(%run_scoped3A : memref<!tpu.dma_semaphore, #tpu.memory_space<semaphore_mem>>) src(%dma_wait3A_30 : memref<640x128xf32, #tpu.memory_space<vmem_shared>>) dst(%dma_wait3A_28 : memref<640x128xf32, #tpu.memory_space<hbm>>)
        tpu.yield
      }) : () -> ()
    } else {
    }
    return
  }
}

module attributes {stable_mosaic.version = 14 : i64} {
  func.func @_k_in(%arg0: i32, %arg1: memref<2048x256xf32, #tpu.memory_space<vmem>>, %arg2: memref<256x256xf32, #tpu.memory_space<vmem>>, %arg3: memref<1x256xf32, #tpu.memory_space<vmem>>, %arg4: memref<1x256xf32, #tpu.memory_space<vmem>>, %arg5: memref<1x256xf32, #tpu.memory_space<vmem>>, %arg6: memref<2048x128xf32, #tpu.memory_space<vmem>>, %arg7: memref<2048x128xf32, #tpu.memory_space<vmem>>) attributes {dimension_semantics = [#tpu.dimension_semantics<arbitrary>], iteration_bounds = array<i64: 5>, scalar_prefetch = 0 : i64, scratch_operands = 0 : i64, tpu.core_type = #tpu.core_type<tc>, window_params = [{transform_indices = @transform_0, window_bounds = array<i64: 2048, 256>}, {pipeline_mode = #tpu.pipeline_mode<synchronous>, transform_indices = @transform_1, window_bounds = array<i64: 256, 256>}, {pipeline_mode = #tpu.pipeline_mode<synchronous>, transform_indices = @transform_2, window_bounds = array<i64: 1, 256>}, {pipeline_mode = #tpu.pipeline_mode<synchronous>, transform_indices = @transform_3, window_bounds = array<i64: 1, 256>}, {pipeline_mode = #tpu.pipeline_mode<synchronous>, transform_indices = @transform_4, window_bounds = array<i64: 1, 256>}, {transform_indices = @transform_5, window_bounds = array<i64: 2048, 128>}, {transform_indices = @transform_6, window_bounds = array<i64: 2048, 128>}]} {
    %get3A = arith.constant 0 : index
    %get3A_0 = arith.constant 0 : index
    %get3A_1 = vector.load %arg1[%get3A, %get3A_0] : memref<2048x256xf32, #tpu.memory_space<vmem>>, vector<2048x256xf32>
    %get3A_2 = arith.constant 0 : index
    %get3A_3 = arith.constant 0 : index
    %get3A_4 = vector.load %arg2[%get3A_2, %get3A_3] : memref<256x256xf32, #tpu.memory_space<vmem>>, vector<256x256xf32>
    %dot_general3A = arith.constant dense<0.000000e+00> : vector<2048x256xf32>
    %dot_general3A_5 = tpu.matmul %get3A_1, %get3A_4, %dot_general3A {dimension_numbers = #tpu.dot_dimension_numbers<[1], [0], [0], [1], [0, 0, 1, 1], [], []>, transpose_lhs_hint = false} : vector<2048x256xf32>, vector<256x256xf32>, vector<2048x256xf32> -> vector<2048x256xf32>
    %get3A_6 = arith.constant 0 : index
    %get3A_7 = arith.constant 0 : index
    %get3A_8 = vector.load %arg3[%get3A_6, %get3A_7] : memref<1x256xf32, #tpu.memory_space<vmem>>, vector<1x256xf32>
    %add3A = vector.broadcast %get3A_8 : vector<1x256xf32> to vector<2048x256xf32>
    %add3A_9 = arith.addf %dot_general3A_5, %add3A : vector<2048x256xf32>
    %get3A_10 = arith.constant 0 : index
    %get3A_11 = arith.constant 0 : index
    %get3A_12 = vector.load %arg4[%get3A_10, %get3A_11] : memref<1x256xf32, #tpu.memory_space<vmem>>, vector<1x256xf32>
    %get3A_13 = arith.constant 0 : index
    %get3A_14 = arith.constant 0 : index
    %get3A_15 = vector.load %arg5[%get3A_13, %get3A_14] : memref<1x256xf32, #tpu.memory_space<vmem>>, vector<1x256xf32>
    %slice3A = vector.extract_strided_slice %add3A_9 {offsets = [0, 0], sizes = [2048, 128], strides = [1, 1]} : vector<2048x256xf32> to vector<2048x128xf32>
    %slice3A_16 = vector.extract_strided_slice %add3A_9 {offsets = [0, 128], sizes = [2048, 128], strides = [1, 1]} : vector<2048x256xf32> to vector<2048x128xf32>
    %add3A_17 = arith.addf %slice3A, %slice3A_16 : vector<2048x128xf32>
    %slice3A_18 = vector.extract_strided_slice %add3A_17 {offsets = [0, 0], sizes = [2048, 64], strides = [1, 1]} : vector<2048x128xf32> to vector<2048x64xf32>
    %slice3A_19 = vector.extract_strided_slice %add3A_17 {offsets = [0, 64], sizes = [2048, 64], strides = [1, 1]} : vector<2048x128xf32> to vector<2048x64xf32>
    %add3A_20 = arith.addf %slice3A_18, %slice3A_19 : vector<2048x64xf32>
    %slice3A_21 = vector.extract_strided_slice %add3A_20 {offsets = [0, 0], sizes = [2048, 32], strides = [1, 1]} : vector<2048x64xf32> to vector<2048x32xf32>
    %slice3A_22 = vector.extract_strided_slice %add3A_20 {offsets = [0, 32], sizes = [2048, 32], strides = [1, 1]} : vector<2048x64xf32> to vector<2048x32xf32>
    %add3A_23 = arith.addf %slice3A_21, %slice3A_22 : vector<2048x32xf32>
    %slice3A_24 = vector.extract_strided_slice %add3A_23 {offsets = [0, 0], sizes = [2048, 16], strides = [1, 1]} : vector<2048x32xf32> to vector<2048x16xf32>
    %slice3A_25 = vector.extract_strided_slice %add3A_23 {offsets = [0, 16], sizes = [2048, 16], strides = [1, 1]} : vector<2048x32xf32> to vector<2048x16xf32>
    %add3A_26 = arith.addf %slice3A_24, %slice3A_25 : vector<2048x16xf32>
    %slice3A_27 = vector.extract_strided_slice %add3A_26 {offsets = [0, 0], sizes = [2048, 8], strides = [1, 1]} : vector<2048x16xf32> to vector<2048x8xf32>
    %slice3A_28 = vector.extract_strided_slice %add3A_26 {offsets = [0, 8], sizes = [2048, 8], strides = [1, 1]} : vector<2048x16xf32> to vector<2048x8xf32>
    %add3A_29 = arith.addf %slice3A_27, %slice3A_28 : vector<2048x8xf32>
    %slice3A_30 = vector.extract_strided_slice %add3A_29 {offsets = [0, 0], sizes = [2048, 4], strides = [1, 1]} : vector<2048x8xf32> to vector<2048x4xf32>
    %slice3A_31 = vector.extract_strided_slice %add3A_29 {offsets = [0, 4], sizes = [2048, 4], strides = [1, 1]} : vector<2048x8xf32> to vector<2048x4xf32>
    %add3A_32 = arith.addf %slice3A_30, %slice3A_31 : vector<2048x4xf32>
    %slice3A_33 = vector.extract_strided_slice %add3A_32 {offsets = [0, 0], sizes = [2048, 2], strides = [1, 1]} : vector<2048x4xf32> to vector<2048x2xf32>
    %slice3A_34 = vector.extract_strided_slice %add3A_32 {offsets = [0, 2], sizes = [2048, 2], strides = [1, 1]} : vector<2048x4xf32> to vector<2048x2xf32>
    %add3A_35 = arith.addf %slice3A_33, %slice3A_34 : vector<2048x2xf32>
    %slice3A_36 = vector.extract_strided_slice %add3A_35 {offsets = [0, 0], sizes = [2048, 1], strides = [1, 1]} : vector<2048x2xf32> to vector<2048x1xf32>
    %slice3A_37 = vector.extract_strided_slice %add3A_35 {offsets = [0, 1], sizes = [2048, 1], strides = [1, 1]} : vector<2048x2xf32> to vector<2048x1xf32>
    %add3A_38 = arith.addf %slice3A_36, %slice3A_37 : vector<2048x1xf32>
    %mul3A = arith.constant 3.906250e-03 : f32
    %mul3A_39 = vector.broadcast %mul3A : f32 to vector<2048x1xf32>
    %mul3A_40 = arith.mulf %add3A_38, %mul3A_39 : vector<2048x1xf32>
    %sub3A = vector.broadcast %mul3A_40 : vector<2048x1xf32> to vector<2048x256xf32>
    %sub3A_41 = arith.subf %add3A_9, %sub3A : vector<2048x256xf32>
    %mul3A_42 = arith.mulf %sub3A_41, %sub3A_41 : vector<2048x256xf32>
    %slice3A_43 = vector.extract_strided_slice %mul3A_42 {offsets = [0, 0], sizes = [2048, 128], strides = [1, 1]} : vector<2048x256xf32> to vector<2048x128xf32>
    %slice3A_44 = vector.extract_strided_slice %mul3A_42 {offsets = [0, 128], sizes = [2048, 128], strides = [1, 1]} : vector<2048x256xf32> to vector<2048x128xf32>
    %add3A_45 = arith.addf %slice3A_43, %slice3A_44 : vector<2048x128xf32>
    %slice3A_46 = vector.extract_strided_slice %add3A_45 {offsets = [0, 0], sizes = [2048, 64], strides = [1, 1]} : vector<2048x128xf32> to vector<2048x64xf32>
    %slice3A_47 = vector.extract_strided_slice %add3A_45 {offsets = [0, 64], sizes = [2048, 64], strides = [1, 1]} : vector<2048x128xf32> to vector<2048x64xf32>
    %add3A_48 = arith.addf %slice3A_46, %slice3A_47 : vector<2048x64xf32>
    %slice3A_49 = vector.extract_strided_slice %add3A_48 {offsets = [0, 0], sizes = [2048, 32], strides = [1, 1]} : vector<2048x64xf32> to vector<2048x32xf32>
    %slice3A_50 = vector.extract_strided_slice %add3A_48 {offsets = [0, 32], sizes = [2048, 32], strides = [1, 1]} : vector<2048x64xf32> to vector<2048x32xf32>
    %add3A_51 = arith.addf %slice3A_49, %slice3A_50 : vector<2048x32xf32>
    %slice3A_52 = vector.extract_strided_slice %add3A_51 {offsets = [0, 0], sizes = [2048, 16], strides = [1, 1]} : vector<2048x32xf32> to vector<2048x16xf32>
    %slice3A_53 = vector.extract_strided_slice %add3A_51 {offsets = [0, 16], sizes = [2048, 16], strides = [1, 1]} : vector<2048x32xf32> to vector<2048x16xf32>
    %add3A_54 = arith.addf %slice3A_52, %slice3A_53 : vector<2048x16xf32>
    %slice3A_55 = vector.extract_strided_slice %add3A_54 {offsets = [0, 0], sizes = [2048, 8], strides = [1, 1]} : vector<2048x16xf32> to vector<2048x8xf32>
    %slice3A_56 = vector.extract_strided_slice %add3A_54 {offsets = [0, 8], sizes = [2048, 8], strides = [1, 1]} : vector<2048x16xf32> to vector<2048x8xf32>
    %add3A_57 = arith.addf %slice3A_55, %slice3A_56 : vector<2048x8xf32>
    %slice3A_58 = vector.extract_strided_slice %add3A_57 {offsets = [0, 0], sizes = [2048, 4], strides = [1, 1]} : vector<2048x8xf32> to vector<2048x4xf32>
    %slice3A_59 = vector.extract_strided_slice %add3A_57 {offsets = [0, 4], sizes = [2048, 4], strides = [1, 1]} : vector<2048x8xf32> to vector<2048x4xf32>
    %add3A_60 = arith.addf %slice3A_58, %slice3A_59 : vector<2048x4xf32>
    %slice3A_61 = vector.extract_strided_slice %add3A_60 {offsets = [0, 0], sizes = [2048, 2], strides = [1, 1]} : vector<2048x4xf32> to vector<2048x2xf32>
    %slice3A_62 = vector.extract_strided_slice %add3A_60 {offsets = [0, 2], sizes = [2048, 2], strides = [1, 1]} : vector<2048x4xf32> to vector<2048x2xf32>
    %add3A_63 = arith.addf %slice3A_61, %slice3A_62 : vector<2048x2xf32>
    %slice3A_64 = vector.extract_strided_slice %add3A_63 {offsets = [0, 0], sizes = [2048, 1], strides = [1, 1]} : vector<2048x2xf32> to vector<2048x1xf32>
    %slice3A_65 = vector.extract_strided_slice %add3A_63 {offsets = [0, 1], sizes = [2048, 1], strides = [1, 1]} : vector<2048x2xf32> to vector<2048x1xf32>
    %add3A_66 = arith.addf %slice3A_64, %slice3A_65 : vector<2048x1xf32>
    %mul3A_67 = arith.constant 3.906250e-03 : f32
    %mul3A_68 = vector.broadcast %mul3A_67 : f32 to vector<2048x1xf32>
    %mul3A_69 = arith.mulf %add3A_66, %mul3A_68 : vector<2048x1xf32>
    %add3A_70 = arith.constant 9.99999974E-6 : f32
    %add3A_71 = vector.broadcast %add3A_70 : f32 to vector<2048x1xf32>
    %add3A_72 = arith.addf %mul3A_69, %add3A_71 : vector<2048x1xf32>
    %sqrt3A = math.sqrt %add3A_72 : vector<2048x1xf32>
    %div3A = vector.broadcast %sqrt3A : vector<2048x1xf32> to vector<2048x256xf32>
    %div3A_73 = arith.divf %sub3A_41, %div3A : vector<2048x256xf32>
    %mul3A_74 = vector.broadcast %get3A_12 : vector<1x256xf32> to vector<2048x256xf32>
    %mul3A_75 = arith.mulf %div3A_73, %mul3A_74 : vector<2048x256xf32>
    %add3A_76 = vector.broadcast %get3A_15 : vector<1x256xf32> to vector<2048x256xf32>
    %add3A_77 = arith.addf %mul3A_75, %add3A_76 : vector<2048x256xf32>
    %max3A = arith.constant 0.000000e+00 : f32
    %max3A_78 = vector.broadcast %max3A : f32 to vector<2048x256xf32>
    %max3A_79 = arith.maximumf %add3A_77, %max3A_78 : vector<2048x256xf32>
    %slice3A_80 = vector.extract_strided_slice %max3A_79 {offsets = [0, 0], sizes = [2048, 128], strides = [1, 1]} : vector<2048x256xf32> to vector<2048x128xf32>
    %swap3A = arith.constant 0 : index
    %swap3A_81 = arith.constant 0 : index
    %swap3A_82 = vector.load %arg6[%swap3A, %swap3A_81] : memref<2048x128xf32, #tpu.memory_space<vmem>>, vector<2048x128xf32>
    tpu.vector_store %arg6[%swap3A, %swap3A_81], %slice3A_80 {strides = array<i32>} : memref<2048x128xf32, #tpu.memory_space<vmem>>, vector<2048x128xf32>,
    %slice3A_83 = vector.extract_strided_slice %max3A_79 {offsets = [0, 128], sizes = [2048, 128], strides = [1, 1]} : vector<2048x256xf32> to vector<2048x128xf32>
    %swap3A_84 = arith.constant 0 : index
    %swap3A_85 = arith.constant 0 : index
    %swap3A_86 = vector.load %arg7[%swap3A_84, %swap3A_85] : memref<2048x128xf32, #tpu.memory_space<vmem>>, vector<2048x128xf32>
    tpu.vector_store %arg7[%swap3A_84, %swap3A_85], %slice3A_83 {strides = array<i32>} : memref<2048x128xf32, #tpu.memory_space<vmem>>, vector<2048x128xf32>,
    return
  }
  func.func @transform_0(%arg0: i32) -> (i32, i32) {
    %c0_i32 = arith.constant 0 : i32
    %c0_i32_0 = arith.constant 0 : i32
    return %arg0, %c0_i32 : i32, i32
  }
  func.func @transform_1(%arg0: i32) -> (i32, i32) {
    %c0_i32 = arith.constant 0 : i32
    %c0_i32_0 = arith.constant 0 : i32
    %c0_i32_1 = arith.constant 0 : i32
    return %c0_i32, %c0_i32_0 : i32, i32
  }
  func.func @transform_2(%arg0: i32) -> (i32, i32) {
    %c0_i32 = arith.constant 0 : i32
    %c0_i32_0 = arith.constant 0 : i32
    %c0_i32_1 = arith.constant 0 : i32
    return %c0_i32, %c0_i32_0 : i32, i32
  }
  func.func @transform_3(%arg0: i32) -> (i32, i32) {
    %c0_i32 = arith.constant 0 : i32
    %c0_i32_0 = arith.constant 0 : i32
    %c0_i32_1 = arith.constant 0 : i32
    return %c0_i32, %c0_i32_0 : i32, i32
  }
  func.func @transform_4(%arg0: i32) -> (i32, i32) {
    %c0_i32 = arith.constant 0 : i32
    %c0_i32_0 = arith.constant 0 : i32
    %c0_i32_1 = arith.constant 0 : i32
    return %c0_i32, %c0_i32_0 : i32, i32
  }
  func.func @transform_5(%arg0: i32) -> (i32, i32) {
    %c0_i32 = arith.constant 0 : i32
    %c0_i32_0 = arith.constant 0 : i32
    return %arg0, %c0_i32 : i32, i32
  }
  func.func @transform_6(%arg0: i32) -> (i32, i32) {
    %c0_i32 = arith.constant 0 : i32
    %c0_i32_0 = arith.constant 0 : i32
    return %arg0, %c0_i32 : i32, i32
  }
}

module attributes {stable_mosaic.version = 14 : i64} {
  func.func @_k_mid(%arg0: i32, %arg1: memref<2048x128xf32, #tpu.memory_space<vmem>>, %arg2: memref<2048x128xf32, #tpu.memory_space<vmem>>, %arg3: memref<2048x128xf32, #tpu.memory_space<vmem>>, %arg4: memref<2048x128xf32, #tpu.memory_space<vmem>>, %arg5: memref<256x256xf32, #tpu.memory_space<vmem>>, %arg6: memref<256x256xf32, #tpu.memory_space<vmem>>, %arg7: memref<1x256xf32, #tpu.memory_space<vmem>>, %arg8: memref<3x16x256xf32, #tpu.memory_space<vmem>>, %arg9: memref<1x256xf32, #tpu.memory_space<vmem>>, %arg10: memref<1x256xf32, #tpu.memory_space<vmem>>, %arg11: memref<2048x128xf32, #tpu.memory_space<vmem>>, %arg12: memref<2048x128xf32, #tpu.memory_space<vmem>>, %arg13: memref<2048x128xi32, #tpu.memory_space<vmem>>, %arg14: memref<1x1xf32, #tpu.memory_space<vmem>>) attributes {dimension_semantics = [#tpu.dimension_semantics<arbitrary>], iteration_bounds = array<i64: 5>, scalar_prefetch = 0 : i64, scratch_operands = 0 : i64, tpu.core_type = #tpu.core_type<tc>, window_params = [{transform_indices = @transform_0, window_bounds = array<i64: 2048, 128>}, {transform_indices = @transform_1, window_bounds = array<i64: 2048, 128>}, {transform_indices = @transform_2, window_bounds = array<i64: 2048, 128>}, {transform_indices = @transform_3, window_bounds = array<i64: 2048, 128>}, {pipeline_mode = #tpu.pipeline_mode<synchronous>, transform_indices = @transform_4, window_bounds = array<i64: 256, 256>}, {pipeline_mode = #tpu.pipeline_mode<synchronous>, transform_indices = @transform_5, window_bounds = array<i64: 256, 256>}, {pipeline_mode = #tpu.pipeline_mode<synchronous>, transform_indices = @transform_6, window_bounds = array<i64: 1, 256>}, {pipeline_mode = #tpu.pipeline_mode<synchronous>, transform_indices = @transform_7, window_bounds = array<i64: 3, 16, 256>}, {pipeline_mode = #tpu.pipeline_mode<synchronous>, transform_indices = @transform_8, window_bounds = array<i64: 1, 256>}, {pipeline_mode = #tpu.pipeline_mode<synchronous>, transform_indices = @transform_9, window_bounds = array<i64: 1, 256>}, {transform_indices = @transform_10, window_bounds = array<i64: 2048, 128>}, {transform_indices = @transform_11, window_bounds = array<i64: 2048, 128>}, {transform_indices = @transform_12, window_bounds = array<i64: 2048, 128>}, {pipeline_mode = #tpu.pipeline_mode<synchronous>, transform_indices = @transform_13, window_bounds = array<i64: 1, 1>}]} {
    %get3A = arith.constant 0 : index
    %get3A_0 = arith.constant 0 : index
    %get3A_1 = vector.load %arg1[%get3A, %get3A_0] : memref<2048x128xf32, #tpu.memory_space<vmem>>, vector<2048x128xf32>
    %get3A_2 = arith.constant 0 : index
    %get3A_3 = arith.constant 0 : index
    %get3A_4 = vector.load %arg2[%get3A_2, %get3A_3] : memref<2048x128xf32, #tpu.memory_space<vmem>>, vector<2048x128xf32>
    %concatenate3A = tpu.concatenate %get3A_1, %get3A_4 in 1 : vector<2048x128xf32>, vector<2048x128xf32> -> vector<2048x256xf32>
    %get3A_5 = arith.constant 0 : index
    %get3A_6 = arith.constant 0 : index
    %get3A_7 = vector.load %arg3[%get3A_5, %get3A_6] : memref<2048x128xf32, #tpu.memory_space<vmem>>, vector<2048x128xf32>
    %get3A_8 = arith.constant 0 : index
    %get3A_9 = arith.constant 0 : index
    %get3A_10 = vector.load %arg4[%get3A_8, %get3A_9] : memref<2048x128xf32, #tpu.memory_space<vmem>>, vector<2048x128xf32>
    %concatenate3A_11 = tpu.concatenate %get3A_7, %get3A_10 in 1 : vector<2048x128xf32>, vector<2048x128xf32> -> vector<2048x256xf32>
    %get3A_12 = arith.constant 0 : index
    %get3A_13 = arith.constant 0 : index
    %get3A_14 = vector.load %arg5[%get3A_12, %get3A_13] : memref<256x256xf32, #tpu.memory_space<vmem>>, vector<256x256xf32>
    %dot_general3A = arith.constant dense<0.000000e+00> : vector<2048x256xf32>
    %dot_general3A_15 = tpu.matmul %concatenate3A, %get3A_14, %dot_general3A {dimension_numbers = #tpu.dot_dimension_numbers<[1], [0], [0], [1], [0, 0, 1, 1], [], []>, transpose_lhs_hint = false} : vector<2048x256xf32>, vector<256x256xf32>, vector<2048x256xf32> -> vector<2048x256xf32>
    %get3A_16 = arith.constant 0 : index
    %get3A_17 = arith.constant 0 : index
    %get3A_18 = vector.load %arg7[%get3A_16, %get3A_17] : memref<1x256xf32, #tpu.memory_space<vmem>>, vector<1x256xf32>
    %add3A = vector.broadcast %get3A_18 : vector<1x256xf32> to vector<2048x256xf32>
    %add3A_19 = arith.addf %dot_general3A_15, %add3A : vector<2048x256xf32>
    %get3A_20 = arith.constant 0 : index
    %get3A_21 = arith.constant 0 : index
    %get3A_22 = vector.load %arg6[%get3A_20, %get3A_21] : memref<256x256xf32, #tpu.memory_space<vmem>>, vector<256x256xf32>
    %dot_general3A_23 = arith.constant dense<0.000000e+00> : vector<2048x256xf32>
    %dot_general3A_24 = tpu.matmul %concatenate3A_11, %get3A_22, %dot_general3A_23 {dimension_numbers = #tpu.dot_dimension_numbers<[1], [0], [0], [1], [0, 0, 1, 1], [], []>, transpose_lhs_hint = false} : vector<2048x256xf32>, vector<256x256xf32>, vector<2048x256xf32> -> vector<2048x256xf32>
    %add3A_25 = arith.addf %add3A_19, %dot_general3A_24 : vector<2048x256xf32>
    %iota3A = tpu.iota {dimensions = array<i32: 1>} : vector<2048x128xi32>
    %broadcast_in_dim3A = arith.constant 0 : i32
    %broadcast_in_dim3A_26 = vector.broadcast %broadcast_in_dim3A : i32 to vector<2048x128xi32>
    %iota3A_27 = tpu.iota {dimensions = array<i32: 1>} : vector<2048x16xi32>
    %get3A_28 = arith.constant 0 : index
    %get3A_29 = arith.constant 0 : index
    %get3A_30 = arith.constant 0 : index
    %get3A_31 = vector.load %arg8[%get3A_28, %get3A_29, %get3A_30] : memref<3x16x256xf32, #tpu.memory_space<vmem>>, vector<1x16x256xf32>
    %get3A_32 = vector.shape_cast %get3A_31 : vector<1x16x256xf32> to vector<16x256xf32>
    %mul3A = arith.mulf %get3A_32, %get3A_32 : vector<16x256xf32>
    %slice3A = vector.extract_strided_slice %mul3A {offsets = [0, 0], sizes = [16, 128], strides = [1, 1]} : vector<16x256xf32> to vector<16x128xf32>
    %slice3A_33 = vector.extract_strided_slice %mul3A {offsets = [0, 128], sizes = [16, 128], strides = [1, 1]} : vector<16x256xf32> to vector<16x128xf32>
    %add3A_34 = arith.addf %slice3A, %slice3A_33 : vector<16x128xf32>
    %slice3A_35 = vector.extract_strided_slice %add3A_34 {offsets = [0, 0], sizes = [16, 64], strides = [1, 1]} : vector<16x128xf32> to vector<16x64xf32>
    %slice3A_36 = vector.extract_strided_slice %add3A_34 {offsets = [0, 64], sizes = [16, 64], strides = [1, 1]} : vector<16x128xf32> to vector<16x64xf32>
    %add3A_37 = arith.addf %slice3A_35, %slice3A_36 : vector<16x64xf32>
    %slice3A_38 = vector.extract_strided_slice %add3A_37 {offsets = [0, 0], sizes = [16, 32], strides = [1, 1]} : vector<16x64xf32> to vector<16x32xf32>
    %slice3A_39 = vector.extract_strided_slice %add3A_37 {offsets = [0, 32], sizes = [16, 32], strides = [1, 1]} : vector<16x64xf32> to vector<16x32xf32>
    %add3A_40 = arith.addf %slice3A_38, %slice3A_39 : vector<16x32xf32>
    %slice3A_41 = vector.extract_strided_slice %add3A_40 {offsets = [0, 0], sizes = [16, 16], strides = [1, 1]} : vector<16x32xf32> to vector<16x16xf32>
    %slice3A_42 = vector.extract_strided_slice %add3A_40 {offsets = [0, 16], sizes = [16, 16], strides = [1, 1]} : vector<16x32xf32> to vector<16x16xf32>
    %add3A_43 = arith.addf %slice3A_41, %slice3A_42 : vector<16x16xf32>
    %slice3A_44 = vector.extract_strided_slice %add3A_43 {offsets = [0, 0], sizes = [16, 8], strides = [1, 1]} : vector<16x16xf32> to vector<16x8xf32>
    %slice3A_45 = vector.extract_strided_slice %add3A_43 {offsets = [0, 8], sizes = [16, 8], strides = [1, 1]} : vector<16x16xf32> to vector<16x8xf32>
    %add3A_46 = arith.addf %slice3A_44, %slice3A_45 : vector<16x8xf32>
    %slice3A_47 = vector.extract_strided_slice %add3A_46 {offsets = [0, 0], sizes = [16, 4], strides = [1, 1]} : vector<16x8xf32> to vector<16x4xf32>
    %slice3A_48 = vector.extract_strided_slice %add3A_46 {offsets = [0, 4], sizes = [16, 4], strides = [1, 1]} : vector<16x8xf32> to vector<16x4xf32>
    %add3A_49 = arith.addf %slice3A_47, %slice3A_48 : vector<16x4xf32>
    %slice3A_50 = vector.extract_strided_slice %add3A_49 {offsets = [0, 0], sizes = [16, 2], strides = [1, 1]} : vector<16x4xf32> to vector<16x2xf32>
    %slice3A_51 = vector.extract_strided_slice %add3A_49 {offsets = [0, 2], sizes = [16, 2], strides = [1, 1]} : vector<16x4xf32> to vector<16x2xf32>
    %add3A_52 = arith.addf %slice3A_50, %slice3A_51 : vector<16x2xf32>
    %slice3A_53 = vector.extract_strided_slice %add3A_52 {offsets = [0, 0], sizes = [16, 1], strides = [1, 1]} : vector<16x2xf32> to vector<16x1xf32>
    %slice3A_54 = vector.extract_strided_slice %add3A_52 {offsets = [0, 1], sizes = [16, 1], strides = [1, 1]} : vector<16x2xf32> to vector<16x1xf32>
    %add3A_55 = arith.addf %slice3A_53, %slice3A_54 : vector<16x1xf32>
    %squeeze3A = vector.shape_cast %add3A_55 : vector<16x1xf32> to vector<16xf32>
    %mul3A_56 = arith.mulf %add3A_25, %add3A_25 : vector<2048x256xf32>
    %slice3A_57 = vector.extract_strided_slice %mul3A_56 {offsets = [0, 0], sizes = [2048, 128], strides = [1, 1]} : vector<2048x256xf32> to vector<2048x128xf32>
    %slice3A_58 = vector.extract_strided_slice %mul3A_56 {offsets = [0, 128], sizes = [2048, 128], strides = [1, 1]} : vector<2048x256xf32> to vector<2048x128xf32>
    %add3A_59 = arith.addf %slice3A_57, %slice3A_58 : vector<2048x128xf32>
    %slice3A_60 = vector.extract_strided_slice %add3A_59 {offsets = [0, 0], sizes = [2048, 64], strides = [1, 1]} : vector<2048x128xf32> to vector<2048x64xf32>
    %slice3A_61 = vector.extract_strided_slice %add3A_59 {offsets = [0, 64], sizes = [2048, 64], strides = [1, 1]} : vector<2048x128xf32> to vector<2048x64xf32>
    %add3A_62 = arith.addf %slice3A_60, %slice3A_61 : vector<2048x64xf32>
    %slice3A_63 = vector.extract_strided_slice %add3A_62 {offsets = [0, 0], sizes = [2048, 32], strides = [1, 1]} : vector<2048x64xf32> to vector<2048x32xf32>
    %slice3A_64 = vector.extract_strided_slice %add3A_62 {offsets = [0, 32], sizes = [2048, 32], strides = [1, 1]} : vector<2048x64xf32> to vector<2048x32xf32>
    %add3A_65 = arith.addf %slice3A_63, %slice3A_64 : vector<2048x32xf32>
    %slice3A_66 = vector.extract_strided_slice %add3A_65 {offsets = [0, 0], sizes = [2048, 16], strides = [1, 1]} : vector<2048x32xf32> to vector<2048x16xf32>
    %slice3A_67 = vector.extract_strided_slice %add3A_65 {offsets = [0, 16], sizes = [2048, 16], strides = [1, 1]} : vector<2048x32xf32> to vector<2048x16xf32>
    %add3A_68 = arith.addf %slice3A_66, %slice3A_67 : vector<2048x16xf32>
    %slice3A_69 = vector.extract_strided_slice %add3A_68 {offsets = [0, 0], sizes = [2048, 8], strides = [1, 1]} : vector<2048x16xf32> to vector<2048x8xf32>
    %slice3A_70 = vector.extract_strided_slice %add3A_68 {offsets = [0, 8], sizes = [2048, 8], strides = [1, 1]} : vector<2048x16xf32> to vector<2048x8xf32>
    %add3A_71 = arith.addf %slice3A_69, %slice3A_70 : vector<2048x8xf32>
    %slice3A_72 = vector.extract_strided_slice %add3A_71 {offsets = [0, 0], sizes = [2048, 4], strides = [1, 1]} : vector<2048x8xf32> to vector<2048x4xf32>
    %slice3A_73 = vector.extract_strided_slice %add3A_71 {offsets = [0, 4], sizes = [2048, 4], strides = [1, 1]} : vector<2048x8xf32> to vector<2048x4xf32>
    %add3A_74 = arith.addf %slice3A_72, %slice3A_73 : vector<2048x4xf32>
    %slice3A_75 = vector.extract_strided_slice %add3A_74 {offsets = [0, 0], sizes = [2048, 2], strides = [1, 1]} : vector<2048x4xf32> to vector<2048x2xf32>
    %slice3A_76 = vector.extract_strided_slice %add3A_74 {offsets = [0, 2], sizes = [2048, 2], strides = [1, 1]} : vector<2048x4xf32> to vector<2048x2xf32>
    %add3A_77 = arith.addf %slice3A_75, %slice3A_76 : vector<2048x2xf32>
    %slice3A_78 = vector.extract_strided_slice %add3A_77 {offsets = [0, 0], sizes = [2048, 1], strides = [1, 1]} : vector<2048x2xf32> to vector<2048x1xf32>
    %slice3A_79 = vector.extract_strided_slice %add3A_77 {offsets = [0, 1], sizes = [2048, 1], strides = [1, 1]} : vector<2048x2xf32> to vector<2048x1xf32>
    %add3A_80 = arith.addf %slice3A_78, %slice3A_79 : vector<2048x1xf32>
    %dot_general3A_81 = arith.constant dense<0.000000e+00> : vector<2048x16xf32>
    %dot_general3A_82 = tpu.matmul %add3A_25, %get3A_32, %dot_general3A_81 {dimension_numbers = #tpu.dot_dimension_numbers<[1], [1], [0], [0], [0, 0, 1, 0], [], []>, transpose_lhs_hint = false} : vector<2048x256xf32>, vector<16x256xf32>, vector<2048x16xf32> -> vector<2048x16xf32>
    %mul3A_83 = arith.constant 2.000000e+00 : f32
    %mul3A_84 = vector.broadcast %mul3A_83 : f32 to vector<2048x16xf32>
    %mul3A_85 = arith.mulf %mul3A_84, %dot_general3A_82 : vector<2048x16xf32>
    %sub3A = vector.broadcast %add3A_80 : vector<2048x1xf32> to vector<2048x16xf32>
    %sub3A_86 = arith.subf %sub3A, %mul3A_85 : vector<2048x16xf32>
    %broadcast_in_dim3A_87 = vector.shape_cast %squeeze3A : vector<16xf32> to vector<1x16xf32>
    %add3A_88 = vector.broadcast %broadcast_in_dim3A_87 : vector<1x16xf32> to vector<2048x16xf32>
    %add3A_89 = arith.addf %sub3A_86, %add3A_88 : vector<2048x16xf32>
    %reduce_min3A = arith.constant dense<0x7F800000> : vector<2048xf32>
    %reduce_min3A_90 = vector.multi_reduction <minimumf>, %add3A_89, %reduce_min3A [1] : vector<2048x16xf32> to vector<2048xf32>
    %broadcast_in_dim3A_91 = vector.shape_cast %reduce_min3A_90 : vector<2048xf32> to vector<2048x1xf32>
    %le3A = vector.broadcast %broadcast_in_dim3A_91 : vector<2048x1xf32> to vector<2048x16xf32>
    %le3A_92 = arith.cmpf ole, %add3A_89, %le3A : vector<2048x16xf32>
    %jit3A = arith.constant 16 : i32
    %broadcast_in_dim3A_93 = vector.broadcast %jit3A : i32 to vector<2048x16xi32>
    %select_n3A = arith.select %le3A_92, %iota3A_27, %broadcast_in_dim3A_93 : vector<2048x16xi1>, vector<2048x16xi32>
    %reduce_min3A_94 = arith.constant dense<2147483647> : vector<2048xi32>
    %reduce_min3A_95 = vector.multi_reduction <minsi>, %select_n3A, %reduce_min3A_94 [1] : vector<2048x16xi32> to vector<2048xi32>
    %broadcast_in_dim3A_96 = vector.shape_cast %reduce_min3A_95 : vector<2048xi32> to vector<2048x1xi32>
    %eq3A = vector.broadcast %broadcast_in_dim3A_96 : vector<2048x1xi32> to vector<2048x16xi32>
    %eq3A_97 = arith.cmpi eq, %iota3A_27, %eq3A : vector<2048x16xi32>
    %convert_element_type3A = arith.extui %eq3A_97 : vector<2048x16xi1> to vector<2048x16xi32>
    %convert_element_type3A_98 = arith.sitofp %convert_element_type3A : vector<2048x16xi32> to vector<2048x16xf32>
    %dot_general3A_99 = arith.constant dense<0.000000e+00> : vector<2048x256xf32>
    %dot_general3A_100 = tpu.matmul %convert_element_type3A_98, %get3A_32, %dot_general3A_99 {dimension_numbers = #tpu.dot_dimension_numbers<[1], [0], [0], [1], [0, 0, 1, 1], [], []>, transpose_lhs_hint = false} : vector<2048x16xf32>, vector<16x256xf32>, vector<2048x256xf32> -> vector<2048x256xf32>
    %sub3A_101 = arith.subf %add3A_25, %dot_general3A_100 : vector<2048x256xf32>
    %eq3A_102 = arith.constant 0 : i32
    %eq3A_103 = vector.broadcast %eq3A_102 : i32 to vector<2048x128xi32>
    %eq3A_104 = arith.cmpi eq, %iota3A, %eq3A_103 : vector<2048x128xi32>
    %jit3A_105 = arith.constant 0 : i32
    %broadcast_in_dim3A_106 = vector.shape_cast %broadcast_in_dim3A_96 : vector<2048x1xi32> to vector<2048x1xi32>
    %broadcast_in_dim3A_107 = vector.broadcast %broadcast_in_dim3A_106 : vector<2048x1xi32> to vector<2048x128xi32>
    %broadcast_in_dim3A_108 = vector.broadcast %jit3A_105 : i32 to vector<2048x128xi32>
    %select_n3A_109 = arith.select %eq3A_104, %broadcast_in_dim3A_107, %broadcast_in_dim3A_108 : vector<2048x128xi1>, vector<2048x128xi32>
    %add3A_110 = arith.addi %broadcast_in_dim3A_26, %select_n3A_109 : vector<2048x128xi32>
    %get3A_111 = arith.constant 1 : index
    %get3A_112 = arith.constant 0 : index
    %get3A_113 = arith.constant 0 : index
    %get3A_114 = vector.load %arg8[%get3A_111, %get3A_112, %get3A_113] : memref<3x16x256xf32, #tpu.memory_space<vmem>>, vector<1x16x256xf32>
    %get3A_115 = vector.shape_cast %get3A_114 : vector<1x16x256xf32> to vector<16x256xf32>
    %mul3A_116 = arith.mulf %get3A_115, %get3A_115 : vector<16x256xf32>
    %slice3A_117 = vector.extract_strided_slice %mul3A_116 {offsets = [0, 0], sizes = [16, 128], strides = [1, 1]} : vector<16x256xf32> to vector<16x128xf32>
    %slice3A_118 = vector.extract_strided_slice %mul3A_116 {offsets = [0, 128], sizes = [16, 128], strides = [1, 1]} : vector<16x256xf32> to vector<16x128xf32>
    %add3A_119 = arith.addf %slice3A_117, %slice3A_118 : vector<16x128xf32>
    %slice3A_120 = vector.extract_strided_slice %add3A_119 {offsets = [0, 0], sizes = [16, 64], strides = [1, 1]} : vector<16x128xf32> to vector<16x64xf32>
    %slice3A_121 = vector.extract_strided_slice %add3A_119 {offsets = [0, 64], sizes = [16, 64], strides = [1, 1]} : vector<16x128xf32> to vector<16x64xf32>
    %add3A_122 = arith.addf %slice3A_120, %slice3A_121 : vector<16x64xf32>
    %slice3A_123 = vector.extract_strided_slice %add3A_122 {offsets = [0, 0], sizes = [16, 32], strides = [1, 1]} : vector<16x64xf32> to vector<16x32xf32>
    %slice3A_124 = vector.extract_strided_slice %add3A_122 {offsets = [0, 32], sizes = [16, 32], strides = [1, 1]} : vector<16x64xf32> to vector<16x32xf32>
    %add3A_125 = arith.addf %slice3A_123, %slice3A_124 : vector<16x32xf32>
    %slice3A_126 = vector.extract_strided_slice %add3A_125 {offsets = [0, 0], sizes = [16, 16], strides = [1, 1]} : vector<16x32xf32> to vector<16x16xf32>
    %slice3A_127 = vector.extract_strided_slice %add3A_125 {offsets = [0, 16], sizes = [16, 16], strides = [1, 1]} : vector<16x32xf32> to vector<16x16xf32>
    %add3A_128 = arith.addf %slice3A_126, %slice3A_127 : vector<16x16xf32>
    %slice3A_129 = vector.extract_strided_slice %add3A_128 {offsets = [0, 0], sizes = [16, 8], strides = [1, 1]} : vector<16x16xf32> to vector<16x8xf32>
    %slice3A_130 = vector.extract_strided_slice %add3A_128 {offsets = [0, 8], sizes = [16, 8], strides = [1, 1]} : vector<16x16xf32> to vector<16x8xf32>
    %add3A_131 = arith.addf %slice3A_129, %slice3A_130 : vector<16x8xf32>
    %slice3A_132 = vector.extract_strided_slice %add3A_131 {offsets = [0, 0], sizes = [16, 4], strides = [1, 1]} : vector<16x8xf32> to vector<16x4xf32>
    %slice3A_133 = vector.extract_strided_slice %add3A_131 {offsets = [0, 4], sizes = [16, 4], strides = [1, 1]} : vector<16x8xf32> to vector<16x4xf32>
    %add3A_134 = arith.addf %slice3A_132, %slice3A_133 : vector<16x4xf32>
    %slice3A_135 = vector.extract_strided_slice %add3A_134 {offsets = [0, 0], sizes = [16, 2], strides = [1, 1]} : vector<16x4xf32> to vector<16x2xf32>
    %slice3A_136 = vector.extract_strided_slice %add3A_134 {offsets = [0, 2], sizes = [16, 2], strides = [1, 1]} : vector<16x4xf32> to vector<16x2xf32>
    %add3A_137 = arith.addf %slice3A_135, %slice3A_136 : vector<16x2xf32>
    %slice3A_138 = vector.extract_strided_slice %add3A_137 {offsets = [0, 0], sizes = [16, 1], strides = [1, 1]} : vector<16x2xf32> to vector<16x1xf32>
    %slice3A_139 = vector.extract_strided_slice %add3A_137 {offsets = [0, 1], sizes = [16, 1], strides = [1, 1]} : vector<16x2xf32> to vector<16x1xf32>
    %add3A_140 = arith.addf %slice3A_138, %slice3A_139 : vector<16x1xf32>
    %squeeze3A_141 = vector.shape_cast %add3A_140 : vector<16x1xf32> to vector<16xf32>
    %mul3A_142 = arith.mulf %sub3A_101, %sub3A_101 : vector<2048x256xf32>
    %slice3A_143 = vector.extract_strided_slice %mul3A_142 {offsets = [0, 0], sizes = [2048, 128], strides = [1, 1]} : vector<2048x256xf32> to vector<2048x128xf32>
    %slice3A_144 = vector.extract_strided_slice %mul3A_142 {offsets = [0, 128], sizes = [2048, 128], strides = [1, 1]} : vector<2048x256xf32> to vector<2048x128xf32>
    %add3A_145 = arith.addf %slice3A_143, %slice3A_144 : vector<2048x128xf32>
    %slice3A_146 = vector.extract_strided_slice %add3A_145 {offsets = [0, 0], sizes = [2048, 64], strides = [1, 1]} : vector<2048x128xf32> to vector<2048x64xf32>
    %slice3A_147 = vector.extract_strided_slice %add3A_145 {offsets = [0, 64], sizes = [2048, 64], strides = [1, 1]} : vector<2048x128xf32> to vector<2048x64xf32>
    %add3A_148 = arith.addf %slice3A_146, %slice3A_147 : vector<2048x64xf32>
    %slice3A_149 = vector.extract_strided_slice %add3A_148 {offsets = [0, 0], sizes = [2048, 32], strides = [1, 1]} : vector<2048x64xf32> to vector<2048x32xf32>
    %slice3A_150 = vector.extract_strided_slice %add3A_148 {offsets = [0, 32], sizes = [2048, 32], strides = [1, 1]} : vector<2048x64xf32> to vector<2048x32xf32>
    %add3A_151 = arith.addf %slice3A_149, %slice3A_150 : vector<2048x32xf32>
    %slice3A_152 = vector.extract_strided_slice %add3A_151 {offsets = [0, 0], sizes = [2048, 16], strides = [1, 1]} : vector<2048x32xf32> to vector<2048x16xf32>
    %slice3A_153 = vector.extract_strided_slice %add3A_151 {offsets = [0, 16], sizes = [2048, 16], strides = [1, 1]} : vector<2048x32xf32> to vector<2048x16xf32>
    %add3A_154 = arith.addf %slice3A_152, %slice3A_153 : vector<2048x16xf32>
    %slice3A_155 = vector.extract_strided_slice %add3A_154 {offsets = [0, 0], sizes = [2048, 8], strides = [1, 1]} : vector<2048x16xf32> to vector<2048x8xf32>
    %slice3A_156 = vector.extract_strided_slice %add3A_154 {offsets = [0, 8], sizes = [2048, 8], strides = [1, 1]} : vector<2048x16xf32> to vector<2048x8xf32>
    %add3A_157 = arith.addf %slice3A_155, %slice3A_156 : vector<2048x8xf32>
    %slice3A_158 = vector.extract_strided_slice %add3A_157 {offsets = [0, 0], sizes = [2048, 4], strides = [1, 1]} : vector<2048x8xf32> to vector<2048x4xf32>
    %slice3A_159 = vector.extract_strided_slice %add3A_157 {offsets = [0, 4], sizes = [2048, 4], strides = [1, 1]} : vector<2048x8xf32> to vector<2048x4xf32>
    %add3A_160 = arith.addf %slice3A_158, %slice3A_159 : vector<2048x4xf32>
    %slice3A_161 = vector.extract_strided_slice %add3A_160 {offsets = [0, 0], sizes = [2048, 2], strides = [1, 1]} : vector<2048x4xf32> to vector<2048x2xf32>
    %slice3A_162 = vector.extract_strided_slice %add3A_160 {offsets = [0, 2], sizes = [2048, 2], strides = [1, 1]} : vector<2048x4xf32> to vector<2048x2xf32>
    %add3A_163 = arith.addf %slice3A_161, %slice3A_162 : vector<2048x2xf32>
    %slice3A_164 = vector.extract_strided_slice %add3A_163 {offsets = [0, 0], sizes = [2048, 1], strides = [1, 1]} : vector<2048x2xf32> to vector<2048x1xf32>
    %slice3A_165 = vector.extract_strided_slice %add3A_163 {offsets = [0, 1], sizes = [2048, 1], strides = [1, 1]} : vector<2048x2xf32> to vector<2048x1xf32>
    %add3A_166 = arith.addf %slice3A_164, %slice3A_165 : vector<2048x1xf32>
    %dot_general3A_167 = arith.constant dense<0.000000e+00> : vector<2048x16xf32>
    %dot_general3A_168 = tpu.matmul %sub3A_101, %get3A_115, %dot_general3A_167 {dimension_numbers = #tpu.dot_dimension_numbers<[1], [1], [0], [0], [0, 0, 1, 0], [], []>, transpose_lhs_hint = false} : vector<2048x256xf32>, vector<16x256xf32>, vector<2048x16xf32> -> vector<2048x16xf32>
    %mul3A_169 = arith.constant 2.000000e+00 : f32
    %mul3A_170 = vector.broadcast %mul3A_169 : f32 to vector<2048x16xf32>
    %mul3A_171 = arith.mulf %mul3A_170, %dot_general3A_168 : vector<2048x16xf32>
    %sub3A_172 = vector.broadcast %add3A_166 : vector<2048x1xf32> to vector<2048x16xf32>
    %sub3A_173 = arith.subf %sub3A_172, %mul3A_171 : vector<2048x16xf32>
    %broadcast_in_dim3A_174 = vector.shape_cast %squeeze3A_141 : vector<16xf32> to vector<1x16xf32>
    %add3A_175 = vector.broadcast %broadcast_in_dim3A_174 : vector<1x16xf32> to vector<2048x16xf32>
    %add3A_176 = arith.addf %sub3A_173, %add3A_175 : vector<2048x16xf32>
    %reduce_min3A_177 = arith.constant dense<0x7F800000> : vector<2048xf32>
    %reduce_min3A_178 = vector.multi_reduction <minimumf>, %add3A_176, %reduce_min3A_177 [1] : vector<2048x16xf32> to vector<2048xf32>
    %broadcast_in_dim3A_179 = vector.shape_cast %reduce_min3A_178 : vector<2048xf32> to vector<2048x1xf32>
    %le3A_180 = vector.broadcast %broadcast_in_dim3A_179 : vector<2048x1xf32> to vector<2048x16xf32>
    %le3A_181 = arith.cmpf ole, %add3A_176, %le3A_180 : vector<2048x16xf32>
    %jit3A_182 = arith.constant 16 : i32
    %broadcast_in_dim3A_183 = vector.broadcast %jit3A_182 : i32 to vector<2048x16xi32>
    %select_n3A_184 = arith.select %le3A_181, %iota3A_27, %broadcast_in_dim3A_183 : vector<2048x16xi1>, vector<2048x16xi32>
    %reduce_min3A_185 = arith.constant dense<2147483647> : vector<2048xi32>
    %reduce_min3A_186 = vector.multi_reduction <minsi>, %select_n3A_184, %reduce_min3A_185 [1] : vector<2048x16xi32> to vector<2048xi32>
    %broadcast_in_dim3A_187 = vector.shape_cast %reduce_min3A_186 : vector<2048xi32> to vector<2048x1xi32>
    %eq3A_188 = vector.broadcast %broadcast_in_dim3A_187 : vector<2048x1xi32> to vector<2048x16xi32>
    %eq3A_189 = arith.cmpi eq, %iota3A_27, %eq3A_188 : vector<2048x16xi32>
    %convert_element_type3A_190 = arith.extui %eq3A_189 : vector<2048x16xi1> to vector<2048x16xi32>
    %convert_element_type3A_191 = arith.sitofp %convert_element_type3A_190 : vector<2048x16xi32> to vector<2048x16xf32>
    %dot_general3A_192 = arith.constant dense<0.000000e+00> : vector<2048x256xf32>
    %dot_general3A_193 = tpu.matmul %convert_element_type3A_191, %get3A_115, %dot_general3A_192 {dimension_numbers = #tpu.dot_dimension_numbers<[1], [0], [0], [1], [0, 0, 1, 1], [], []>, transpose_lhs_hint = false} : vector<2048x16xf32>, vector<16x256xf32>, vector<2048x256xf32> -> vector<2048x256xf32>
    %sub3A_194 = arith.subf %sub3A_101, %dot_general3A_193 : vector<2048x256xf32>
    %eq3A_195 = arith.constant 1 : i32
    %eq3A_196 = vector.broadcast %eq3A_195 : i32 to vector<2048x128xi32>
    %eq3A_197 = arith.cmpi eq, %iota3A, %eq3A_196 : vector<2048x128xi32>
    %jit3A_198 = arith.constant 0 : i32
    %broadcast_in_dim3A_199 = vector.shape_cast %broadcast_in_dim3A_187 : vector<2048x1xi32> to vector<2048x1xi32>
    %broadcast_in_dim3A_200 = vector.broadcast %broadcast_in_dim3A_199 : vector<2048x1xi32> to vector<2048x128xi32>
    %broadcast_in_dim3A_201 = vector.broadcast %jit3A_198 : i32 to vector<2048x128xi32>
    %select_n3A_202 = arith.select %eq3A_197, %broadcast_in_dim3A_200, %broadcast_in_dim3A_201 : vector<2048x128xi1>, vector<2048x128xi32>
    %add3A_203 = arith.addi %add3A_110, %select_n3A_202 : vector<2048x128xi32>
    %get3A_204 = arith.constant 2 : index
    %get3A_205 = arith.constant 0 : index
    %get3A_206 = arith.constant 0 : index
    %get3A_207 = vector.load %arg8[%get3A_204, %get3A_205, %get3A_206] : memref<3x16x256xf32, #tpu.memory_space<vmem>>, vector<1x16x256xf32>
    %get3A_208 = vector.shape_cast %get3A_207 : vector<1x16x256xf32> to vector<16x256xf32>
    %mul3A_209 = arith.mulf %get3A_208, %get3A_208 : vector<16x256xf32>
    %slice3A_210 = vector.extract_strided_slice %mul3A_209 {offsets = [0, 0], sizes = [16, 128], strides = [1, 1]} : vector<16x256xf32> to vector<16x128xf32>
    %slice3A_211 = vector.extract_strided_slice %mul3A_209 {offsets = [0, 128], sizes = [16, 128], strides = [1, 1]} : vector<16x256xf32> to vector<16x128xf32>
    %add3A_212 = arith.addf %slice3A_210, %slice3A_211 : vector<16x128xf32>
    %slice3A_213 = vector.extract_strided_slice %add3A_212 {offsets = [0, 0], sizes = [16, 64], strides = [1, 1]} : vector<16x128xf32> to vector<16x64xf32>
    %slice3A_214 = vector.extract_strided_slice %add3A_212 {offsets = [0, 64], sizes = [16, 64], strides = [1, 1]} : vector<16x128xf32> to vector<16x64xf32>
    %add3A_215 = arith.addf %slice3A_213, %slice3A_214 : vector<16x64xf32>
    %slice3A_216 = vector.extract_strided_slice %add3A_215 {offsets = [0, 0], sizes = [16, 32], strides = [1, 1]} : vector<16x64xf32> to vector<16x32xf32>
    %slice3A_217 = vector.extract_strided_slice %add3A_215 {offsets = [0, 32], sizes = [16, 32], strides = [1, 1]} : vector<16x64xf32> to vector<16x32xf32>
    %add3A_218 = arith.addf %slice3A_216, %slice3A_217 : vector<16x32xf32>
    %slice3A_219 = vector.extract_strided_slice %add3A_218 {offsets = [0, 0], sizes = [16, 16], strides = [1, 1]} : vector<16x32xf32> to vector<16x16xf32>
    %slice3A_220 = vector.extract_strided_slice %add3A_218 {offsets = [0, 16], sizes = [16, 16], strides = [1, 1]} : vector<16x32xf32> to vector<16x16xf32>
    %add3A_221 = arith.addf %slice3A_219, %slice3A_220 : vector<16x16xf32>
    %slice3A_222 = vector.extract_strided_slice %add3A_221 {offsets = [0, 0], sizes = [16, 8], strides = [1, 1]} : vector<16x16xf32> to vector<16x8xf32>
    %slice3A_223 = vector.extract_strided_slice %add3A_221 {offsets = [0, 8], sizes = [16, 8], strides = [1, 1]} : vector<16x16xf32> to vector<16x8xf32>
    %add3A_224 = arith.addf %slice3A_222, %slice3A_223 : vector<16x8xf32>
    %slice3A_225 = vector.extract_strided_slice %add3A_224 {offsets = [0, 0], sizes = [16, 4], strides = [1, 1]} : vector<16x8xf32> to vector<16x4xf32>
    %slice3A_226 = vector.extract_strided_slice %add3A_224 {offsets = [0, 4], sizes = [16, 4], strides = [1, 1]} : vector<16x8xf32> to vector<16x4xf32>
    %add3A_227 = arith.addf %slice3A_225, %slice3A_226 : vector<16x4xf32>
    %slice3A_228 = vector.extract_strided_slice %add3A_227 {offsets = [0, 0], sizes = [16, 2], strides = [1, 1]} : vector<16x4xf32> to vector<16x2xf32>
    %slice3A_229 = vector.extract_strided_slice %add3A_227 {offsets = [0, 2], sizes = [16, 2], strides = [1, 1]} : vector<16x4xf32> to vector<16x2xf32>
    %add3A_230 = arith.addf %slice3A_228, %slice3A_229 : vector<16x2xf32>
    %slice3A_231 = vector.extract_strided_slice %add3A_230 {offsets = [0, 0], sizes = [16, 1], strides = [1, 1]} : vector<16x2xf32> to vector<16x1xf32>
    %slice3A_232 = vector.extract_strided_slice %add3A_230 {offsets = [0, 1], sizes = [16, 1], strides = [1, 1]} : vector<16x2xf32> to vector<16x1xf32>
    %add3A_233 = arith.addf %slice3A_231, %slice3A_232 : vector<16x1xf32>
    %squeeze3A_234 = vector.shape_cast %add3A_233 : vector<16x1xf32> to vector<16xf32>
    %mul3A_235 = arith.mulf %sub3A_194, %sub3A_194 : vector<2048x256xf32>
    %slice3A_236 = vector.extract_strided_slice %mul3A_235 {offsets = [0, 0], sizes = [2048, 128], strides = [1, 1]} : vector<2048x256xf32> to vector<2048x128xf32>
    %slice3A_237 = vector.extract_strided_slice %mul3A_235 {offsets = [0, 128], sizes = [2048, 128], strides = [1, 1]} : vector<2048x256xf32> to vector<2048x128xf32>
    %add3A_238 = arith.addf %slice3A_236, %slice3A_237 : vector<2048x128xf32>
    %slice3A_239 = vector.extract_strided_slice %add3A_238 {offsets = [0, 0], sizes = [2048, 64], strides = [1, 1]} : vector<2048x128xf32> to vector<2048x64xf32>
    %slice3A_240 = vector.extract_strided_slice %add3A_238 {offsets = [0, 64], sizes = [2048, 64], strides = [1, 1]} : vector<2048x128xf32> to vector<2048x64xf32>
    %add3A_241 = arith.addf %slice3A_239, %slice3A_240 : vector<2048x64xf32>
    %slice3A_242 = vector.extract_strided_slice %add3A_241 {offsets = [0, 0], sizes = [2048, 32], strides = [1, 1]} : vector<2048x64xf32> to vector<2048x32xf32>
    %slice3A_243 = vector.extract_strided_slice %add3A_241 {offsets = [0, 32], sizes = [2048, 32], strides = [1, 1]} : vector<2048x64xf32> to vector<2048x32xf32>
    %add3A_244 = arith.addf %slice3A_242, %slice3A_243 : vector<2048x32xf32>
    %slice3A_245 = vector.extract_strided_slice %add3A_244 {offsets = [0, 0], sizes = [2048, 16], strides = [1, 1]} : vector<2048x32xf32> to vector<2048x16xf32>
    %slice3A_246 = vector.extract_strided_slice %add3A_244 {offsets = [0, 16], sizes = [2048, 16], strides = [1, 1]} : vector<2048x32xf32> to vector<2048x16xf32>
    %add3A_247 = arith.addf %slice3A_245, %slice3A_246 : vector<2048x16xf32>
    %slice3A_248 = vector.extract_strided_slice %add3A_247 {offsets = [0, 0], sizes = [2048, 8], strides = [1, 1]} : vector<2048x16xf32> to vector<2048x8xf32>
    %slice3A_249 = vector.extract_strided_slice %add3A_247 {offsets = [0, 8], sizes = [2048, 8], strides = [1, 1]} : vector<2048x16xf32> to vector<2048x8xf32>
    %add3A_250 = arith.addf %slice3A_248, %slice3A_249 : vector<2048x8xf32>
    %slice3A_251 = vector.extract_strided_slice %add3A_250 {offsets = [0, 0], sizes = [2048, 4], strides = [1, 1]} : vector<2048x8xf32> to vector<2048x4xf32>
    %slice3A_252 = vector.extract_strided_slice %add3A_250 {offsets = [0, 4], sizes = [2048, 4], strides = [1, 1]} : vector<2048x8xf32> to vector<2048x4xf32>
    %add3A_253 = arith.addf %slice3A_251, %slice3A_252 : vector<2048x4xf32>
    %slice3A_254 = vector.extract_strided_slice %add3A_253 {offsets = [0, 0], sizes = [2048, 2], strides = [1, 1]} : vector<2048x4xf32> to vector<2048x2xf32>
    %slice3A_255 = vector.extract_strided_slice %add3A_253 {offsets = [0, 2], sizes = [2048, 2], strides = [1, 1]} : vector<2048x4xf32> to vector<2048x2xf32>
    %add3A_256 = arith.addf %slice3A_254, %slice3A_255 : vector<2048x2xf32>
    %slice3A_257 = vector.extract_strided_slice %add3A_256 {offsets = [0, 0], sizes = [2048, 1], strides = [1, 1]} : vector<2048x2xf32> to vector<2048x1xf32>
    %slice3A_258 = vector.extract_strided_slice %add3A_256 {offsets = [0, 1], sizes = [2048, 1], strides = [1, 1]} : vector<2048x2xf32> to vector<2048x1xf32>
    %add3A_259 = arith.addf %slice3A_257, %slice3A_258 : vector<2048x1xf32>
    %dot_general3A_260 = arith.constant dense<0.000000e+00> : vector<2048x16xf32>
    %dot_general3A_261 = tpu.matmul %sub3A_194, %get3A_208, %dot_general3A_260 {dimension_numbers = #tpu.dot_dimension_numbers<[1], [1], [0], [0], [0, 0, 1, 0], [], []>, transpose_lhs_hint = false} : vector<2048x256xf32>, vector<16x256xf32>, vector<2048x16xf32> -> vector<2048x16xf32>
    %mul3A_262 = arith.constant 2.000000e+00 : f32
    %mul3A_263 = vector.broadcast %mul3A_262 : f32 to vector<2048x16xf32>
    %mul3A_264 = arith.mulf %mul3A_263, %dot_general3A_261 : vector<2048x16xf32>
    %sub3A_265 = vector.broadcast %add3A_259 : vector<2048x1xf32> to vector<2048x16xf32>
    %sub3A_266 = arith.subf %sub3A_265, %mul3A_264 : vector<2048x16xf32>
    %broadcast_in_dim3A_267 = vector.shape_cast %squeeze3A_234 : vector<16xf32> to vector<1x16xf32>
    %add3A_268 = vector.broadcast %broadcast_in_dim3A_267 : vector<1x16xf32> to vector<2048x16xf32>
    %add3A_269 = arith.addf %sub3A_266, %add3A_268 : vector<2048x16xf32>
    %reduce_min3A_270 = arith.constant dense<0x7F800000> : vector<2048xf32>
    %reduce_min3A_271 = vector.multi_reduction <minimumf>, %add3A_269, %reduce_min3A_270 [1] : vector<2048x16xf32> to vector<2048xf32>
    %broadcast_in_dim3A_272 = vector.shape_cast %reduce_min3A_271 : vector<2048xf32> to vector<2048x1xf32>
    %le3A_273 = vector.broadcast %broadcast_in_dim3A_272 : vector<2048x1xf32> to vector<2048x16xf32>
    %le3A_274 = arith.cmpf ole, %add3A_269, %le3A_273 : vector<2048x16xf32>
    %jit3A_275 = arith.constant 16 : i32
    %broadcast_in_dim3A_276 = vector.broadcast %jit3A_275 : i32 to vector<2048x16xi32>
    %select_n3A_277 = arith.select %le3A_274, %iota3A_27, %broadcast_in_dim3A_276 : vector<2048x16xi1>, vector<2048x16xi32>
    %reduce_min3A_278 = arith.constant dense<2147483647> : vector<2048xi32>
    %reduce_min3A_279 = vector.multi_reduction <minsi>, %select_n3A_277, %reduce_min3A_278 [1] : vector<2048x16xi32> to vector<2048xi32>
    %broadcast_in_dim3A_280 = vector.shape_cast %reduce_min3A_279 : vector<2048xi32> to vector<2048x1xi32>
    %eq3A_281 = vector.broadcast %broadcast_in_dim3A_280 : vector<2048x1xi32> to vector<2048x16xi32>
    %eq3A_282 = arith.cmpi eq, %iota3A_27, %eq3A_281 : vector<2048x16xi32>
    %convert_element_type3A_283 = arith.extui %eq3A_282 : vector<2048x16xi1> to vector<2048x16xi32>
    %convert_element_type3A_284 = arith.sitofp %convert_element_type3A_283 : vector<2048x16xi32> to vector<2048x16xf32>
    %dot_general3A_285 = arith.constant dense<0.000000e+00> : vector<2048x256xf32>
    %dot_general3A_286 = tpu.matmul %convert_element_type3A_284, %get3A_208, %dot_general3A_285 {dimension_numbers = #tpu.dot_dimension_numbers<[1], [0], [0], [1], [0, 0, 1, 1], [], []>, transpose_lhs_hint = false} : vector<2048x16xf32>, vector<16x256xf32>, vector<2048x256xf32> -> vector<2048x256xf32>
    %sub3A_287 = arith.subf %sub3A_194, %dot_general3A_286 : vector<2048x256xf32>
    %eq3A_288 = arith.constant 2 : i32
    %eq3A_289 = vector.broadcast %eq3A_288 : i32 to vector<2048x128xi32>
    %eq3A_290 = arith.cmpi eq, %iota3A, %eq3A_289 : vector<2048x128xi32>
    %jit3A_291 = arith.constant 0 : i32
    %broadcast_in_dim3A_292 = vector.shape_cast %broadcast_in_dim3A_280 : vector<2048x1xi32> to vector<2048x1xi32>
    %broadcast_in_dim3A_293 = vector.broadcast %broadcast_in_dim3A_292 : vector<2048x1xi32> to vector<2048x128xi32>
    %broadcast_in_dim3A_294 = vector.broadcast %jit3A_291 : i32 to vector<2048x128xi32>
    %select_n3A_295 = arith.select %eq3A_290, %broadcast_in_dim3A_293, %broadcast_in_dim3A_294 : vector<2048x128xi1>, vector<2048x128xi32>
    %add3A_296 = arith.addi %add3A_203, %select_n3A_295 : vector<2048x128xi32>
    %iota3A_297 = tpu.iota {dimensions = array<i32: 0>} : vector<2048x256xi32>
    %mul3A_298 = arith.constant 2048 : i32
    %mul3A_299 = arith.muli %arg0, %mul3A_298 : i32
    %add3A_300 = vector.broadcast %mul3A_299 : i32 to vector<2048x256xi32>
    %add3A_301 = arith.addi %iota3A_297, %add3A_300 : vector<2048x256xi32>
    %lt3A = arith.constant 10000 : i32
    %lt3A_302 = vector.broadcast %lt3A : i32 to vector<2048x256xi32>
    %lt3A_303 = arith.cmpi slt, %add3A_301, %lt3A_302 : vector<2048x256xi32>
    %mul3A_304 = arith.mulf %sub3A_287, %sub3A_287 : vector<2048x256xf32>
    %jit3A_305 = arith.constant 0.000000e+00 : f32
    %broadcast_in_dim3A_306 = vector.broadcast %jit3A_305 : f32 to vector<2048x256xf32>
    %select_n3A_307 = arith.select %lt3A_303, %mul3A_304, %broadcast_in_dim3A_306 : vector<2048x256xi1>, vector<2048x256xf32>
    %reduce_sum3A = vector.shape_cast %select_n3A_307 : vector<2048x256xf32> to vector<1x2048x256xf32>
    %reduce_sum3A_308 = arith.constant dense<0.000000e+00> : vector<1xf32>
    %reduce_sum3A_309 = vector.multi_reduction <add>, %reduce_sum3A, %reduce_sum3A_308 [1, 2] : vector<1x2048x256xf32> to vector<1xf32>
    %reduce_sum3A_310 = vector.shape_cast %reduce_sum3A_309 : vector<1xf32> to vector<1x1x1xf32>
    %reduce_sum3A_311 = vector.extract %reduce_sum3A_310[0, 0, 0] : f32 from vector<1x1x1xf32>
    %get3A_312 = arith.constant 0 : index
    %get3A_313 = arith.constant 0 : index
    %get3A_314 = vector.load %arg9[%get3A_312, %get3A_313] : memref<1x256xf32, #tpu.memory_space<vmem>>, vector<1x256xf32>
    %get3A_315 = arith.constant 0 : index
    %get3A_316 = arith.constant 0 : index
    %get3A_317 = vector.load %arg10[%get3A_315, %get3A_316] : memref<1x256xf32, #tpu.memory_space<vmem>>, vector<1x256xf32>
    %slice3A_318 = vector.extract_strided_slice %add3A_25 {offsets = [0, 0], sizes = [2048, 128], strides = [1, 1]} : vector<2048x256xf32> to vector<2048x128xf32>
    %slice3A_319 = vector.extract_strided_slice %add3A_25 {offsets = [0, 128], sizes = [2048, 128], strides = [1, 1]} : vector<2048x256xf32> to vector<2048x128xf32>
    %add3A_320 = arith.addf %slice3A_318, %slice3A_319 : vector<2048x128xf32>
    %slice3A_321 = vector.extract_strided_slice %add3A_320 {offsets = [0, 0], sizes = [2048, 64], strides = [1, 1]} : vector<2048x128xf32> to vector<2048x64xf32>
    %slice3A_322 = vector.extract_strided_slice %add3A_320 {offsets = [0, 64], sizes = [2048, 64], strides = [1, 1]} : vector<2048x128xf32> to vector<2048x64xf32>
    %add3A_323 = arith.addf %slice3A_321, %slice3A_322 : vector<2048x64xf32>
    %slice3A_324 = vector.extract_strided_slice %add3A_323 {offsets = [0, 0], sizes = [2048, 32], strides = [1, 1]} : vector<2048x64xf32> to vector<2048x32xf32>
    %slice3A_325 = vector.extract_strided_slice %add3A_323 {offsets = [0, 32], sizes = [2048, 32], strides = [1, 1]} : vector<2048x64xf32> to vector<2048x32xf32>
    %add3A_326 = arith.addf %slice3A_324, %slice3A_325 : vector<2048x32xf32>
    %slice3A_327 = vector.extract_strided_slice %add3A_326 {offsets = [0, 0], sizes = [2048, 16], strides = [1, 1]} : vector<2048x32xf32> to vector<2048x16xf32>
    %slice3A_328 = vector.extract_strided_slice %add3A_326 {offsets = [0, 16], sizes = [2048, 16], strides = [1, 1]} : vector<2048x32xf32> to vector<2048x16xf32>
    %add3A_329 = arith.addf %slice3A_327, %slice3A_328 : vector<2048x16xf32>
    %slice3A_330 = vector.extract_strided_slice %add3A_329 {offsets = [0, 0], sizes = [2048, 8], strides = [1, 1]} : vector<2048x16xf32> to vector<2048x8xf32>
    %slice3A_331 = vector.extract_strided_slice %add3A_329 {offsets = [0, 8], sizes = [2048, 8], strides = [1, 1]} : vector<2048x16xf32> to vector<2048x8xf32>
    %add3A_332 = arith.addf %slice3A_330, %slice3A_331 : vector<2048x8xf32>
    %slice3A_333 = vector.extract_strided_slice %add3A_332 {offsets = [0, 0], sizes = [2048, 4], strides = [1, 1]} : vector<2048x8xf32> to vector<2048x4xf32>
    %slice3A_334 = vector.extract_strided_slice %add3A_332 {offsets = [0, 4], sizes = [2048, 4], strides = [1, 1]} : vector<2048x8xf32> to vector<2048x4xf32>
    %add3A_335 = arith.addf %slice3A_333, %slice3A_334 : vector<2048x4xf32>
    %slice3A_336 = vector.extract_strided_slice %add3A_335 {offsets = [0, 0], sizes = [2048, 2], strides = [1, 1]} : vector<2048x4xf32> to vector<2048x2xf32>
    %slice3A_337 = vector.extract_strided_slice %add3A_335 {offsets = [0, 2], sizes = [2048, 2], strides = [1, 1]} : vector<2048x4xf32> to vector<2048x2xf32>
    %add3A_338 = arith.addf %slice3A_336, %slice3A_337 : vector<2048x2xf32>
    %slice3A_339 = vector.extract_strided_slice %add3A_338 {offsets = [0, 0], sizes = [2048, 1], strides = [1, 1]} : vector<2048x2xf32> to vector<2048x1xf32>
    %slice3A_340 = vector.extract_strided_slice %add3A_338 {offsets = [0, 1], sizes = [2048, 1], strides = [1, 1]} : vector<2048x2xf32> to vector<2048x1xf32>
    %add3A_341 = arith.addf %slice3A_339, %slice3A_340 : vector<2048x1xf32>
    %mul3A_342 = arith.constant 3.906250e-03 : f32
    %mul3A_343 = vector.broadcast %mul3A_342 : f32 to vector<2048x1xf32>
    %mul3A_344 = arith.mulf %add3A_341, %mul3A_343 : vector<2048x1xf32>
    %sub3A_345 = vector.broadcast %mul3A_344 : vector<2048x1xf32> to vector<2048x256xf32>
    %sub3A_346 = arith.subf %add3A_25, %sub3A_345 : vector<2048x256xf32>
    %mul3A_347 = arith.mulf %sub3A_346, %sub3A_346 : vector<2048x256xf32>
    %slice3A_348 = vector.extract_strided_slice %mul3A_347 {offsets = [0, 0], sizes = [2048, 128], strides = [1, 1]} : vector<2048x256xf32> to vector<2048x128xf32>
    %slice3A_349 = vector.extract_strided_slice %mul3A_347 {offsets = [0, 128], sizes = [2048, 128], strides = [1, 1]} : vector<2048x256xf32> to vector<2048x128xf32>
    %add3A_350 = arith.addf %slice3A_348, %slice3A_349 : vector<2048x128xf32>
    %slice3A_351 = vector.extract_strided_slice %add3A_350 {offsets = [0, 0], sizes = [2048, 64], strides = [1, 1]} : vector<2048x128xf32> to vector<2048x64xf32>
    %slice3A_352 = vector.extract_strided_slice %add3A_350 {offsets = [0, 64], sizes = [2048, 64], strides = [1, 1]} : vector<2048x128xf32> to vector<2048x64xf32>
    %add3A_353 = arith.addf %slice3A_351, %slice3A_352 : vector<2048x64xf32>
    %slice3A_354 = vector.extract_strided_slice %add3A_353 {offsets = [0, 0], sizes = [2048, 32], strides = [1, 1]} : vector<2048x64xf32> to vector<2048x32xf32>
    %slice3A_355 = vector.extract_strided_slice %add3A_353 {offsets = [0, 32], sizes = [2048, 32], strides = [1, 1]} : vector<2048x64xf32> to vector<2048x32xf32>
    %add3A_356 = arith.addf %slice3A_354, %slice3A_355 : vector<2048x32xf32>
    %slice3A_357 = vector.extract_strided_slice %add3A_356 {offsets = [0, 0], sizes = [2048, 16], strides = [1, 1]} : vector<2048x32xf32> to vector<2048x16xf32>
    %slice3A_358 = vector.extract_strided_slice %add3A_356 {offsets = [0, 16], sizes = [2048, 16], strides = [1, 1]} : vector<2048x32xf32> to vector<2048x16xf32>
    %add3A_359 = arith.addf %slice3A_357, %slice3A_358 : vector<2048x16xf32>
    %slice3A_360 = vector.extract_strided_slice %add3A_359 {offsets = [0, 0], sizes = [2048, 8], strides = [1, 1]} : vector<2048x16xf32> to vector<2048x8xf32>
    %slice3A_361 = vector.extract_strided_slice %add3A_359 {offsets = [0, 8], sizes = [2048, 8], strides = [1, 1]} : vector<2048x16xf32> to vector<2048x8xf32>
    %add3A_362 = arith.addf %slice3A_360, %slice3A_361 : vector<2048x8xf32>
    %slice3A_363 = vector.extract_strided_slice %add3A_362 {offsets = [0, 0], sizes = [2048, 4], strides = [1, 1]} : vector<2048x8xf32> to vector<2048x4xf32>
    %slice3A_364 = vector.extract_strided_slice %add3A_362 {offsets = [0, 4], sizes = [2048, 4], strides = [1, 1]} : vector<2048x8xf32> to vector<2048x4xf32>
    %add3A_365 = arith.addf %slice3A_363, %slice3A_364 : vector<2048x4xf32>
    %slice3A_366 = vector.extract_strided_slice %add3A_365 {offsets = [0, 0], sizes = [2048, 2], strides = [1, 1]} : vector<2048x4xf32> to vector<2048x2xf32>
    %slice3A_367 = vector.extract_strided_slice %add3A_365 {offsets = [0, 2], sizes = [2048, 2], strides = [1, 1]} : vector<2048x4xf32> to vector<2048x2xf32>
    %add3A_368 = arith.addf %slice3A_366, %slice3A_367 : vector<2048x2xf32>
    %slice3A_369 = vector.extract_strided_slice %add3A_368 {offsets = [0, 0], sizes = [2048, 1], strides = [1, 1]} : vector<2048x2xf32> to vector<2048x1xf32>
    %slice3A_370 = vector.extract_strided_slice %add3A_368 {offsets = [0, 1], sizes = [2048, 1], strides = [1, 1]} : vector<2048x2xf32> to vector<2048x1xf32>
    %add3A_371 = arith.addf %slice3A_369, %slice3A_370 : vector<2048x1xf32>
    %mul3A_372 = arith.constant 3.906250e-03 : f32
    %mul3A_373 = vector.broadcast %mul3A_372 : f32 to vector<2048x1xf32>
    %mul3A_374 = arith.mulf %add3A_371, %mul3A_373 : vector<2048x1xf32>
    %add3A_375 = arith.constant 9.99999974E-6 : f32
    %add3A_376 = vector.broadcast %add3A_375 : f32 to vector<2048x1xf32>
    %add3A_377 = arith.addf %mul3A_374, %add3A_376 : vector<2048x1xf32>
    %sqrt3A = math.sqrt %add3A_377 : vector<2048x1xf32>
    %div3A = vector.broadcast %sqrt3A : vector<2048x1xf32> to vector<2048x256xf32>
    %div3A_378 = arith.divf %sub3A_346, %div3A : vector<2048x256xf32>
    %mul3A_379 = vector.broadcast %get3A_314 : vector<1x256xf32> to vector<2048x256xf32>
    %mul3A_380 = arith.mulf %div3A_378, %mul3A_379 : vector<2048x256xf32>
    %add3A_381 = vector.broadcast %get3A_317 : vector<1x256xf32> to vector<2048x256xf32>
    %add3A_382 = arith.addf %mul3A_380, %add3A_381 : vector<2048x256xf32>
    %max3A = arith.constant 0.000000e+00 : f32
    %max3A_383 = vector.broadcast %max3A : f32 to vector<2048x256xf32>
    %max3A_384 = arith.maximumf %add3A_382, %max3A_383 : vector<2048x256xf32>
    %slice3A_385 = vector.extract_strided_slice %max3A_384 {offsets = [0, 0], sizes = [2048, 128], strides = [1, 1]} : vector<2048x256xf32> to vector<2048x128xf32>
    %swap3A = arith.constant 0 : index
    %swap3A_386 = arith.constant 0 : index
    %swap3A_387 = vector.load %arg11[%swap3A, %swap3A_386] : memref<2048x128xf32, #tpu.memory_space<vmem>>, vector<2048x128xf32>
    tpu.vector_store %arg11[%swap3A, %swap3A_386], %slice3A_385 {strides = array<i32>} : memref<2048x128xf32, #tpu.memory_space<vmem>>, vector<2048x128xf32>,
    %slice3A_388 = vector.extract_strided_slice %max3A_384 {offsets = [0, 128], sizes = [2048, 128], strides = [1, 1]} : vector<2048x256xf32> to vector<2048x128xf32>
    %swap3A_389 = arith.constant 0 : index
    %swap3A_390 = arith.constant 0 : index
    %swap3A_391 = vector.load %arg12[%swap3A_389, %swap3A_390] : memref<2048x128xf32, #tpu.memory_space<vmem>>, vector<2048x128xf32>
    tpu.vector_store %arg12[%swap3A_389, %swap3A_390], %slice3A_388 {strides = array<i32>} : memref<2048x128xf32, #tpu.memory_space<vmem>>, vector<2048x128xf32>,
    %swap3A_392 = arith.constant 0 : index
    %swap3A_393 = arith.constant 0 : index
    %swap3A_394 = vector.load %arg13[%swap3A_392, %swap3A_393] : memref<2048x128xi32, #tpu.memory_space<vmem>>, vector<2048x128xi32>
    tpu.vector_store %arg13[%swap3A_392, %swap3A_393], %add3A_296 {strides = array<i32>} : memref<2048x128xi32, #tpu.memory_space<vmem>>, vector<2048x128xi32>,
    %eq3A_395 = arith.constant 0 : i32
    %eq3A_396 = arith.cmpi eq, %arg0, %eq3A_395 : i32
    %convert_element_type3A_397 = arith.extui %eq3A_396 : i1 to i32
    %cond3A = arith.constant 0 : i32
    %cond3A_398 = arith.cmpi ne, %convert_element_type3A_397, %cond3A : i32
    scf.if %cond3A_398 {
      %broadcast_in_dim3A_407 = arith.constant 0.000000e+00 : f32
      %broadcast_in_dim3A_408 = vector.broadcast %broadcast_in_dim3A_407 : f32 to vector<1x1xf32>
      %swap3A_409 = arith.constant 0 : index
      %swap3A_410 = arith.constant 0 : index
      %swap3A_411 = vector.load %arg14[%swap3A_409, %swap3A_410] : memref<1x1xf32, #tpu.memory_space<vmem>>, vector<1x1xf32>
      tpu.vector_store %arg14[%swap3A_409, %swap3A_410], %broadcast_in_dim3A_408 {strides = array<i32>} : memref<1x1xf32, #tpu.memory_space<vmem>>, vector<1x1xf32>,
    } else {
    }
    %get3A_399 = arith.constant 0 : index
    %get3A_400 = arith.constant 0 : index
    %get3A_401 = vector.load %arg14[%get3A_399, %get3A_400] : memref<1x1xf32, #tpu.memory_space<vmem>>, vector<1x1xf32>
    %add3A_402 = vector.broadcast %reduce_sum3A_311 : f32 to vector<1x1xf32>
    %add3A_403 = arith.addf %get3A_401, %add3A_402 : vector<1x1xf32>
    %swap3A_404 = arith.constant 0 : index
    %swap3A_405 = arith.constant 0 : index
    %swap3A_406 = vector.load %arg14[%swap3A_404, %swap3A_405] : memref<1x1xf32, #tpu.memory_space<vmem>>, vector<1x1xf32>
    tpu.vector_store %arg14[%swap3A_404, %swap3A_405], %add3A_403 {strides = array<i32>} : memref<1x1xf32, #tpu.memory_space<vmem>>, vector<1x1xf32>,
    return
  }
  func.func @transform_0(%arg0: i32) -> (i32, i32) {
    %c0_i32 = arith.constant 0 : i32
    %c0_i32_0 = arith.constant 0 : i32
    return %arg0, %c0_i32 : i32, i32
  }
  func.func @transform_1(%arg0: i32) -> (i32, i32) {
    %c0_i32 = arith.constant 0 : i32
    %c0_i32_0 = arith.constant 0 : i32
    return %arg0, %c0_i32 : i32, i32
  }
  func.func @transform_2(%arg0: i32) -> (i32, i32) {
    %c0_i32 = arith.constant 0 : i32
    %c0_i32_0 = arith.constant 0 : i32
    return %arg0, %c0_i32 : i32, i32
  }
  func.func @transform_3(%arg0: i32) -> (i32, i32) {
    %c0_i32 = arith.constant 0 : i32
    %c0_i32_0 = arith.constant 0 : i32
    return %arg0, %c0_i32 : i32, i32
  }
  func.func @transform_4(%arg0: i32) -> (i32, i32) {
    %c0_i32 = arith.constant 0 : i32
    %c0_i32_0 = arith.constant 0 : i32
    %c0_i32_1 = arith.constant 0 : i32
    return %c0_i32, %c0_i32_0 : i32, i32
  }
  func.func @transform_5(%arg0: i32) -> (i32, i32) {
    %c0_i32 = arith.constant 0 : i32
    %c0_i32_0 = arith.constant 0 : i32
    %c0_i32_1 = arith.constant 0 : i32
    return %c0_i32, %c0_i32_0 : i32, i32
  }
  func.func @transform_6(%arg0: i32) -> (i32, i32) {
    %c0_i32 = arith.constant 0 : i32
    %c0_i32_0 = arith.constant 0 : i32
    %c0_i32_1 = arith.constant 0 : i32
    return %c0_i32, %c0_i32_0 : i32, i32
  }
  func.func @transform_7(%arg0: i32) -> (i32, i32, i32) {
    %c0_i32 = arith.constant 0 : i32
    %c0_i32_0 = arith.constant 0 : i32
    %c0_i32_1 = arith.constant 0 : i32
    %c0_i32_2 = arith.constant 0 : i32
    return %c0_i32, %c0_i32_0, %c0_i32_1 : i32, i32, i32
  }
  func.func @transform_8(%arg0: i32) -> (i32, i32) {
    %c0_i32 = arith.constant 0 : i32
    %c0_i32_0 = arith.constant 0 : i32
    %c0_i32_1 = arith.constant 0 : i32
    return %c0_i32, %c0_i32_0 : i32, i32
  }
  func.func @transform_9(%arg0: i32) -> (i32, i32) {
    %c0_i32 = arith.constant 0 : i32
    %c0_i32_0 = arith.constant 0 : i32
    %c0_i32_1 = arith.constant 0 : i32
    return %c0_i32, %c0_i32_0 : i32, i32
  }
  func.func @transform_10(%arg0: i32) -> (i32, i32) {
    %c0_i32 = arith.constant 0 : i32
    %c0_i32_0 = arith.constant 0 : i32
    return %arg0, %c0_i32 : i32, i32
  }
  func.func @transform_11(%arg0: i32) -> (i32, i32) {
    %c0_i32 = arith.constant 0 : i32
    %c0_i32_0 = arith.constant 0 : i32
    return %arg0, %c0_i32 : i32, i32
  }
  func.func @transform_12(%arg0: i32) -> (i32, i32) {
    %c0_i32 = arith.constant 0 : i32
    %c0_i32_0 = arith.constant 0 : i32
    return %arg0, %c0_i32 : i32, i32
  }
  func.func @transform_13(%arg0: i32) -> (i32, i32) {
    %c0_i32 = arith.constant 0 : i32
    %c0_i32_0 = arith.constant 0 : i32
    %c0_i32_1 = arith.constant 0 : i32
    return %c0_i32, %c0_i32_0 : i32, i32
  }
}

module attributes {stable_mosaic.version = 14 : i64} {
  func.func @_k_out(%arg0: i32, %arg1: memref<2048x128xf32, #tpu.memory_space<vmem>>, %arg2: memref<2048x128xf32, #tpu.memory_space<vmem>>, %arg3: memref<2048x128xf32, #tpu.memory_space<vmem>>, %arg4: memref<2048x128xf32, #tpu.memory_space<vmem>>, %arg5: memref<256x256xf32, #tpu.memory_space<vmem>>, %arg6: memref<256x256xf32, #tpu.memory_space<vmem>>, %arg7: memref<1x256xf32, #tpu.memory_space<vmem>>, %arg8: memref<3x16x256xf32, #tpu.memory_space<vmem>>, %arg9: memref<1x256xf32, #tpu.memory_space<vmem>>, %arg10: memref<1x256xf32, #tpu.memory_space<vmem>>, %arg11: memref<2048x256xf32, #tpu.memory_space<vmem>>, %arg12: memref<2048x128xi32, #tpu.memory_space<vmem>>, %arg13: memref<1x1xf32, #tpu.memory_space<vmem>>) attributes {dimension_semantics = [#tpu.dimension_semantics<arbitrary>], iteration_bounds = array<i64: 5>, scalar_prefetch = 0 : i64, scratch_operands = 0 : i64, tpu.core_type = #tpu.core_type<tc>, window_params = [{transform_indices = @transform_0, window_bounds = array<i64: 2048, 128>}, {transform_indices = @transform_1, window_bounds = array<i64: 2048, 128>}, {transform_indices = @transform_2, window_bounds = array<i64: 2048, 128>}, {transform_indices = @transform_3, window_bounds = array<i64: 2048, 128>}, {pipeline_mode = #tpu.pipeline_mode<synchronous>, transform_indices = @transform_4, window_bounds = array<i64: 256, 256>}, {pipeline_mode = #tpu.pipeline_mode<synchronous>, transform_indices = @transform_5, window_bounds = array<i64: 256, 256>}, {pipeline_mode = #tpu.pipeline_mode<synchronous>, transform_indices = @transform_6, window_bounds = array<i64: 1, 256>}, {pipeline_mode = #tpu.pipeline_mode<synchronous>, transform_indices = @transform_7, window_bounds = array<i64: 3, 16, 256>}, {pipeline_mode = #tpu.pipeline_mode<synchronous>, transform_indices = @transform_8, window_bounds = array<i64: 1, 256>}, {pipeline_mode = #tpu.pipeline_mode<synchronous>, transform_indices = @transform_9, window_bounds = array<i64: 1, 256>}, {transform_indices = @transform_10, window_bounds = array<i64: 2048, 256>}, {transform_indices = @transform_11, window_bounds = array<i64: 2048, 128>}, {pipeline_mode = #tpu.pipeline_mode<synchronous>, transform_indices = @transform_12, window_bounds = array<i64: 1, 1>}]} {
    %get3A = arith.constant 0 : index
    %get3A_0 = arith.constant 0 : index
    %get3A_1 = vector.load %arg1[%get3A, %get3A_0] : memref<2048x128xf32, #tpu.memory_space<vmem>>, vector<2048x128xf32>
    %get3A_2 = arith.constant 0 : index
    %get3A_3 = arith.constant 0 : index
    %get3A_4 = vector.load %arg2[%get3A_2, %get3A_3] : memref<2048x128xf32, #tpu.memory_space<vmem>>, vector<2048x128xf32>
    %concatenate3A = tpu.concatenate %get3A_1, %get3A_4 in 1 : vector<2048x128xf32>, vector<2048x128xf32> -> vector<2048x256xf32>
    %get3A_5 = arith.constant 0 : index
    %get3A_6 = arith.constant 0 : index
    %get3A_7 = vector.load %arg3[%get3A_5, %get3A_6] : memref<2048x128xf32, #tpu.memory_space<vmem>>, vector<2048x128xf32>
    %get3A_8 = arith.constant 0 : index
    %get3A_9 = arith.constant 0 : index
    %get3A_10 = vector.load %arg4[%get3A_8, %get3A_9] : memref<2048x128xf32, #tpu.memory_space<vmem>>, vector<2048x128xf32>
    %concatenate3A_11 = tpu.concatenate %get3A_7, %get3A_10 in 1 : vector<2048x128xf32>, vector<2048x128xf32> -> vector<2048x256xf32>
    %get3A_12 = arith.constant 0 : index
    %get3A_13 = arith.constant 0 : index
    %get3A_14 = vector.load %arg5[%get3A_12, %get3A_13] : memref<256x256xf32, #tpu.memory_space<vmem>>, vector<256x256xf32>
    %dot_general3A = arith.constant dense<0.000000e+00> : vector<2048x256xf32>
    %dot_general3A_15 = tpu.matmul %concatenate3A, %get3A_14, %dot_general3A {dimension_numbers = #tpu.dot_dimension_numbers<[1], [0], [0], [1], [0, 0, 1, 1], [], []>, transpose_lhs_hint = false} : vector<2048x256xf32>, vector<256x256xf32>, vector<2048x256xf32> -> vector<2048x256xf32>
    %get3A_16 = arith.constant 0 : index
    %get3A_17 = arith.constant 0 : index
    %get3A_18 = vector.load %arg7[%get3A_16, %get3A_17] : memref<1x256xf32, #tpu.memory_space<vmem>>, vector<1x256xf32>
    %add3A = vector.broadcast %get3A_18 : vector<1x256xf32> to vector<2048x256xf32>
    %add3A_19 = arith.addf %dot_general3A_15, %add3A : vector<2048x256xf32>
    %get3A_20 = arith.constant 0 : index
    %get3A_21 = arith.constant 0 : index
    %get3A_22 = vector.load %arg6[%get3A_20, %get3A_21] : memref<256x256xf32, #tpu.memory_space<vmem>>, vector<256x256xf32>
    %dot_general3A_23 = arith.constant dense<0.000000e+00> : vector<2048x256xf32>
    %dot_general3A_24 = tpu.matmul %concatenate3A_11, %get3A_22, %dot_general3A_23 {dimension_numbers = #tpu.dot_dimension_numbers<[1], [0], [0], [1], [0, 0, 1, 1], [], []>, transpose_lhs_hint = false} : vector<2048x256xf32>, vector<256x256xf32>, vector<2048x256xf32> -> vector<2048x256xf32>
    %add3A_25 = arith.addf %add3A_19, %dot_general3A_24 : vector<2048x256xf32>
    %iota3A = tpu.iota {dimensions = array<i32: 1>} : vector<2048x128xi32>
    %broadcast_in_dim3A = arith.constant 0 : i32
    %broadcast_in_dim3A_26 = vector.broadcast %broadcast_in_dim3A : i32 to vector<2048x128xi32>
    %iota3A_27 = tpu.iota {dimensions = array<i32: 1>} : vector<2048x16xi32>
    %get3A_28 = arith.constant 0 : index
    %get3A_29 = arith.constant 0 : index
    %get3A_30 = arith.constant 0 : index
    %get3A_31 = vector.load %arg8[%get3A_28, %get3A_29, %get3A_30] : memref<3x16x256xf32, #tpu.memory_space<vmem>>, vector<1x16x256xf32>
    %get3A_32 = vector.shape_cast %get3A_31 : vector<1x16x256xf32> to vector<16x256xf32>
    %mul3A = arith.mulf %get3A_32, %get3A_32 : vector<16x256xf32>
    %slice3A = vector.extract_strided_slice %mul3A {offsets = [0, 0], sizes = [16, 128], strides = [1, 1]} : vector<16x256xf32> to vector<16x128xf32>
    %slice3A_33 = vector.extract_strided_slice %mul3A {offsets = [0, 128], sizes = [16, 128], strides = [1, 1]} : vector<16x256xf32> to vector<16x128xf32>
    %add3A_34 = arith.addf %slice3A, %slice3A_33 : vector<16x128xf32>
    %slice3A_35 = vector.extract_strided_slice %add3A_34 {offsets = [0, 0], sizes = [16, 64], strides = [1, 1]} : vector<16x128xf32> to vector<16x64xf32>
    %slice3A_36 = vector.extract_strided_slice %add3A_34 {offsets = [0, 64], sizes = [16, 64], strides = [1, 1]} : vector<16x128xf32> to vector<16x64xf32>
    %add3A_37 = arith.addf %slice3A_35, %slice3A_36 : vector<16x64xf32>
    %slice3A_38 = vector.extract_strided_slice %add3A_37 {offsets = [0, 0], sizes = [16, 32], strides = [1, 1]} : vector<16x64xf32> to vector<16x32xf32>
    %slice3A_39 = vector.extract_strided_slice %add3A_37 {offsets = [0, 32], sizes = [16, 32], strides = [1, 1]} : vector<16x64xf32> to vector<16x32xf32>
    %add3A_40 = arith.addf %slice3A_38, %slice3A_39 : vector<16x32xf32>
    %slice3A_41 = vector.extract_strided_slice %add3A_40 {offsets = [0, 0], sizes = [16, 16], strides = [1, 1]} : vector<16x32xf32> to vector<16x16xf32>
    %slice3A_42 = vector.extract_strided_slice %add3A_40 {offsets = [0, 16], sizes = [16, 16], strides = [1, 1]} : vector<16x32xf32> to vector<16x16xf32>
    %add3A_43 = arith.addf %slice3A_41, %slice3A_42 : vector<16x16xf32>
    %slice3A_44 = vector.extract_strided_slice %add3A_43 {offsets = [0, 0], sizes = [16, 8], strides = [1, 1]} : vector<16x16xf32> to vector<16x8xf32>
    %slice3A_45 = vector.extract_strided_slice %add3A_43 {offsets = [0, 8], sizes = [16, 8], strides = [1, 1]} : vector<16x16xf32> to vector<16x8xf32>
    %add3A_46 = arith.addf %slice3A_44, %slice3A_45 : vector<16x8xf32>
    %slice3A_47 = vector.extract_strided_slice %add3A_46 {offsets = [0, 0], sizes = [16, 4], strides = [1, 1]} : vector<16x8xf32> to vector<16x4xf32>
    %slice3A_48 = vector.extract_strided_slice %add3A_46 {offsets = [0, 4], sizes = [16, 4], strides = [1, 1]} : vector<16x8xf32> to vector<16x4xf32>
    %add3A_49 = arith.addf %slice3A_47, %slice3A_48 : vector<16x4xf32>
    %slice3A_50 = vector.extract_strided_slice %add3A_49 {offsets = [0, 0], sizes = [16, 2], strides = [1, 1]} : vector<16x4xf32> to vector<16x2xf32>
    %slice3A_51 = vector.extract_strided_slice %add3A_49 {offsets = [0, 2], sizes = [16, 2], strides = [1, 1]} : vector<16x4xf32> to vector<16x2xf32>
    %add3A_52 = arith.addf %slice3A_50, %slice3A_51 : vector<16x2xf32>
    %slice3A_53 = vector.extract_strided_slice %add3A_52 {offsets = [0, 0], sizes = [16, 1], strides = [1, 1]} : vector<16x2xf32> to vector<16x1xf32>
    %slice3A_54 = vector.extract_strided_slice %add3A_52 {offsets = [0, 1], sizes = [16, 1], strides = [1, 1]} : vector<16x2xf32> to vector<16x1xf32>
    %add3A_55 = arith.addf %slice3A_53, %slice3A_54 : vector<16x1xf32>
    %squeeze3A = vector.shape_cast %add3A_55 : vector<16x1xf32> to vector<16xf32>
    %mul3A_56 = arith.mulf %add3A_25, %add3A_25 : vector<2048x256xf32>
    %slice3A_57 = vector.extract_strided_slice %mul3A_56 {offsets = [0, 0], sizes = [2048, 128], strides = [1, 1]} : vector<2048x256xf32> to vector<2048x128xf32>
    %slice3A_58 = vector.extract_strided_slice %mul3A_56 {offsets = [0, 128], sizes = [2048, 128], strides = [1, 1]} : vector<2048x256xf32> to vector<2048x128xf32>
    %add3A_59 = arith.addf %slice3A_57, %slice3A_58 : vector<2048x128xf32>
    %slice3A_60 = vector.extract_strided_slice %add3A_59 {offsets = [0, 0], sizes = [2048, 64], strides = [1, 1]} : vector<2048x128xf32> to vector<2048x64xf32>
    %slice3A_61 = vector.extract_strided_slice %add3A_59 {offsets = [0, 64], sizes = [2048, 64], strides = [1, 1]} : vector<2048x128xf32> to vector<2048x64xf32>
    %add3A_62 = arith.addf %slice3A_60, %slice3A_61 : vector<2048x64xf32>
    %slice3A_63 = vector.extract_strided_slice %add3A_62 {offsets = [0, 0], sizes = [2048, 32], strides = [1, 1]} : vector<2048x64xf32> to vector<2048x32xf32>
    %slice3A_64 = vector.extract_strided_slice %add3A_62 {offsets = [0, 32], sizes = [2048, 32], strides = [1, 1]} : vector<2048x64xf32> to vector<2048x32xf32>
    %add3A_65 = arith.addf %slice3A_63, %slice3A_64 : vector<2048x32xf32>
    %slice3A_66 = vector.extract_strided_slice %add3A_65 {offsets = [0, 0], sizes = [2048, 16], strides = [1, 1]} : vector<2048x32xf32> to vector<2048x16xf32>
    %slice3A_67 = vector.extract_strided_slice %add3A_65 {offsets = [0, 16], sizes = [2048, 16], strides = [1, 1]} : vector<2048x32xf32> to vector<2048x16xf32>
    %add3A_68 = arith.addf %slice3A_66, %slice3A_67 : vector<2048x16xf32>
    %slice3A_69 = vector.extract_strided_slice %add3A_68 {offsets = [0, 0], sizes = [2048, 8], strides = [1, 1]} : vector<2048x16xf32> to vector<2048x8xf32>
    %slice3A_70 = vector.extract_strided_slice %add3A_68 {offsets = [0, 8], sizes = [2048, 8], strides = [1, 1]} : vector<2048x16xf32> to vector<2048x8xf32>
    %add3A_71 = arith.addf %slice3A_69, %slice3A_70 : vector<2048x8xf32>
    %slice3A_72 = vector.extract_strided_slice %add3A_71 {offsets = [0, 0], sizes = [2048, 4], strides = [1, 1]} : vector<2048x8xf32> to vector<2048x4xf32>
    %slice3A_73 = vector.extract_strided_slice %add3A_71 {offsets = [0, 4], sizes = [2048, 4], strides = [1, 1]} : vector<2048x8xf32> to vector<2048x4xf32>
    %add3A_74 = arith.addf %slice3A_72, %slice3A_73 : vector<2048x4xf32>
    %slice3A_75 = vector.extract_strided_slice %add3A_74 {offsets = [0, 0], sizes = [2048, 2], strides = [1, 1]} : vector<2048x4xf32> to vector<2048x2xf32>
    %slice3A_76 = vector.extract_strided_slice %add3A_74 {offsets = [0, 2], sizes = [2048, 2], strides = [1, 1]} : vector<2048x4xf32> to vector<2048x2xf32>
    %add3A_77 = arith.addf %slice3A_75, %slice3A_76 : vector<2048x2xf32>
    %slice3A_78 = vector.extract_strided_slice %add3A_77 {offsets = [0, 0], sizes = [2048, 1], strides = [1, 1]} : vector<2048x2xf32> to vector<2048x1xf32>
    %slice3A_79 = vector.extract_strided_slice %add3A_77 {offsets = [0, 1], sizes = [2048, 1], strides = [1, 1]} : vector<2048x2xf32> to vector<2048x1xf32>
    %add3A_80 = arith.addf %slice3A_78, %slice3A_79 : vector<2048x1xf32>
    %dot_general3A_81 = arith.constant dense<0.000000e+00> : vector<2048x16xf32>
    %dot_general3A_82 = tpu.matmul %add3A_25, %get3A_32, %dot_general3A_81 {dimension_numbers = #tpu.dot_dimension_numbers<[1], [1], [0], [0], [0, 0, 1, 0], [], []>, transpose_lhs_hint = false} : vector<2048x256xf32>, vector<16x256xf32>, vector<2048x16xf32> -> vector<2048x16xf32>
    %mul3A_83 = arith.constant 2.000000e+00 : f32
    %mul3A_84 = vector.broadcast %mul3A_83 : f32 to vector<2048x16xf32>
    %mul3A_85 = arith.mulf %mul3A_84, %dot_general3A_82 : vector<2048x16xf32>
    %sub3A = vector.broadcast %add3A_80 : vector<2048x1xf32> to vector<2048x16xf32>
    %sub3A_86 = arith.subf %sub3A, %mul3A_85 : vector<2048x16xf32>
    %broadcast_in_dim3A_87 = vector.shape_cast %squeeze3A : vector<16xf32> to vector<1x16xf32>
    %add3A_88 = vector.broadcast %broadcast_in_dim3A_87 : vector<1x16xf32> to vector<2048x16xf32>
    %add3A_89 = arith.addf %sub3A_86, %add3A_88 : vector<2048x16xf32>
    %reduce_min3A = arith.constant dense<0x7F800000> : vector<2048xf32>
    %reduce_min3A_90 = vector.multi_reduction <minimumf>, %add3A_89, %reduce_min3A [1] : vector<2048x16xf32> to vector<2048xf32>
    %broadcast_in_dim3A_91 = vector.shape_cast %reduce_min3A_90 : vector<2048xf32> to vector<2048x1xf32>
    %le3A = vector.broadcast %broadcast_in_dim3A_91 : vector<2048x1xf32> to vector<2048x16xf32>
    %le3A_92 = arith.cmpf ole, %add3A_89, %le3A : vector<2048x16xf32>
    %jit3A = arith.constant 16 : i32
    %broadcast_in_dim3A_93 = vector.broadcast %jit3A : i32 to vector<2048x16xi32>
    %select_n3A = arith.select %le3A_92, %iota3A_27, %broadcast_in_dim3A_93 : vector<2048x16xi1>, vector<2048x16xi32>
    %reduce_min3A_94 = arith.constant dense<2147483647> : vector<2048xi32>
    %reduce_min3A_95 = vector.multi_reduction <minsi>, %select_n3A, %reduce_min3A_94 [1] : vector<2048x16xi32> to vector<2048xi32>
    %broadcast_in_dim3A_96 = vector.shape_cast %reduce_min3A_95 : vector<2048xi32> to vector<2048x1xi32>
    %eq3A = vector.broadcast %broadcast_in_dim3A_96 : vector<2048x1xi32> to vector<2048x16xi32>
    %eq3A_97 = arith.cmpi eq, %iota3A_27, %eq3A : vector<2048x16xi32>
    %convert_element_type3A = arith.extui %eq3A_97 : vector<2048x16xi1> to vector<2048x16xi32>
    %convert_element_type3A_98 = arith.sitofp %convert_element_type3A : vector<2048x16xi32> to vector<2048x16xf32>
    %dot_general3A_99 = arith.constant dense<0.000000e+00> : vector<2048x256xf32>
    %dot_general3A_100 = tpu.matmul %convert_element_type3A_98, %get3A_32, %dot_general3A_99 {dimension_numbers = #tpu.dot_dimension_numbers<[1], [0], [0], [1], [0, 0, 1, 1], [], []>, transpose_lhs_hint = false} : vector<2048x16xf32>, vector<16x256xf32>, vector<2048x256xf32> -> vector<2048x256xf32>
    %sub3A_101 = arith.subf %add3A_25, %dot_general3A_100 : vector<2048x256xf32>
    %eq3A_102 = arith.constant 0 : i32
    %eq3A_103 = vector.broadcast %eq3A_102 : i32 to vector<2048x128xi32>
    %eq3A_104 = arith.cmpi eq, %iota3A, %eq3A_103 : vector<2048x128xi32>
    %jit3A_105 = arith.constant 0 : i32
    %broadcast_in_dim3A_106 = vector.shape_cast %broadcast_in_dim3A_96 : vector<2048x1xi32> to vector<2048x1xi32>
    %broadcast_in_dim3A_107 = vector.broadcast %broadcast_in_dim3A_106 : vector<2048x1xi32> to vector<2048x128xi32>
    %broadcast_in_dim3A_108 = vector.broadcast %jit3A_105 : i32 to vector<2048x128xi32>
    %select_n3A_109 = arith.select %eq3A_104, %broadcast_in_dim3A_107, %broadcast_in_dim3A_108 : vector<2048x128xi1>, vector<2048x128xi32>
    %add3A_110 = arith.addi %broadcast_in_dim3A_26, %select_n3A_109 : vector<2048x128xi32>
    %get3A_111 = arith.constant 1 : index
    %get3A_112 = arith.constant 0 : index
    %get3A_113 = arith.constant 0 : index
    %get3A_114 = vector.load %arg8[%get3A_111, %get3A_112, %get3A_113] : memref<3x16x256xf32, #tpu.memory_space<vmem>>, vector<1x16x256xf32>
    %get3A_115 = vector.shape_cast %get3A_114 : vector<1x16x256xf32> to vector<16x256xf32>
    %mul3A_116 = arith.mulf %get3A_115, %get3A_115 : vector<16x256xf32>
    %slice3A_117 = vector.extract_strided_slice %mul3A_116 {offsets = [0, 0], sizes = [16, 128], strides = [1, 1]} : vector<16x256xf32> to vector<16x128xf32>
    %slice3A_118 = vector.extract_strided_slice %mul3A_116 {offsets = [0, 128], sizes = [16, 128], strides = [1, 1]} : vector<16x256xf32> to vector<16x128xf32>
    %add3A_119 = arith.addf %slice3A_117, %slice3A_118 : vector<16x128xf32>
    %slice3A_120 = vector.extract_strided_slice %add3A_119 {offsets = [0, 0], sizes = [16, 64], strides = [1, 1]} : vector<16x128xf32> to vector<16x64xf32>
    %slice3A_121 = vector.extract_strided_slice %add3A_119 {offsets = [0, 64], sizes = [16, 64], strides = [1, 1]} : vector<16x128xf32> to vector<16x64xf32>
    %add3A_122 = arith.addf %slice3A_120, %slice3A_121 : vector<16x64xf32>
    %slice3A_123 = vector.extract_strided_slice %add3A_122 {offsets = [0, 0], sizes = [16, 32], strides = [1, 1]} : vector<16x64xf32> to vector<16x32xf32>
    %slice3A_124 = vector.extract_strided_slice %add3A_122 {offsets = [0, 32], sizes = [16, 32], strides = [1, 1]} : vector<16x64xf32> to vector<16x32xf32>
    %add3A_125 = arith.addf %slice3A_123, %slice3A_124 : vector<16x32xf32>
    %slice3A_126 = vector.extract_strided_slice %add3A_125 {offsets = [0, 0], sizes = [16, 16], strides = [1, 1]} : vector<16x32xf32> to vector<16x16xf32>
    %slice3A_127 = vector.extract_strided_slice %add3A_125 {offsets = [0, 16], sizes = [16, 16], strides = [1, 1]} : vector<16x32xf32> to vector<16x16xf32>
    %add3A_128 = arith.addf %slice3A_126, %slice3A_127 : vector<16x16xf32>
    %slice3A_129 = vector.extract_strided_slice %add3A_128 {offsets = [0, 0], sizes = [16, 8], strides = [1, 1]} : vector<16x16xf32> to vector<16x8xf32>
    %slice3A_130 = vector.extract_strided_slice %add3A_128 {offsets = [0, 8], sizes = [16, 8], strides = [1, 1]} : vector<16x16xf32> to vector<16x8xf32>
    %add3A_131 = arith.addf %slice3A_129, %slice3A_130 : vector<16x8xf32>
    %slice3A_132 = vector.extract_strided_slice %add3A_131 {offsets = [0, 0], sizes = [16, 4], strides = [1, 1]} : vector<16x8xf32> to vector<16x4xf32>
    %slice3A_133 = vector.extract_strided_slice %add3A_131 {offsets = [0, 4], sizes = [16, 4], strides = [1, 1]} : vector<16x8xf32> to vector<16x4xf32>
    %add3A_134 = arith.addf %slice3A_132, %slice3A_133 : vector<16x4xf32>
    %slice3A_135 = vector.extract_strided_slice %add3A_134 {offsets = [0, 0], sizes = [16, 2], strides = [1, 1]} : vector<16x4xf32> to vector<16x2xf32>
    %slice3A_136 = vector.extract_strided_slice %add3A_134 {offsets = [0, 2], sizes = [16, 2], strides = [1, 1]} : vector<16x4xf32> to vector<16x2xf32>
    %add3A_137 = arith.addf %slice3A_135, %slice3A_136 : vector<16x2xf32>
    %slice3A_138 = vector.extract_strided_slice %add3A_137 {offsets = [0, 0], sizes = [16, 1], strides = [1, 1]} : vector<16x2xf32> to vector<16x1xf32>
    %slice3A_139 = vector.extract_strided_slice %add3A_137 {offsets = [0, 1], sizes = [16, 1], strides = [1, 1]} : vector<16x2xf32> to vector<16x1xf32>
    %add3A_140 = arith.addf %slice3A_138, %slice3A_139 : vector<16x1xf32>
    %squeeze3A_141 = vector.shape_cast %add3A_140 : vector<16x1xf32> to vector<16xf32>
    %mul3A_142 = arith.mulf %sub3A_101, %sub3A_101 : vector<2048x256xf32>
    %slice3A_143 = vector.extract_strided_slice %mul3A_142 {offsets = [0, 0], sizes = [2048, 128], strides = [1, 1]} : vector<2048x256xf32> to vector<2048x128xf32>
    %slice3A_144 = vector.extract_strided_slice %mul3A_142 {offsets = [0, 128], sizes = [2048, 128], strides = [1, 1]} : vector<2048x256xf32> to vector<2048x128xf32>
    %add3A_145 = arith.addf %slice3A_143, %slice3A_144 : vector<2048x128xf32>
    %slice3A_146 = vector.extract_strided_slice %add3A_145 {offsets = [0, 0], sizes = [2048, 64], strides = [1, 1]} : vector<2048x128xf32> to vector<2048x64xf32>
    %slice3A_147 = vector.extract_strided_slice %add3A_145 {offsets = [0, 64], sizes = [2048, 64], strides = [1, 1]} : vector<2048x128xf32> to vector<2048x64xf32>
    %add3A_148 = arith.addf %slice3A_146, %slice3A_147 : vector<2048x64xf32>
    %slice3A_149 = vector.extract_strided_slice %add3A_148 {offsets = [0, 0], sizes = [2048, 32], strides = [1, 1]} : vector<2048x64xf32> to vector<2048x32xf32>
    %slice3A_150 = vector.extract_strided_slice %add3A_148 {offsets = [0, 32], sizes = [2048, 32], strides = [1, 1]} : vector<2048x64xf32> to vector<2048x32xf32>
    %add3A_151 = arith.addf %slice3A_149, %slice3A_150 : vector<2048x32xf32>
    %slice3A_152 = vector.extract_strided_slice %add3A_151 {offsets = [0, 0], sizes = [2048, 16], strides = [1, 1]} : vector<2048x32xf32> to vector<2048x16xf32>
    %slice3A_153 = vector.extract_strided_slice %add3A_151 {offsets = [0, 16], sizes = [2048, 16], strides = [1, 1]} : vector<2048x32xf32> to vector<2048x16xf32>
    %add3A_154 = arith.addf %slice3A_152, %slice3A_153 : vector<2048x16xf32>
    %slice3A_155 = vector.extract_strided_slice %add3A_154 {offsets = [0, 0], sizes = [2048, 8], strides = [1, 1]} : vector<2048x16xf32> to vector<2048x8xf32>
    %slice3A_156 = vector.extract_strided_slice %add3A_154 {offsets = [0, 8], sizes = [2048, 8], strides = [1, 1]} : vector<2048x16xf32> to vector<2048x8xf32>
    %add3A_157 = arith.addf %slice3A_155, %slice3A_156 : vector<2048x8xf32>
    %slice3A_158 = vector.extract_strided_slice %add3A_157 {offsets = [0, 0], sizes = [2048, 4], strides = [1, 1]} : vector<2048x8xf32> to vector<2048x4xf32>
    %slice3A_159 = vector.extract_strided_slice %add3A_157 {offsets = [0, 4], sizes = [2048, 4], strides = [1, 1]} : vector<2048x8xf32> to vector<2048x4xf32>
    %add3A_160 = arith.addf %slice3A_158, %slice3A_159 : vector<2048x4xf32>
    %slice3A_161 = vector.extract_strided_slice %add3A_160 {offsets = [0, 0], sizes = [2048, 2], strides = [1, 1]} : vector<2048x4xf32> to vector<2048x2xf32>
    %slice3A_162 = vector.extract_strided_slice %add3A_160 {offsets = [0, 2], sizes = [2048, 2], strides = [1, 1]} : vector<2048x4xf32> to vector<2048x2xf32>
    %add3A_163 = arith.addf %slice3A_161, %slice3A_162 : vector<2048x2xf32>
    %slice3A_164 = vector.extract_strided_slice %add3A_163 {offsets = [0, 0], sizes = [2048, 1], strides = [1, 1]} : vector<2048x2xf32> to vector<2048x1xf32>
    %slice3A_165 = vector.extract_strided_slice %add3A_163 {offsets = [0, 1], sizes = [2048, 1], strides = [1, 1]} : vector<2048x2xf32> to vector<2048x1xf32>
    %add3A_166 = arith.addf %slice3A_164, %slice3A_165 : vector<2048x1xf32>
    %dot_general3A_167 = arith.constant dense<0.000000e+00> : vector<2048x16xf32>
    %dot_general3A_168 = tpu.matmul %sub3A_101, %get3A_115, %dot_general3A_167 {dimension_numbers = #tpu.dot_dimension_numbers<[1], [1], [0], [0], [0, 0, 1, 0], [], []>, transpose_lhs_hint = false} : vector<2048x256xf32>, vector<16x256xf32>, vector<2048x16xf32> -> vector<2048x16xf32>
    %mul3A_169 = arith.constant 2.000000e+00 : f32
    %mul3A_170 = vector.broadcast %mul3A_169 : f32 to vector<2048x16xf32>
    %mul3A_171 = arith.mulf %mul3A_170, %dot_general3A_168 : vector<2048x16xf32>
    %sub3A_172 = vector.broadcast %add3A_166 : vector<2048x1xf32> to vector<2048x16xf32>
    %sub3A_173 = arith.subf %sub3A_172, %mul3A_171 : vector<2048x16xf32>
    %broadcast_in_dim3A_174 = vector.shape_cast %squeeze3A_141 : vector<16xf32> to vector<1x16xf32>
    %add3A_175 = vector.broadcast %broadcast_in_dim3A_174 : vector<1x16xf32> to vector<2048x16xf32>
    %add3A_176 = arith.addf %sub3A_173, %add3A_175 : vector<2048x16xf32>
    %reduce_min3A_177 = arith.constant dense<0x7F800000> : vector<2048xf32>
    %reduce_min3A_178 = vector.multi_reduction <minimumf>, %add3A_176, %reduce_min3A_177 [1] : vector<2048x16xf32> to vector<2048xf32>
    %broadcast_in_dim3A_179 = vector.shape_cast %reduce_min3A_178 : vector<2048xf32> to vector<2048x1xf32>
    %le3A_180 = vector.broadcast %broadcast_in_dim3A_179 : vector<2048x1xf32> to vector<2048x16xf32>
    %le3A_181 = arith.cmpf ole, %add3A_176, %le3A_180 : vector<2048x16xf32>
    %jit3A_182 = arith.constant 16 : i32
    %broadcast_in_dim3A_183 = vector.broadcast %jit3A_182 : i32 to vector<2048x16xi32>
    %select_n3A_184 = arith.select %le3A_181, %iota3A_27, %broadcast_in_dim3A_183 : vector<2048x16xi1>, vector<2048x16xi32>
    %reduce_min3A_185 = arith.constant dense<2147483647> : vector<2048xi32>
    %reduce_min3A_186 = vector.multi_reduction <minsi>, %select_n3A_184, %reduce_min3A_185 [1] : vector<2048x16xi32> to vector<2048xi32>
    %broadcast_in_dim3A_187 = vector.shape_cast %reduce_min3A_186 : vector<2048xi32> to vector<2048x1xi32>
    %eq3A_188 = vector.broadcast %broadcast_in_dim3A_187 : vector<2048x1xi32> to vector<2048x16xi32>
    %eq3A_189 = arith.cmpi eq, %iota3A_27, %eq3A_188 : vector<2048x16xi32>
    %convert_element_type3A_190 = arith.extui %eq3A_189 : vector<2048x16xi1> to vector<2048x16xi32>
    %convert_element_type3A_191 = arith.sitofp %convert_element_type3A_190 : vector<2048x16xi32> to vector<2048x16xf32>
    %dot_general3A_192 = arith.constant dense<0.000000e+00> : vector<2048x256xf32>
    %dot_general3A_193 = tpu.matmul %convert_element_type3A_191, %get3A_115, %dot_general3A_192 {dimension_numbers = #tpu.dot_dimension_numbers<[1], [0], [0], [1], [0, 0, 1, 1], [], []>, transpose_lhs_hint = false} : vector<2048x16xf32>, vector<16x256xf32>, vector<2048x256xf32> -> vector<2048x256xf32>
    %sub3A_194 = arith.subf %sub3A_101, %dot_general3A_193 : vector<2048x256xf32>
    %eq3A_195 = arith.constant 1 : i32
    %eq3A_196 = vector.broadcast %eq3A_195 : i32 to vector<2048x128xi32>
    %eq3A_197 = arith.cmpi eq, %iota3A, %eq3A_196 : vector<2048x128xi32>
    %jit3A_198 = arith.constant 0 : i32
    %broadcast_in_dim3A_199 = vector.shape_cast %broadcast_in_dim3A_187 : vector<2048x1xi32> to vector<2048x1xi32>
    %broadcast_in_dim3A_200 = vector.broadcast %broadcast_in_dim3A_199 : vector<2048x1xi32> to vector<2048x128xi32>
    %broadcast_in_dim3A_201 = vector.broadcast %jit3A_198 : i32 to vector<2048x128xi32>
    %select_n3A_202 = arith.select %eq3A_197, %broadcast_in_dim3A_200, %broadcast_in_dim3A_201 : vector<2048x128xi1>, vector<2048x128xi32>
    %add3A_203 = arith.addi %add3A_110, %select_n3A_202 : vector<2048x128xi32>
    %get3A_204 = arith.constant 2 : index
    %get3A_205 = arith.constant 0 : index
    %get3A_206 = arith.constant 0 : index
    %get3A_207 = vector.load %arg8[%get3A_204, %get3A_205, %get3A_206] : memref<3x16x256xf32, #tpu.memory_space<vmem>>, vector<1x16x256xf32>
    %get3A_208 = vector.shape_cast %get3A_207 : vector<1x16x256xf32> to vector<16x256xf32>
    %mul3A_209 = arith.mulf %get3A_208, %get3A_208 : vector<16x256xf32>
    %slice3A_210 = vector.extract_strided_slice %mul3A_209 {offsets = [0, 0], sizes = [16, 128], strides = [1, 1]} : vector<16x256xf32> to vector<16x128xf32>
    %slice3A_211 = vector.extract_strided_slice %mul3A_209 {offsets = [0, 128], sizes = [16, 128], strides = [1, 1]} : vector<16x256xf32> to vector<16x128xf32>
    %add3A_212 = arith.addf %slice3A_210, %slice3A_211 : vector<16x128xf32>
    %slice3A_213 = vector.extract_strided_slice %add3A_212 {offsets = [0, 0], sizes = [16, 64], strides = [1, 1]} : vector<16x128xf32> to vector<16x64xf32>
    %slice3A_214 = vector.extract_strided_slice %add3A_212 {offsets = [0, 64], sizes = [16, 64], strides = [1, 1]} : vector<16x128xf32> to vector<16x64xf32>
    %add3A_215 = arith.addf %slice3A_213, %slice3A_214 : vector<16x64xf32>
    %slice3A_216 = vector.extract_strided_slice %add3A_215 {offsets = [0, 0], sizes = [16, 32], strides = [1, 1]} : vector<16x64xf32> to vector<16x32xf32>
    %slice3A_217 = vector.extract_strided_slice %add3A_215 {offsets = [0, 32], sizes = [16, 32], strides = [1, 1]} : vector<16x64xf32> to vector<16x32xf32>
    %add3A_218 = arith.addf %slice3A_216, %slice3A_217 : vector<16x32xf32>
    %slice3A_219 = vector.extract_strided_slice %add3A_218 {offsets = [0, 0], sizes = [16, 16], strides = [1, 1]} : vector<16x32xf32> to vector<16x16xf32>
    %slice3A_220 = vector.extract_strided_slice %add3A_218 {offsets = [0, 16], sizes = [16, 16], strides = [1, 1]} : vector<16x32xf32> to vector<16x16xf32>
    %add3A_221 = arith.addf %slice3A_219, %slice3A_220 : vector<16x16xf32>
    %slice3A_222 = vector.extract_strided_slice %add3A_221 {offsets = [0, 0], sizes = [16, 8], strides = [1, 1]} : vector<16x16xf32> to vector<16x8xf32>
    %slice3A_223 = vector.extract_strided_slice %add3A_221 {offsets = [0, 8], sizes = [16, 8], strides = [1, 1]} : vector<16x16xf32> to vector<16x8xf32>
    %add3A_224 = arith.addf %slice3A_222, %slice3A_223 : vector<16x8xf32>
    %slice3A_225 = vector.extract_strided_slice %add3A_224 {offsets = [0, 0], sizes = [16, 4], strides = [1, 1]} : vector<16x8xf32> to vector<16x4xf32>
    %slice3A_226 = vector.extract_strided_slice %add3A_224 {offsets = [0, 4], sizes = [16, 4], strides = [1, 1]} : vector<16x8xf32> to vector<16x4xf32>
    %add3A_227 = arith.addf %slice3A_225, %slice3A_226 : vector<16x4xf32>
    %slice3A_228 = vector.extract_strided_slice %add3A_227 {offsets = [0, 0], sizes = [16, 2], strides = [1, 1]} : vector<16x4xf32> to vector<16x2xf32>
    %slice3A_229 = vector.extract_strided_slice %add3A_227 {offsets = [0, 2], sizes = [16, 2], strides = [1, 1]} : vector<16x4xf32> to vector<16x2xf32>
    %add3A_230 = arith.addf %slice3A_228, %slice3A_229 : vector<16x2xf32>
    %slice3A_231 = vector.extract_strided_slice %add3A_230 {offsets = [0, 0], sizes = [16, 1], strides = [1, 1]} : vector<16x2xf32> to vector<16x1xf32>
    %slice3A_232 = vector.extract_strided_slice %add3A_230 {offsets = [0, 1], sizes = [16, 1], strides = [1, 1]} : vector<16x2xf32> to vector<16x1xf32>
    %add3A_233 = arith.addf %slice3A_231, %slice3A_232 : vector<16x1xf32>
    %squeeze3A_234 = vector.shape_cast %add3A_233 : vector<16x1xf32> to vector<16xf32>
    %mul3A_235 = arith.mulf %sub3A_194, %sub3A_194 : vector<2048x256xf32>
    %slice3A_236 = vector.extract_strided_slice %mul3A_235 {offsets = [0, 0], sizes = [2048, 128], strides = [1, 1]} : vector<2048x256xf32> to vector<2048x128xf32>
    %slice3A_237 = vector.extract_strided_slice %mul3A_235 {offsets = [0, 128], sizes = [2048, 128], strides = [1, 1]} : vector<2048x256xf32> to vector<2048x128xf32>
    %add3A_238 = arith.addf %slice3A_236, %slice3A_237 : vector<2048x128xf32>
    %slice3A_239 = vector.extract_strided_slice %add3A_238 {offsets = [0, 0], sizes = [2048, 64], strides = [1, 1]} : vector<2048x128xf32> to vector<2048x64xf32>
    %slice3A_240 = vector.extract_strided_slice %add3A_238 {offsets = [0, 64], sizes = [2048, 64], strides = [1, 1]} : vector<2048x128xf32> to vector<2048x64xf32>
    %add3A_241 = arith.addf %slice3A_239, %slice3A_240 : vector<2048x64xf32>
    %slice3A_242 = vector.extract_strided_slice %add3A_241 {offsets = [0, 0], sizes = [2048, 32], strides = [1, 1]} : vector<2048x64xf32> to vector<2048x32xf32>
    %slice3A_243 = vector.extract_strided_slice %add3A_241 {offsets = [0, 32], sizes = [2048, 32], strides = [1, 1]} : vector<2048x64xf32> to vector<2048x32xf32>
    %add3A_244 = arith.addf %slice3A_242, %slice3A_243 : vector<2048x32xf32>
    %slice3A_245 = vector.extract_strided_slice %add3A_244 {offsets = [0, 0], sizes = [2048, 16], strides = [1, 1]} : vector<2048x32xf32> to vector<2048x16xf32>
    %slice3A_246 = vector.extract_strided_slice %add3A_244 {offsets = [0, 16], sizes = [2048, 16], strides = [1, 1]} : vector<2048x32xf32> to vector<2048x16xf32>
    %add3A_247 = arith.addf %slice3A_245, %slice3A_246 : vector<2048x16xf32>
    %slice3A_248 = vector.extract_strided_slice %add3A_247 {offsets = [0, 0], sizes = [2048, 8], strides = [1, 1]} : vector<2048x16xf32> to vector<2048x8xf32>
    %slice3A_249 = vector.extract_strided_slice %add3A_247 {offsets = [0, 8], sizes = [2048, 8], strides = [1, 1]} : vector<2048x16xf32> to vector<2048x8xf32>
    %add3A_250 = arith.addf %slice3A_248, %slice3A_249 : vector<2048x8xf32>
    %slice3A_251 = vector.extract_strided_slice %add3A_250 {offsets = [0, 0], sizes = [2048, 4], strides = [1, 1]} : vector<2048x8xf32> to vector<2048x4xf32>
    %slice3A_252 = vector.extract_strided_slice %add3A_250 {offsets = [0, 4], sizes = [2048, 4], strides = [1, 1]} : vector<2048x8xf32> to vector<2048x4xf32>
    %add3A_253 = arith.addf %slice3A_251, %slice3A_252 : vector<2048x4xf32>
    %slice3A_254 = vector.extract_strided_slice %add3A_253 {offsets = [0, 0], sizes = [2048, 2], strides = [1, 1]} : vector<2048x4xf32> to vector<2048x2xf32>
    %slice3A_255 = vector.extract_strided_slice %add3A_253 {offsets = [0, 2], sizes = [2048, 2], strides = [1, 1]} : vector<2048x4xf32> to vector<2048x2xf32>
    %add3A_256 = arith.addf %slice3A_254, %slice3A_255 : vector<2048x2xf32>
    %slice3A_257 = vector.extract_strided_slice %add3A_256 {offsets = [0, 0], sizes = [2048, 1], strides = [1, 1]} : vector<2048x2xf32> to vector<2048x1xf32>
    %slice3A_258 = vector.extract_strided_slice %add3A_256 {offsets = [0, 1], sizes = [2048, 1], strides = [1, 1]} : vector<2048x2xf32> to vector<2048x1xf32>
    %add3A_259 = arith.addf %slice3A_257, %slice3A_258 : vector<2048x1xf32>
    %dot_general3A_260 = arith.constant dense<0.000000e+00> : vector<2048x16xf32>
    %dot_general3A_261 = tpu.matmul %sub3A_194, %get3A_208, %dot_general3A_260 {dimension_numbers = #tpu.dot_dimension_numbers<[1], [1], [0], [0], [0, 0, 1, 0], [], []>, transpose_lhs_hint = false} : vector<2048x256xf32>, vector<16x256xf32>, vector<2048x16xf32> -> vector<2048x16xf32>
    %mul3A_262 = arith.constant 2.000000e+00 : f32
    %mul3A_263 = vector.broadcast %mul3A_262 : f32 to vector<2048x16xf32>
    %mul3A_264 = arith.mulf %mul3A_263, %dot_general3A_261 : vector<2048x16xf32>
    %sub3A_265 = vector.broadcast %add3A_259 : vector<2048x1xf32> to vector<2048x16xf32>
    %sub3A_266 = arith.subf %sub3A_265, %mul3A_264 : vector<2048x16xf32>
    %broadcast_in_dim3A_267 = vector.shape_cast %squeeze3A_234 : vector<16xf32> to vector<1x16xf32>
    %add3A_268 = vector.broadcast %broadcast_in_dim3A_267 : vector<1x16xf32> to vector<2048x16xf32>
    %add3A_269 = arith.addf %sub3A_266, %add3A_268 : vector<2048x16xf32>
    %reduce_min3A_270 = arith.constant dense<0x7F800000> : vector<2048xf32>
    %reduce_min3A_271 = vector.multi_reduction <minimumf>, %add3A_269, %reduce_min3A_270 [1] : vector<2048x16xf32> to vector<2048xf32>
    %broadcast_in_dim3A_272 = vector.shape_cast %reduce_min3A_271 : vector<2048xf32> to vector<2048x1xf32>
    %le3A_273 = vector.broadcast %broadcast_in_dim3A_272 : vector<2048x1xf32> to vector<2048x16xf32>
    %le3A_274 = arith.cmpf ole, %add3A_269, %le3A_273 : vector<2048x16xf32>
    %jit3A_275 = arith.constant 16 : i32
    %broadcast_in_dim3A_276 = vector.broadcast %jit3A_275 : i32 to vector<2048x16xi32>
    %select_n3A_277 = arith.select %le3A_274, %iota3A_27, %broadcast_in_dim3A_276 : vector<2048x16xi1>, vector<2048x16xi32>
    %reduce_min3A_278 = arith.constant dense<2147483647> : vector<2048xi32>
    %reduce_min3A_279 = vector.multi_reduction <minsi>, %select_n3A_277, %reduce_min3A_278 [1] : vector<2048x16xi32> to vector<2048xi32>
    %broadcast_in_dim3A_280 = vector.shape_cast %reduce_min3A_279 : vector<2048xi32> to vector<2048x1xi32>
    %eq3A_281 = vector.broadcast %broadcast_in_dim3A_280 : vector<2048x1xi32> to vector<2048x16xi32>
    %eq3A_282 = arith.cmpi eq, %iota3A_27, %eq3A_281 : vector<2048x16xi32>
    %convert_element_type3A_283 = arith.extui %eq3A_282 : vector<2048x16xi1> to vector<2048x16xi32>
    %convert_element_type3A_284 = arith.sitofp %convert_element_type3A_283 : vector<2048x16xi32> to vector<2048x16xf32>
    %dot_general3A_285 = arith.constant dense<0.000000e+00> : vector<2048x256xf32>
    %dot_general3A_286 = tpu.matmul %convert_element_type3A_284, %get3A_208, %dot_general3A_285 {dimension_numbers = #tpu.dot_dimension_numbers<[1], [0], [0], [1], [0, 0, 1, 1], [], []>, transpose_lhs_hint = false} : vector<2048x16xf32>, vector<16x256xf32>, vector<2048x256xf32> -> vector<2048x256xf32>
    %sub3A_287 = arith.subf %sub3A_194, %dot_general3A_286 : vector<2048x256xf32>
    %eq3A_288 = arith.constant 2 : i32
    %eq3A_289 = vector.broadcast %eq3A_288 : i32 to vector<2048x128xi32>
    %eq3A_290 = arith.cmpi eq, %iota3A, %eq3A_289 : vector<2048x128xi32>
    %jit3A_291 = arith.constant 0 : i32
    %broadcast_in_dim3A_292 = vector.shape_cast %broadcast_in_dim3A_280 : vector<2048x1xi32> to vector<2048x1xi32>
    %broadcast_in_dim3A_293 = vector.broadcast %broadcast_in_dim3A_292 : vector<2048x1xi32> to vector<2048x128xi32>
    %broadcast_in_dim3A_294 = vector.broadcast %jit3A_291 : i32 to vector<2048x128xi32>
    %select_n3A_295 = arith.select %eq3A_290, %broadcast_in_dim3A_293, %broadcast_in_dim3A_294 : vector<2048x128xi1>, vector<2048x128xi32>
    %add3A_296 = arith.addi %add3A_203, %select_n3A_295 : vector<2048x128xi32>
    %iota3A_297 = tpu.iota {dimensions = array<i32: 0>} : vector<2048x256xi32>
    %mul3A_298 = arith.constant 2048 : i32
    %mul3A_299 = arith.muli %arg0, %mul3A_298 : i32
    %add3A_300 = vector.broadcast %mul3A_299 : i32 to vector<2048x256xi32>
    %add3A_301 = arith.addi %iota3A_297, %add3A_300 : vector<2048x256xi32>
    %lt3A = arith.constant 10000 : i32
    %lt3A_302 = vector.broadcast %lt3A : i32 to vector<2048x256xi32>
    %lt3A_303 = arith.cmpi slt, %add3A_301, %lt3A_302 : vector<2048x256xi32>
    %mul3A_304 = arith.mulf %sub3A_287, %sub3A_287 : vector<2048x256xf32>
    %jit3A_305 = arith.constant 0.000000e+00 : f32
    %broadcast_in_dim3A_306 = vector.broadcast %jit3A_305 : f32 to vector<2048x256xf32>
    %select_n3A_307 = arith.select %lt3A_303, %mul3A_304, %broadcast_in_dim3A_306 : vector<2048x256xi1>, vector<2048x256xf32>
    %reduce_sum3A = vector.shape_cast %select_n3A_307 : vector<2048x256xf32> to vector<1x2048x256xf32>
    %reduce_sum3A_308 = arith.constant dense<0.000000e+00> : vector<1xf32>
    %reduce_sum3A_309 = vector.multi_reduction <add>, %reduce_sum3A, %reduce_sum3A_308 [1, 2] : vector<1x2048x256xf32> to vector<1xf32>
    %reduce_sum3A_310 = vector.shape_cast %reduce_sum3A_309 : vector<1xf32> to vector<1x1x1xf32>
    %reduce_sum3A_311 = vector.extract %reduce_sum3A_310[0, 0, 0] : f32 from vector<1x1x1xf32>
    %get3A_312 = arith.constant 0 : index
    %get3A_313 = arith.constant 0 : index
    %get3A_314 = vector.load %arg9[%get3A_312, %get3A_313] : memref<1x256xf32, #tpu.memory_space<vmem>>, vector<1x256xf32>
    %get3A_315 = arith.constant 0 : index
    %get3A_316 = arith.constant 0 : index
    %get3A_317 = vector.load %arg10[%get3A_315, %get3A_316] : memref<1x256xf32, #tpu.memory_space<vmem>>, vector<1x256xf32>
    %slice3A_318 = vector.extract_strided_slice %add3A_25 {offsets = [0, 0], sizes = [2048, 128], strides = [1, 1]} : vector<2048x256xf32> to vector<2048x128xf32>
    %slice3A_319 = vector.extract_strided_slice %add3A_25 {offsets = [0, 128], sizes = [2048, 128], strides = [1, 1]} : vector<2048x256xf32> to vector<2048x128xf32>
    %add3A_320 = arith.addf %slice3A_318, %slice3A_319 : vector<2048x128xf32>
    %slice3A_321 = vector.extract_strided_slice %add3A_320 {offsets = [0, 0], sizes = [2048, 64], strides = [1, 1]} : vector<2048x128xf32> to vector<2048x64xf32>
    %slice3A_322 = vector.extract_strided_slice %add3A_320 {offsets = [0, 64], sizes = [2048, 64], strides = [1, 1]} : vector<2048x128xf32> to vector<2048x64xf32>
    %add3A_323 = arith.addf %slice3A_321, %slice3A_322 : vector<2048x64xf32>
    %slice3A_324 = vector.extract_strided_slice %add3A_323 {offsets = [0, 0], sizes = [2048, 32], strides = [1, 1]} : vector<2048x64xf32> to vector<2048x32xf32>
    %slice3A_325 = vector.extract_strided_slice %add3A_323 {offsets = [0, 32], sizes = [2048, 32], strides = [1, 1]} : vector<2048x64xf32> to vector<2048x32xf32>
    %add3A_326 = arith.addf %slice3A_324, %slice3A_325 : vector<2048x32xf32>
    %slice3A_327 = vector.extract_strided_slice %add3A_326 {offsets = [0, 0], sizes = [2048, 16], strides = [1, 1]} : vector<2048x32xf32> to vector<2048x16xf32>
    %slice3A_328 = vector.extract_strided_slice %add3A_326 {offsets = [0, 16], sizes = [2048, 16], strides = [1, 1]} : vector<2048x32xf32> to vector<2048x16xf32>
    %add3A_329 = arith.addf %slice3A_327, %slice3A_328 : vector<2048x16xf32>
    %slice3A_330 = vector.extract_strided_slice %add3A_329 {offsets = [0, 0], sizes = [2048, 8], strides = [1, 1]} : vector<2048x16xf32> to vector<2048x8xf32>
    %slice3A_331 = vector.extract_strided_slice %add3A_329 {offsets = [0, 8], sizes = [2048, 8], strides = [1, 1]} : vector<2048x16xf32> to vector<2048x8xf32>
    %add3A_332 = arith.addf %slice3A_330, %slice3A_331 : vector<2048x8xf32>
    %slice3A_333 = vector.extract_strided_slice %add3A_332 {offsets = [0, 0], sizes = [2048, 4], strides = [1, 1]} : vector<2048x8xf32> to vector<2048x4xf32>
    %slice3A_334 = vector.extract_strided_slice %add3A_332 {offsets = [0, 4], sizes = [2048, 4], strides = [1, 1]} : vector<2048x8xf32> to vector<2048x4xf32>
    %add3A_335 = arith.addf %slice3A_333, %slice3A_334 : vector<2048x4xf32>
    %slice3A_336 = vector.extract_strided_slice %add3A_335 {offsets = [0, 0], sizes = [2048, 2], strides = [1, 1]} : vector<2048x4xf32> to vector<2048x2xf32>
    %slice3A_337 = vector.extract_strided_slice %add3A_335 {offsets = [0, 2], sizes = [2048, 2], strides = [1, 1]} : vector<2048x4xf32> to vector<2048x2xf32>
    %add3A_338 = arith.addf %slice3A_336, %slice3A_337 : vector<2048x2xf32>
    %slice3A_339 = vector.extract_strided_slice %add3A_338 {offsets = [0, 0], sizes = [2048, 1], strides = [1, 1]} : vector<2048x2xf32> to vector<2048x1xf32>
    %slice3A_340 = vector.extract_strided_slice %add3A_338 {offsets = [0, 1], sizes = [2048, 1], strides = [1, 1]} : vector<2048x2xf32> to vector<2048x1xf32>
    %add3A_341 = arith.addf %slice3A_339, %slice3A_340 : vector<2048x1xf32>
    %mul3A_342 = arith.constant 3.906250e-03 : f32
    %mul3A_343 = vector.broadcast %mul3A_342 : f32 to vector<2048x1xf32>
    %mul3A_344 = arith.mulf %add3A_341, %mul3A_343 : vector<2048x1xf32>
    %sub3A_345 = vector.broadcast %mul3A_344 : vector<2048x1xf32> to vector<2048x256xf32>
    %sub3A_346 = arith.subf %add3A_25, %sub3A_345 : vector<2048x256xf32>
    %mul3A_347 = arith.mulf %sub3A_346, %sub3A_346 : vector<2048x256xf32>
    %slice3A_348 = vector.extract_strided_slice %mul3A_347 {offsets = [0, 0], sizes = [2048, 128], strides = [1, 1]} : vector<2048x256xf32> to vector<2048x128xf32>
    %slice3A_349 = vector.extract_strided_slice %mul3A_347 {offsets = [0, 128], sizes = [2048, 128], strides = [1, 1]} : vector<2048x256xf32> to vector<2048x128xf32>
    %add3A_350 = arith.addf %slice3A_348, %slice3A_349 : vector<2048x128xf32>
    %slice3A_351 = vector.extract_strided_slice %add3A_350 {offsets = [0, 0], sizes = [2048, 64], strides = [1, 1]} : vector<2048x128xf32> to vector<2048x64xf32>
    %slice3A_352 = vector.extract_strided_slice %add3A_350 {offsets = [0, 64], sizes = [2048, 64], strides = [1, 1]} : vector<2048x128xf32> to vector<2048x64xf32>
    %add3A_353 = arith.addf %slice3A_351, %slice3A_352 : vector<2048x64xf32>
    %slice3A_354 = vector.extract_strided_slice %add3A_353 {offsets = [0, 0], sizes = [2048, 32], strides = [1, 1]} : vector<2048x64xf32> to vector<2048x32xf32>
    %slice3A_355 = vector.extract_strided_slice %add3A_353 {offsets = [0, 32], sizes = [2048, 32], strides = [1, 1]} : vector<2048x64xf32> to vector<2048x32xf32>
    %add3A_356 = arith.addf %slice3A_354, %slice3A_355 : vector<2048x32xf32>
    %slice3A_357 = vector.extract_strided_slice %add3A_356 {offsets = [0, 0], sizes = [2048, 16], strides = [1, 1]} : vector<2048x32xf32> to vector<2048x16xf32>
    %slice3A_358 = vector.extract_strided_slice %add3A_356 {offsets = [0, 16], sizes = [2048, 16], strides = [1, 1]} : vector<2048x32xf32> to vector<2048x16xf32>
    %add3A_359 = arith.addf %slice3A_357, %slice3A_358 : vector<2048x16xf32>
    %slice3A_360 = vector.extract_strided_slice %add3A_359 {offsets = [0, 0], sizes = [2048, 8], strides = [1, 1]} : vector<2048x16xf32> to vector<2048x8xf32>
    %slice3A_361 = vector.extract_strided_slice %add3A_359 {offsets = [0, 8], sizes = [2048, 8], strides = [1, 1]} : vector<2048x16xf32> to vector<2048x8xf32>
    %add3A_362 = arith.addf %slice3A_360, %slice3A_361 : vector<2048x8xf32>
    %slice3A_363 = vector.extract_strided_slice %add3A_362 {offsets = [0, 0], sizes = [2048, 4], strides = [1, 1]} : vector<2048x8xf32> to vector<2048x4xf32>
    %slice3A_364 = vector.extract_strided_slice %add3A_362 {offsets = [0, 4], sizes = [2048, 4], strides = [1, 1]} : vector<2048x8xf32> to vector<2048x4xf32>
    %add3A_365 = arith.addf %slice3A_363, %slice3A_364 : vector<2048x4xf32>
    %slice3A_366 = vector.extract_strided_slice %add3A_365 {offsets = [0, 0], sizes = [2048, 2], strides = [1, 1]} : vector<2048x4xf32> to vector<2048x2xf32>
    %slice3A_367 = vector.extract_strided_slice %add3A_365 {offsets = [0, 2], sizes = [2048, 2], strides = [1, 1]} : vector<2048x4xf32> to vector<2048x2xf32>
    %add3A_368 = arith.addf %slice3A_366, %slice3A_367 : vector<2048x2xf32>
    %slice3A_369 = vector.extract_strided_slice %add3A_368 {offsets = [0, 0], sizes = [2048, 1], strides = [1, 1]} : vector<2048x2xf32> to vector<2048x1xf32>
    %slice3A_370 = vector.extract_strided_slice %add3A_368 {offsets = [0, 1], sizes = [2048, 1], strides = [1, 1]} : vector<2048x2xf32> to vector<2048x1xf32>
    %add3A_371 = arith.addf %slice3A_369, %slice3A_370 : vector<2048x1xf32>
    %mul3A_372 = arith.constant 3.906250e-03 : f32
    %mul3A_373 = vector.broadcast %mul3A_372 : f32 to vector<2048x1xf32>
    %mul3A_374 = arith.mulf %add3A_371, %mul3A_373 : vector<2048x1xf32>
    %add3A_375 = arith.constant 9.99999974E-6 : f32
    %add3A_376 = vector.broadcast %add3A_375 : f32 to vector<2048x1xf32>
    %add3A_377 = arith.addf %mul3A_374, %add3A_376 : vector<2048x1xf32>
    %sqrt3A = math.sqrt %add3A_377 : vector<2048x1xf32>
    %div3A = vector.broadcast %sqrt3A : vector<2048x1xf32> to vector<2048x256xf32>
    %div3A_378 = arith.divf %sub3A_346, %div3A : vector<2048x256xf32>
    %mul3A_379 = vector.broadcast %get3A_314 : vector<1x256xf32> to vector<2048x256xf32>
    %mul3A_380 = arith.mulf %div3A_378, %mul3A_379 : vector<2048x256xf32>
    %add3A_381 = vector.broadcast %get3A_317 : vector<1x256xf32> to vector<2048x256xf32>
    %add3A_382 = arith.addf %mul3A_380, %add3A_381 : vector<2048x256xf32>
    %max3A = arith.constant 0.000000e+00 : f32
    %max3A_383 = vector.broadcast %max3A : f32 to vector<2048x256xf32>
    %max3A_384 = arith.maximumf %add3A_382, %max3A_383 : vector<2048x256xf32>
    %swap3A = arith.constant 0 : index
    %swap3A_385 = arith.constant 0 : index
    %swap3A_386 = vector.load %arg11[%swap3A, %swap3A_385] : memref<2048x256xf32, #tpu.memory_space<vmem>>, vector<2048x256xf32>
    tpu.vector_store %arg11[%swap3A, %swap3A_385], %max3A_384 {strides = array<i32>} : memref<2048x256xf32, #tpu.memory_space<vmem>>, vector<2048x256xf32>,
    %swap3A_387 = arith.constant 0 : index
    %swap3A_388 = arith.constant 0 : index
    %swap3A_389 = vector.load %arg12[%swap3A_387, %swap3A_388] : memref<2048x128xi32, #tpu.memory_space<vmem>>, vector<2048x128xi32>
    tpu.vector_store %arg12[%swap3A_387, %swap3A_388], %add3A_296 {strides = array<i32>} : memref<2048x128xi32, #tpu.memory_space<vmem>>, vector<2048x128xi32>,
    %eq3A_390 = arith.constant 0 : i32
    %eq3A_391 = arith.cmpi eq, %arg0, %eq3A_390 : i32
    %convert_element_type3A_392 = arith.extui %eq3A_391 : i1 to i32
    %cond3A = arith.constant 0 : i32
    %cond3A_393 = arith.cmpi ne, %convert_element_type3A_392, %cond3A : i32
    scf.if %cond3A_393 {
      %broadcast_in_dim3A_402 = arith.constant 0.000000e+00 : f32
      %broadcast_in_dim3A_403 = vector.broadcast %broadcast_in_dim3A_402 : f32 to vector<1x1xf32>
      %swap3A_404 = arith.constant 0 : index
      %swap3A_405 = arith.constant 0 : index
      %swap3A_406 = vector.load %arg13[%swap3A_404, %swap3A_405] : memref<1x1xf32, #tpu.memory_space<vmem>>, vector<1x1xf32>
      tpu.vector_store %arg13[%swap3A_404, %swap3A_405], %broadcast_in_dim3A_403 {strides = array<i32>} : memref<1x1xf32, #tpu.memory_space<vmem>>, vector<1x1xf32>,
    } else {
    }
    %get3A_394 = arith.constant 0 : index
    %get3A_395 = arith.constant 0 : index
    %get3A_396 = vector.load %arg13[%get3A_394, %get3A_395] : memref<1x1xf32, #tpu.memory_space<vmem>>, vector<1x1xf32>
    %add3A_397 = vector.broadcast %reduce_sum3A_311 : f32 to vector<1x1xf32>
    %add3A_398 = arith.addf %get3A_396, %add3A_397 : vector<1x1xf32>
    %swap3A_399 = arith.constant 0 : index
    %swap3A_400 = arith.constant 0 : index
    %swap3A_401 = vector.load %arg13[%swap3A_399, %swap3A_400] : memref<1x1xf32, #tpu.memory_space<vmem>>, vector<1x1xf32>
    tpu.vector_store %arg13[%swap3A_399, %swap3A_400], %add3A_398 {strides = array<i32>} : memref<1x1xf32, #tpu.memory_space<vmem>>, vector<1x1xf32>,
    return
  }
  func.func @transform_0(%arg0: i32) -> (i32, i32) {
    %c0_i32 = arith.constant 0 : i32
    %c0_i32_0 = arith.constant 0 : i32
    return %arg0, %c0_i32 : i32, i32
  }
  func.func @transform_1(%arg0: i32) -> (i32, i32) {
    %c0_i32 = arith.constant 0 : i32
    %c0_i32_0 = arith.constant 0 : i32
    return %arg0, %c0_i32 : i32, i32
  }
  func.func @transform_2(%arg0: i32) -> (i32, i32) {
    %c0_i32 = arith.constant 0 : i32
    %c0_i32_0 = arith.constant 0 : i32
    return %arg0, %c0_i32 : i32, i32
  }
  func.func @transform_3(%arg0: i32) -> (i32, i32) {
    %c0_i32 = arith.constant 0 : i32
    %c0_i32_0 = arith.constant 0 : i32
    return %arg0, %c0_i32 : i32, i32
  }
  func.func @transform_4(%arg0: i32) -> (i32, i32) {
    %c0_i32 = arith.constant 0 : i32
    %c0_i32_0 = arith.constant 0 : i32
    %c0_i32_1 = arith.constant 0 : i32
    return %c0_i32, %c0_i32_0 : i32, i32
  }
  func.func @transform_5(%arg0: i32) -> (i32, i32) {
    %c0_i32 = arith.constant 0 : i32
    %c0_i32_0 = arith.constant 0 : i32
    %c0_i32_1 = arith.constant 0 : i32
    return %c0_i32, %c0_i32_0 : i32, i32
  }
  func.func @transform_6(%arg0: i32) -> (i32, i32) {
    %c0_i32 = arith.constant 0 : i32
    %c0_i32_0 = arith.constant 0 : i32
    %c0_i32_1 = arith.constant 0 : i32
    return %c0_i32, %c0_i32_0 : i32, i32
  }
  func.func @transform_7(%arg0: i32) -> (i32, i32, i32) {
    %c0_i32 = arith.constant 0 : i32
    %c0_i32_0 = arith.constant 0 : i32
    %c0_i32_1 = arith.constant 0 : i32
    %c0_i32_2 = arith.constant 0 : i32
    return %c0_i32, %c0_i32_0, %c0_i32_1 : i32, i32, i32
  }
  func.func @transform_8(%arg0: i32) -> (i32, i32) {
    %c0_i32 = arith.constant 0 : i32
    %c0_i32_0 = arith.constant 0 : i32
    %c0_i32_1 = arith.constant 0 : i32
    return %c0_i32, %c0_i32_0 : i32, i32
  }
  func.func @transform_9(%arg0: i32) -> (i32, i32) {
    %c0_i32 = arith.constant 0 : i32
    %c0_i32_0 = arith.constant 0 : i32
    %c0_i32_1 = arith.constant 0 : i32
    return %c0_i32, %c0_i32_0 : i32, i32
  }
  func.func @transform_10(%arg0: i32) -> (i32, i32) {
    %c0_i32 = arith.constant 0 : i32
    %c0_i32_0 = arith.constant 0 : i32
    return %arg0, %c0_i32 : i32, i32
  }
  func.func @transform_11(%arg0: i32) -> (i32, i32) {
    %c0_i32 = arith.constant 0 : i32
    %c0_i32_0 = arith.constant 0 : i32
    return %arg0, %c0_i32 : i32, i32
  }
  func.func @transform_12(%arg0: i32) -> (i32, i32) {
    %c0_i32 = arith.constant 0 : i32
    %c0_i32_0 = arith.constant 0 : i32
    %c0_i32_1 = arith.constant 0 : i32
    return %c0_i32, %c0_i32_0 : i32, i32
  }
}

module attributes {stable_mosaic.version = 14 : i64} {
  func.func @_k_fin(%arg0: i32, %arg1: memref<2048x256xf32, #tpu.memory_space<vmem>>, %arg2: memref<256x256xf32, #tpu.memory_space<vmem>>, %arg3: memref<1x256xf32, #tpu.memory_space<vmem>>, %arg4: memref<2048x256xf32, #tpu.memory_space<vmem>>) attributes {dimension_semantics = [#tpu.dimension_semantics<arbitrary>], iteration_bounds = array<i64: 5>, scalar_prefetch = 0 : i64, scratch_operands = 0 : i64, tpu.core_type = #tpu.core_type<tc>, window_params = [{transform_indices = @transform_0, window_bounds = array<i64: 2048, 256>}, {pipeline_mode = #tpu.pipeline_mode<synchronous>, transform_indices = @transform_1, window_bounds = array<i64: 256, 256>}, {pipeline_mode = #tpu.pipeline_mode<synchronous>, transform_indices = @transform_2, window_bounds = array<i64: 1, 256>}, {transform_indices = @transform_3, window_bounds = array<i64: 2048, 256>}]} {
    %get3A = arith.constant 0 : index
    %get3A_0 = arith.constant 0 : index
    %get3A_1 = vector.load %arg1[%get3A, %get3A_0] : memref<2048x256xf32, #tpu.memory_space<vmem>>, vector<2048x256xf32>
    %get3A_2 = arith.constant 0 : index
    %get3A_3 = arith.constant 0 : index
    %get3A_4 = vector.load %arg2[%get3A_2, %get3A_3] : memref<256x256xf32, #tpu.memory_space<vmem>>, vector<256x256xf32>
    %dot_general3A = arith.constant dense<0.000000e+00> : vector<2048x256xf32>
    %dot_general3A_5 = tpu.matmul %get3A_1, %get3A_4, %dot_general3A {dimension_numbers = #tpu.dot_dimension_numbers<[1], [0], [0], [1], [0, 0, 1, 1], [], []>, transpose_lhs_hint = false} : vector<2048x256xf32>, vector<256x256xf32>, vector<2048x256xf32> -> vector<2048x256xf32>
    %get3A_6 = arith.constant 0 : index
    %get3A_7 = arith.constant 0 : index
    %get3A_8 = vector.load %arg3[%get3A_6, %get3A_7] : memref<1x256xf32, #tpu.memory_space<vmem>>, vector<1x256xf32>
    %add3A = vector.broadcast %get3A_8 : vector<1x256xf32> to vector<2048x256xf32>
    %add3A_9 = arith.addf %dot_general3A_5, %add3A : vector<2048x256xf32>
    %swap3A = arith.constant 0 : index
    %swap3A_10 = arith.constant 0 : index
    %swap3A_11 = vector.load %arg4[%swap3A, %swap3A_10] : memref<2048x256xf32, #tpu.memory_space<vmem>>, vector<2048x256xf32>
    tpu.vector_store %arg4[%swap3A, %swap3A_10], %add3A_9 {strides = array<i32>} : memref<2048x256xf32, #tpu.memory_space<vmem>>, vector<2048x256xf32>,
    return
  }
  func.func @transform_0(%arg0: i32) -> (i32, i32) {
    %c0_i32 = arith.constant 0 : i32
    %c0_i32_0 = arith.constant 0 : i32
    return %arg0, %c0_i32 : i32, i32
  }
  func.func @transform_1(%arg0: i32) -> (i32, i32) {
    %c0_i32 = arith.constant 0 : i32
    %c0_i32_0 = arith.constant 0 : i32
    %c0_i32_1 = arith.constant 0 : i32
    return %c0_i32, %c0_i32_0 : i32, i32
  }
  func.func @transform_2(%arg0: i32) -> (i32, i32) {
    %c0_i32 = arith.constant 0 : i32
    %c0_i32_0 = arith.constant 0 : i32
    %c0_i32_1 = arith.constant 0 : i32
    return %c0_i32, %c0_i32_0 : i32, i32
  }
  func.func @transform_3(%arg0: i32) -> (i32, i32) {
    %c0_i32 = arith.constant 0 : i32
    %c0_i32_0 = arith.constant 0 : i32
    return %arg0, %c0_i32 : i32, i32
  }
}

</mosaic_0001>

<sc_bundles>
// kernel: kernel.11.cloned.1.call-start
scs
__scs_entry_jumppad:
0x0: {  	(pc) =	sbr.rel $0x88, $3  }
0x1: {  	(tag) =	ssettag $0x0;
	lr =	simm.s32 $0x1  }
0x2: {  	[smem:$0x3F93] =	sst lr;
	_ =	strace $0xD0000000  }
0x3: {  	_ = 	snop  }
0x4: {  	_ = 	snop  }
0x5: {  	_ = 	snop  }
0x6: {  	_ = 	snop  }
0x7: {  	_ = 	snop  }
__scs_overlays_trampoline_lowered:
0x8: {  	[smem:$0x3FA2] =	sst s0  }
0x9: {  	[smem:$0x3FA3] =	sst s1  }
0xa: {  	[smem:$0x3FA4] =	sst s2  }
0xb: {  	[smem:$0x3FA5] =	sst s3  }
0xc: {  	[smem:$0x3FA6] =	sst s4  }
0xd: {  	[smem:$0x3FA7] =	sst s5  }
0xe: {  	[smem:$0x3FA8] =	sst s6  }
0xf: {  	[smem:$0x3FA9] =	sst s7  }
0x10: {  	[smem:$0x3FAA] =	sst s8  }
0x11: {  	[smem:$0x3FAB] =	sst s9;
	s0 =	simm.s32 @!p0 $0x0  }
0x12: {  	s1 =	sld [smem:$0x3F91];
	s0 =	simm.s32 @p0 $0x1  }
0x13: {  	[smem:$0x3FAC] =	sst s0;
	s0 =	simm.s32 @!p1 $0x0  }
0x14: {  	s2 =	sld [smem:$0x3F90];
	s0 =	simm.s32 @p1 $0x1  }
0x15: {  	[smem:$0x3FAD] =	sst s0;
	s0 =	simm.s32 @!p2 $0x0  }
0x16: {  	s3 =	sld [smem:$0x3FDB];
	s0 =	simm.s32 @p2 $0x1  }
0x17: {  	s4 =	simm.s32 $0x1BF5;
	[smem:$0x3FAF] =	sst s0  }
0x18: {  	s0 =	sld [smem:$0x3F92];
	_ =	swait.ge [sflag:s4], $0x0  }
0x19: {  	s7 =	sld [smem:$0x3F93]  }
0x1a: {  	s8 =	sadd.s32 $0xFFFFE003, lr  }
0x1b: {  	s9 =	sadd.s32 $0xFFFFFEF7, lr;
	s5 =	simm.s32 $0xFFFFFFFF;
	p2 =	slt.u32 s8, $0xFFFFF086  }
0x1c: {  	p1 =	slt.u32 s9, $0xF7A;
	s5 =	simm.s32 @!p2 $0x0  }
0x1d: {  	s5 =	simm.s32 @p1 $0x1;
	p0 =	seq.s32 s7, s2  }
0x1e: {  	s7 =	smul.u32 @!p0 $0xF7A, s2;
	p2 =	seq.s32 @!p0 s5, $0x0  }
0x1f: {  	s9 =	smul.u32 $0xF7A, s1;
	s8 =	simm.s32 @!p0 $0x1BF5;
	p2 =	por !p2, p0  }
0x20: {  	[sflag:s8] =	ssyncset.s32 @!p0 $0xFFFFF086;
	s6 =	sadd.s32 @!p0 s3, s7;
	s7 =	simm.s32 @!p0 $0x108  }
0x21: {  	s3 =	sadd.s32 s3, s9;
	s6 =	sadd.s32 @!p0 $0x88, s6;
	s7 =	simm.s32 @p2 $0x1082  }
0x22: {  	[simem:s7], [sflag:s8] =	dma.local @!p0 [hbm:s6], $0xF7A  }
0x23: {  	s9 =	sor.u32 $0xD0000000, s2;
	s6 =	simm.s32 $0x108;
	_ =	swait.ge @!p0 [sflag:s8], $0x0  }
0x24: {  	s3 =	sadd.s32 $0x88, s3;
	s6 =	simm.s32 @!p1 $0x1082;
	[sflag:s4] =	ssyncset.s32 $0xFFFFF086  }
0x25: {  	[simem:s6], [sflag:s4] =	dma.local [hbm:s3], $0xF7A  }
0x26: {  	[smem:$0x3F93] =	sst s1;
	(tag) =	ssettag s2;
	_ =	strace s9  }
0x27: {  	s1 =	sld [smem:$0x3FA3]  }
0x28: {  	s2 =	sld [smem:$0x3FA4]  }
0x29: {  	s4 =	sld [smem:$0x3FA6]  }
0x2a: {  	p0 =	seq.s32 s5, $0x0;
	s5 =	sld [smem:$0x3FA7]  }
0x2b: {  	s6 =	sld [smem:$0x3FA8]  }
0x2c: {  	s7 =	sld [smem:$0x3FA9]  }
0x2d: {  	s3 =	simm.s32 $0x108;
	s8 =	sld [smem:$0x3FAA]  }
0x2e: {  	s3 =	simm.s32 @!p0 $0x1082;
	s9 =	sld [smem:$0x3FAB]  }
0x2f: {  	lr =	sadd.s32 s0, s3;
	s0 =	sld [smem:$0x3FA2]  }
0x30: {  	s3 =	sld [smem:$0x3FA5]  }
0x31: {  	[smem:$0x3FAE] =	sst s10  }
0x32: {  	s10 =	sld [smem:$0x3FAC];
	_ =	sdelay $0x3  }
0x33: {  	p0 =	seq.s32 s10, $0x1;
	s10 =	sld [smem:$0x3FAE];
	_ =	sdelay $0x3  }
0x34: {  	[smem:$0x3FAE] =	sst s10  }
0x35: {  	s10 =	sld [smem:$0x3FAD];
	_ =	sdelay $0x3  }
0x36: {  	p1 =	seq.s32 s10, $0x1;
	s10 =	sld [smem:$0x3FAE];
	_ =	sdelay $0x3  }
0x37: {  	[smem:$0x3FAE] =	sst s10  }
0x38: {  	s10 =	sld [smem:$0x3FAF]  }
0x39: {  	_ = 	snop;
	(pc) =	sbr.ind lr, $3  }
0x3a: {  	_ = 	snop  }
0x3b: {  	_ = 	snop  }
0x3c: {  	p2 =	seq.s32 s10, $0x1;
	s10 =	sld [smem:$0x3FAE]  }
0x3d: {  	_ =	shalt  }
0x3e: {  	_ =	shalt  }
0x3f: {  	_ =	shalt  }
0x40: {  	_ =	shalt  }
0x41: {  	_ =	shalt  }
0x42: {  	_ =	shalt  }
0x43: {  	_ =	shalt  }
0x44: {  	_ =	shalt  }
0x45: {  	_ =	shalt  }
0x46: {  	_ =	shalt  }
0x47: {  	_ =	shalt  }
0x48: {  	_ =	shalt  }
0x49: {  	_ =	shalt  }
0x4a: {  	_ =	shalt  }
0x4b: {  	_ =	shalt  }
0x4c: {  	_ =	shalt  }
0x4d: {  	_ =	shalt  }
0x4e: {  	_ =	shalt  }
0x4f: {  	_ =	shalt  }
0x50: {  	_ =	shalt  }
0x51: {  	_ =	shalt  }
0x52: {  	_ =	shalt  }
0x53: {  	_ =	shalt  }
0x54: {  	_ =	shalt  }
0x55: {  	_ =	shalt  }
0x56: {  	_ =	shalt  }
0x57: {  	_ =	shalt  }
0x58: {  	_ =	shalt  }
0x59: {  	_ =	shalt  }
0x5a: {  	_ =	shalt  }
0x5b: {  	_ =	shalt  }
0x5c: {  	_ =	shalt  }
0x5d: {  	_ =	shalt  }
0x5e: {  	_ =	shalt  }
0x5f: {  	_ =	shalt  }
0x60: {  	_ =	shalt  }
0x61: {  	_ =	shalt  }
0x62: {  	_ =	shalt  }
0x63: {  	_ =	shalt  }
0x64: {  	_ =	shalt  }
0x65: {  	_ =	shalt  }
0x66: {  	_ =	shalt  }
0x67: {  	_ =	shalt  }
0x68: {  	_ =	shalt  }
0x69: {  	_ =	shalt  }
0x6a: {  	_ =	shalt  }
0x6b: {  	_ =	shalt  }
0x6c: {  	_ =	shalt  }
0x6d: {  	_ =	shalt  }
0x6e: {  	_ =	shalt  }
0x6f: {  	_ =	shalt  }
0x70: {  	_ =	shalt  }
0x71: {  	_ =	shalt  }
0x72: {  	_ =	shalt  }
0x73: {  	_ =	shalt  }
0x74: {  	_ =	shalt  }
0x75: {  	_ =	shalt  }
0x76: {  	_ =	shalt  }
0x77: {  	_ =	shalt  }
0x78: {  	_ =	shalt  }
0x79: {  	_ =	shalt  }
0x7a: {  	_ =	shalt  }
0x7b: {  	_ =	shalt  }
0x7c: {  	_ =	shalt  }
0x7d: {  	_ =	shalt  }
0x7e: {  	_ =	shalt  }
0x7f: {  	_ =	shalt  }
0x80: {  	_ =	shalt  }
0x81: {  	_ =	shalt  }
0x82: {  	_ =	shalt  }
0x83: {  	_ =	shalt  }
0x84: {  	_ =	shalt  }
0x85: {  	_ =	shalt  }
0x86: {  	_ =	shalt  }
0x87: {  	_ =	shalt  }
.Lfunc_end0:
.L_simem_size_0:
called_computation_lowered:
.L_overlay_start_0:
0x88: {  	s2 =	sld [smem:$0x3FD9]  }
0x89: {  	s3 =	sld [smem:$0x3FFE];
	_ =	sdelay $0x1  }
0x8a: {  	s1 =	srdreg.scid  }
0x8b: {  	s0 =	sand.u32 $0x1, s1  }
0x8c: {  	s14 =	sshll.u32 s0, $0xA;
	s2 =	sadd.s32 s3, s2  }
0x8d: {  	s2 =	sadd.s32 s2, s14  }
0x8e: {  	[smem:$0x3FBA] =	sst s2  }
0x8f: {  	_ = 	snop  }
0x90: {  	s2 =	sld [smem:$0x3FD0];
	_ =	sdelay $0x2  }
0x91: {  	s15 =	simm.s32 $0xB;
	s4 =	simm.s32 $0x10  }
0x92: {  	[smem:s4], [sflag:s15] =	dma.local [hbm:s2], $0x1  }
0x93: {  	_ =	swait.eq [sflag:s15], $0x1  }
0x94: {  	[sflag:s15] =	ssyncset.done $0x0  }
0x95: {  	[sflag:s15] =	ssyncadd.s32 $0xFFFFFFFF  }
0x96: {  	s16 =	sld [smem:$0x12];
	(tm) =	ssettm $0x1  }
0x97: {  	s17 =	sld [smem:$0x3FFB];
	_ =	sdelay $0x3  }
0x98: {  	_ =	strace s17  }
0x99: {  	s3 =	sld [smem:$0x3FFC];
	_ =	sdelay $0x3  }
0x9a: {  	_ =	strace s3  }
0x9b: {  	s3 =	sld [smem:$0x3FFD];
	_ =	sdelay $0x3  }
0x9c: {  	_ =	strace s3  }
0x9d: {  	_ =	strace $0x8FFFFFFF  }
0x9e: {  	s18 =	sld [smem:$0x3FDB];
	_ =	sdelay $0x1  }
0x9f: {  	s19 =	simm.s32 $_scs_section_size  }
0xa0: {  	s5 =	simm.s32 $_size__tile_overlayer_lowered;
	s6 =	simm.s32 $_tile_overlayer_lowered  }
0xa1: {  	s22 =	simm.s32 $0x1BFF;
	s21 =	sshll.u32 s6, $0x1;
	s3 =	sadd.s32 s19, s18  }
0xa2: {  	s7 =	simm.s32 $0x0;
	s20 =	sshll.u32 s5, $0x1;
	s5 =	sadd.s32 s21, s3  }
0xa3: {  	[timem:s7], [sflag:s22] =	dma.local [hbm:s5], s20  }
0xa4: {  	_ =	swait.ge [sflag:s22], s20  }
0xa5: {  	s4 =	ssub.s32 $0x0, s20;
	[sflag:s22] =	ssyncset.done $0x0  }
0xa6: {  	[sflag:s22] =	ssyncadd.s32 s4;
	_ =	sdelay $0x1  }
0xa7: {  	s23 =	simm.s32 $0x1B8B  }
0xa8: {  	_ =	swait.ge [sflag:s23], $0x1  }
0xa9: {  	[sflag:s23] =	ssyncset.done $0x0  }
0xaa: {  	s25 =	simm.s32 $0x1B8E;
	s24 =	sld [smem:$0x3FFE];
	[sflag:s23] =	ssyncadd.s32 $0xFFFFFFFF  }
0xab: {  	s26 =	simm.s32 $execute0_lowered;
	[smem:$0x3FD2] =	sst s25  }
0xac: {  	s5 =	sshll.u32 s26, $0x1;
	_ =	strace $0x80000046;
	[dreg:$0x1] =	wrdreg $0xFFFFFFFF  }
0xad: {  	s28 =	simm.s32 $_size_execute0_lowered;
	s3 =	sadd.s32 s3, s5;
	[dreg:$0x0] =	wrdreg $0x0  }
0xae: {  	s5 =	sshll.u32 s28, $0x1;
	[dreg:$0x2] =	wrdreg s3  }
0xaf: {  	[dreg:$0x3] =	wrdreg s5  }
0xb0: {  	[dreg:$0x4] =	wrdreg $0xC0  }
0xb1: {  	_ =	task [dreg:s7], $0x5FFFF  }
0xb2: {  	[dreg:$0x1] =	wrdreg $0xFFFFFFFF  }
0xb3: {  	[dreg:$0x0] =	wrdreg $0x60  }
0xb4: {  	[dreg:$0x2] =	wrdreg s24  }
0xb5: {  	[dreg:$0x3] =	wrdreg s16  }
0xb6: {  	[dreg:$0x4] =	wrdreg $0x40800  }
0xb7: {  	[dreg:$0x5] =	wrdreg $0x9  }
0xb8: {  	_ =	task.clear_ibuf [dreg:s7], $0x6FFFF;
	_ =	strace $0x90000046  }
0xb9: {  	s29 =	simm.s32 $0x9;
	_ =	strace $0x80000048  }
0xba: {  	_ =	swait.ge [sflag:s29], $0x1  }
0xbb: {  	[sflag:s29] =	ssyncadd.s32 $0xFFFFFFFF  }
0xbc: {  	_ =	strace $0x90000048  }
0xbd: {  	_ =	sfence  }
0xbe: {  	s30 =	sld [smem:$0x0];
	_ =	sdelay $0x2  }
0xbf: {  	s31 =	sshll.u32 s1, $0xD;
	s1 =	sshrl.u32 s1, $0x2  }
0xc0: {  	s3 =	sand.u32 $0x4000, s31;
	s1 =	sadd.s32 s1, s30  }
0xc1: {  	s0 =	sor.u32 s3, s0;
	s1 =	sshll.u32 s1, $0x11  }
0xc2: {  	s0 =	sor.u32 s1, s0  }
0xc3: {  	s0 =	sadd.s32 $0x8F2B, s0  }
0xc4: {  	[sflag:s0] =	ssyncadd.remote.s32 $0x1  }
0xc5: {  	_ =	sfence.sel $0xFFFF  }
0xc6: {  	[dreg:$0x0] =	wrdreg $0xFFFFFFFF;
	(pc) =	sbr.abs _section_cstart, $3  }
0xc7: {  	[dreg:$0x1] =	wrdreg $0xFFFFFFFF  }
0xc8: {  	_ =	task.clear_ibuf [dreg:s7], $0x2FFFF;
	_ =	strace $0x9FFFFFFF  }
0xc9: {  	(tm) =	ssettm $0x7FFFFFFF  }
tec
execute0_lowered:
.L_overlay_start_1:
0x0: {  	(tag) =	ssettag $0x1  }
0x1: {  	s5 =	rddreg [dreg:$0x0];
	s0 =	srdreg.scid  }
0x2: {  	s2 =	rddreg [dreg:$0x1];
	s6 =	sand.u32 $0x1, s0  }
0x3: {  	s0 =	stileid.u32;
	s7 =	smul.u32 $0x14000, s6  }
0x4: {  	s3 =	rddreg [dreg:$0x2];
	s8 =	smul.u32 $0x1400, s0  }
0x5: {  	s1 =	rddreg [dreg:$0x3];
	s4 =	simm.s32 $0x0;
	s26 =	smul.u32 $0x14000, s0  }
0x6: {  	s13 =	simm.s32 $0x0;
	[smem:$0x7FF] =	sst s4;
	s9 =	smul.u32 $0x140000, s6  }
0x7: {  	_ =	strace $0x80000047;
	s29 =	smul.u32 $0x50000, s0;
	s6 =	ssub.s32 $0x2, s6  }
0x8: {  	s31 =	sshll.u32 s0, $0x6;
	s30 =	sshrl.u32 s6, $0x1;
	s7 =	sadd.s32 s8, s7  }
0x9: {  	s28 =	sshrl.u32 s26, $0x3;
	s8 =	sadd.s32 s26, s9;
	s9 =	sshrl.u32 s29, $0x2  }
0xa: {  	s11 =	ssub.s32 s6, s30;
	s6 =	sor.u32 $0x1C01, s31;
	s7 =	sshrl.u32 s7, $0x3  }
0xb: {  	s8 =	sshrl.u32 s8, $0x3;
	s10 =	sadd.s32 s7, s5;
	s7 =	sadd.s32 s28, s5  }
0xc: {  	s12 =	sadd.s32 s9, s3;
	s8 =	sadd.s32 s8, s5;
	s5 =	sadd.s32 $0xB000, s7  }
0xd: {  	s7 =	sadd.s32 $0x33000, s8;
	s8 =	smax.u32 s11, $0x1;
	s9 =	sadd.s32 $0x6000, s10  }
0xe: {  	s10 =	sshrl.u32 s12, $0x3;
	s11 =	simm.s32 $0x1;
	s12 =	simm.s32 $0x80  }
.LBB2_1:
0xf: {  	[spmem:s10], [sflag:s6] =	dma.local [hbm:s5], $0x2800  }
0x10: {  	_ =	swait.ge [sflag:s11], $0x2800  }
0x11: {  	[sflag:s11] =	ssyncset.done $0x0  }
0x12: {  	[sflag:s11] =	ssyncadd.s32 $0xFFFFD800  }
0x13: {  	[tilespmem:s12], [sflag:$0x1] =	stream.linear.gather [hbm4b:s2+s4], $0x4000, $0x38;
	[tilespmem:$0x18080] =	vst v63  }
0x14: {  	_ =	swait.ge [sflag:s11], $0x4000  }
0x15: {  	[sflag:s11] =	ssyncset.done $0x0  }
0x16: {  	[sflag:s11] =	ssyncadd.s32 $0xFFFFC000  }
0x17: {  	s14 =	sadd.s32 $0x0, s9;
	[bflag:$0x0] =	sbarrier.arrive $0xFFFF  }
0x18: {  	[tilespmem:s4], [sflag:$0x1] =	stream.linear.gather [hbm4b:s14+s4], $0x80, $0x38;
	[tilespmem:$0x18080] =	vst v63  }
0x19: {  	_ =	swait.ge [sflag:s11], $0x80  }
0x1a: {  	[sflag:s11] =	ssyncset.done $0x0  }
0x1b: {  	[sflag:s11] =	ssyncadd.s32 $0xFFFFFF80  }
0x1c: {  	[spmem:s3] =	stream.indirect.scatter.add.f32 [tilespmem:s12], [sflag:$0x1], $0x80, s4, s12, $0xb8;
	[tilespmem:$0x18080] =	vst v63  }
0x1d: {  	_ =	swait.ge [sflag:s11], $0x4000  }
0x1e: {  	s15 =	simm.s32 $0x20;
	s14 =	simm.s32 $0x10;
	[sflag:s11] =	ssyncset.done $0x0  }
.LBB2_2:
0x1f: {  	s16 =	sadd.s32 s14, s9  }
0x20: {  	[sflag:s11] =	ssyncadd.s32 $0xFFFFC000;
	s14 =	smov.u32 s15;
	s17 =	sadd.s32 $0x10, s15  }
0x21: {  	[tilespmem:s4], [sflag:$0x1] =	stream.linear.gather [hbm4b:s16+s4], $0x80, $0x38;
	[tilespmem:$0x18080] =	vst v63  }
0x22: {  	p0 =	sne.s32 s15, $0x270;
	_ =	swait.ge [sflag:s11], $0x80  }
.Ltmp0:
0x23: {  	[sflag:s11] =	ssyncset.done $0x0;
	(pc) =	sbr.rel @p0 .LBB2_2-.Ltmp0, $4  }
0x24: {  	[sflag:s11] =	ssyncadd.s32 $0xFFFFFF80  }
0x25: {  	[spmem:s3] =	stream.indirect.scatter.add.f32 [tilespmem:s12], [sflag:$0x1], $0x80, s4, s12, $0xb8;
	[tilespmem:$0x18080] =	vst v63  }
0x26: {  	_ =	swait.ge [sflag:s11], $0x4000  }
0x27: {  	s15 =	smov.u32 s17;
	[sflag:s11] =	ssyncset.done $0x0  }
0x28: {  	s14 =	sadd.s32 s14, s9;
	[sflag:s11] =	ssyncadd.s32 $0xFFFFC000  }
0x29: {  	[tilespmem:s4], [sflag:$0x1] =	stream.linear.gather [hbm4b:s14+s4], $0x80, $0x38;
	[tilespmem:$0x18080] =	vst v63  }
0x2a: {  	_ =	swait.ge [sflag:s11], $0x80  }
0x2b: {  	[sflag:s11] =	ssyncset.done $0x0  }
0x2c: {  	[sflag:s11] =	ssyncadd.s32 $0xFFFFFF80  }
0x2d: {  	[spmem:s3] =	stream.indirect.scatter.add.f32 [tilespmem:s12], [sflag:$0x1], $0x80, s4, s12, $0xb8;
	[tilespmem:$0x18080] =	vst v63  }
0x2e: {  	_ =	swait.ge [sflag:s11], $0x4000  }
0x2f: {  	s13 =	sadd.s32 $0x1, s13;
	[sflag:s11] =	ssyncset.done $0x0  }
0x30: {  	p0 =	sne.s32 s13, s8;
	[sflag:s11] =	ssyncadd.s32 $0xFFFFC000  }
.Ltmp1:
0x31: {  	[bflag:$0x0] =	sbarrier.arrive $0xFFFF;
	(pc) =	sbr.rel @p0 .LBB2_1-.Ltmp1, $4  }
0x32: {  	[hbm:s7], [sflag:s6] =	dma.local [spmem:s10], $0x2800  }
0x33: {  	_ =	swait.ge [sflag:s11], $0x2800  }
0x34: {  	[sflag:s11] =	ssyncset.done $0x0  }
0x35: {  	[sflag:s11] =	ssyncadd.s32 $0xFFFFD800  }
0x36: {  	_ =	sfence.sel $0x180000  }
0x37: {  	[bflag:$0x0] =	sbarrier.arrive $0xFFFF  }
0x38: {  	p0 =	sne.s32 s0, $0x0;
	_ =	strace $0x90000047  }
0x39: {  	s0 =	sadd.s32 @!p0 $0x100000, s1;
	[bflag:$0x2] =	sbarrier.arrive $0xFFFF  }
0x3a: {  	[sflag:s0] =	ssyncadd.tile.s32 @!p0 $0x1;
	_ =	shalt  }
.Lfunc_end2:
_tile_overlayer_lowered:
.L_overlay_start_2:
0x3b: {  	(tag) =	ssettag $0x2  }
0x3c: {  	s0 =	rddreg [dreg:$0x0];
	s2 =	stileid.u32  }
0x3d: {  	s1 =	rddreg [dreg:$0x1];
	p0 =	sne.s32 s2, $0x0  }
0x3e: {  	s3 =	rddreg [dreg:$0x2];
	[bflag:$0x3] =	sbarrier.arrive $0xFFFF;
	s2 =	simm.s32 @!p0 $0x1C01  }
0x3f: {  	[timem:s3], [sflag:s2] =	dma.local @!p0 [hbm:s0], s1  }
0x40: {  	s0 =	simm.s32 @!p0 $0x1  }
0x41: {  	_ =	swait.ge @!p0 [sflag:s0], s1  }
0x42: {  	s1 =	ssub.s32 @!p0 $0x0, s1;
	[sflag:s0] =	ssyncset.done @!p0 $0x0  }
0x43: {  	[sflag:s0] =	ssyncadd.s32 @!p0 s1  }
0x44: {  	[bflag:$0x3] =	sbarrier.arrive $0xFFFF  }
0x45: {  	_ =	shalt  }

// kernel: kernel.14.cloned.1.call-start
scs
__scs_entry_jumppad:
0x0: {  	(pc) =	sbr.rel $0x88, $3  }
0x1: {  	(tag) =	ssettag $0x0;
	lr =	simm.s32 $0x1  }
0x2: {  	[smem:$0x3F93] =	sst lr;
	_ =	strace $0xD0000000  }
0x3: {  	_ = 	snop  }
0x4: {  	_ = 	snop  }
0x5: {  	_ = 	snop  }
0x6: {  	_ = 	snop  }
0x7: {  	_ = 	snop  }
__scs_overlays_trampoline_lowered:
0x8: {  	[smem:$0x3FA2] =	sst s0  }
0x9: {  	[smem:$0x3FA3] =	sst s1  }
0xa: {  	[smem:$0x3FA4] =	sst s2  }
0xb: {  	[smem:$0x3FA5] =	sst s3  }
0xc: {  	[smem:$0x3FA6] =	sst s4  }
0xd: {  	[smem:$0x3FA7] =	sst s5  }
0xe: {  	[smem:$0x3FA8] =	sst s6  }
0xf: {  	[smem:$0x3FA9] =	sst s7  }
0x10: {  	[smem:$0x3FAA] =	sst s8  }
0x11: {  	[smem:$0x3FAB] =	sst s9;
	s0 =	simm.s32 @!p0 $0x0  }
0x12: {  	s1 =	sld [smem:$0x3F91];
	s0 =	simm.s32 @p0 $0x1  }
0x13: {  	[smem:$0x3FAC] =	sst s0;
	s0 =	simm.s32 @!p1 $0x0  }
0x14: {  	s2 =	sld [smem:$0x3F90];
	s0 =	simm.s32 @p1 $0x1  }
0x15: {  	[smem:$0x3FAD] =	sst s0;
	s0 =	simm.s32 @!p2 $0x0  }
0x16: {  	s3 =	sld [smem:$0x3FDB];
	s0 =	simm.s32 @p2 $0x1  }
0x17: {  	s4 =	simm.s32 $0x1BF5;
	[smem:$0x3FAF] =	sst s0  }
0x18: {  	s0 =	sld [smem:$0x3F92];
	_ =	swait.ge [sflag:s4], $0x0  }
0x19: {  	s7 =	sld [smem:$0x3F93]  }
0x1a: {  	s8 =	sadd.s32 $0xFFFFE003, lr  }
0x1b: {  	s9 =	sadd.s32 $0xFFFFFEF7, lr;
	s5 =	simm.s32 $0xFFFFFFFF;
	p2 =	slt.u32 s8, $0xFFFFF086  }
0x1c: {  	p1 =	slt.u32 s9, $0xF7A;
	s5 =	simm.s32 @!p2 $0x0  }
0x1d: {  	s5 =	simm.s32 @p1 $0x1;
	p0 =	seq.s32 s7, s2  }
0x1e: {  	s7 =	smul.u32 @!p0 $0xF7A, s2;
	p2 =	seq.s32 @!p0 s5, $0x0  }
0x1f: {  	s9 =	smul.u32 $0xF7A, s1;
	s8 =	simm.s32 @!p0 $0x1BF5;
	p2 =	por !p2, p0  }
0x20: {  	[sflag:s8] =	ssyncset.s32 @!p0 $0xFFFFF086;
	s6 =	sadd.s32 @!p0 s3, s7;
	s7 =	simm.s32 @!p0 $0x108  }
0x21: {  	s3 =	sadd.s32 s3, s9;
	s6 =	sadd.s32 @!p0 $0x88, s6;
	s7 =	simm.s32 @p2 $0x1082  }
0x22: {  	[simem:s7], [sflag:s8] =	dma.local @!p0 [hbm:s6], $0xF7A  }
0x23: {  	s9 =	sor.u32 $0xD0000000, s2;
	s6 =	simm.s32 $0x108;
	_ =	swait.ge @!p0 [sflag:s8], $0x0  }
0x24: {  	s3 =	sadd.s32 $0x88, s3;
	s6 =	simm.s32 @!p1 $0x1082;
	[sflag:s4] =	ssyncset.s32 $0xFFFFF086  }
0x25: {  	[simem:s6], [sflag:s4] =	dma.local [hbm:s3], $0xF7A  }
0x26: {  	[smem:$0x3F93] =	sst s1;
	(tag) =	ssettag s2;
	_ =	strace s9  }
0x27: {  	s1 =	sld [smem:$0x3FA3]  }
0x28: {  	s2 =	sld [smem:$0x3FA4]  }
0x29: {  	s4 =	sld [smem:$0x3FA6]  }
0x2a: {  	p0 =	seq.s32 s5, $0x0;
	s5 =	sld [smem:$0x3FA7]  }
0x2b: {  	s6 =	sld [smem:$0x3FA8]  }
0x2c: {  	s7 =	sld [smem:$0x3FA9]  }
0x2d: {  	s3 =	simm.s32 $0x108;
	s8 =	sld [smem:$0x3FAA]  }
0x2e: {  	s3 =	simm.s32 @!p0 $0x1082;
	s9 =	sld [smem:$0x3FAB]  }
0x2f: {  	lr =	sadd.s32 s0, s3;
	s0 =	sld [smem:$0x3FA2]  }
0x30: {  	s3 =	sld [smem:$0x3FA5]  }
0x31: {  	[smem:$0x3FAE] =	sst s10  }
0x32: {  	s10 =	sld [smem:$0x3FAC];
	_ =	sdelay $0x3  }
0x33: {  	p0 =	seq.s32 s10, $0x1;
	s10 =	sld [smem:$0x3FAE];
	_ =	sdelay $0x3  }
0x34: {  	[smem:$0x3FAE] =	sst s10  }
0x35: {  	s10 =	sld [smem:$0x3FAD];
	_ =	sdelay $0x3  }
0x36: {  	p1 =	seq.s32 s10, $0x1;
	s10 =	sld [smem:$0x3FAE];
	_ =	sdelay $0x3  }
0x37: {  	[smem:$0x3FAE] =	sst s10  }
0x38: {  	s10 =	sld [smem:$0x3FAF]  }
0x39: {  	_ = 	snop;
	(pc) =	sbr.ind lr, $3  }
0x3a: {  	_ = 	snop  }
0x3b: {  	_ = 	snop  }
0x3c: {  	p2 =	seq.s32 s10, $0x1;
	s10 =	sld [smem:$0x3FAE]  }
0x3d: {  	_ =	shalt  }
0x3e: {  	_ =	shalt  }
0x3f: {  	_ =	shalt  }
0x40: {  	_ =	shalt  }
0x41: {  	_ =	shalt  }
0x42: {  	_ =	shalt  }
0x43: {  	_ =	shalt  }
0x44: {  	_ =	shalt  }
0x45: {  	_ =	shalt  }
0x46: {  	_ =	shalt  }
0x47: {  	_ =	shalt  }
0x48: {  	_ =	shalt  }
0x49: {  	_ =	shalt  }
0x4a: {  	_ =	shalt  }
0x4b: {  	_ =	shalt  }
0x4c: {  	_ =	shalt  }
0x4d: {  	_ =	shalt  }
0x4e: {  	_ =	shalt  }
0x4f: {  	_ =	shalt  }
0x50: {  	_ =	shalt  }
0x51: {  	_ =	shalt  }
0x52: {  	_ =	shalt  }
0x53: {  	_ =	shalt  }
0x54: {  	_ =	shalt  }
0x55: {  	_ =	shalt  }
0x56: {  	_ =	shalt  }
0x57: {  	_ =	shalt  }
0x58: {  	_ =	shalt  }
0x59: {  	_ =	shalt  }
0x5a: {  	_ =	shalt  }
0x5b: {  	_ =	shalt  }
0x5c: {  	_ =	shalt  }
0x5d: {  	_ =	shalt  }
0x5e: {  	_ =	shalt  }
0x5f: {  	_ =	shalt  }
0x60: {  	_ =	shalt  }
0x61: {  	_ =	shalt  }
0x62: {  	_ =	shalt  }
0x63: {  	_ =	shalt  }
0x64: {  	_ =	shalt  }
0x65: {  	_ =	shalt  }
0x66: {  	_ =	shalt  }
0x67: {  	_ =	shalt  }
0x68: {  	_ =	shalt  }
0x69: {  	_ =	shalt  }
0x6a: {  	_ =	shalt  }
0x6b: {  	_ =	shalt  }
0x6c: {  	_ =	shalt  }
0x6d: {  	_ =	shalt  }
0x6e: {  	_ =	shalt  }
0x6f: {  	_ =	shalt  }
0x70: {  	_ =	shalt  }
0x71: {  	_ =	shalt  }
0x72: {  	_ =	shalt  }
0x73: {  	_ =	shalt  }
0x74: {  	_ =	shalt  }
0x75: {  	_ =	shalt  }
0x76: {  	_ =	shalt  }
0x77: {  	_ =	shalt  }
0x78: {  	_ =	shalt  }
0x79: {  	_ =	shalt  }
0x7a: {  	_ =	shalt  }
0x7b: {  	_ =	shalt  }
0x7c: {  	_ =	shalt  }
0x7d: {  	_ =	shalt  }
0x7e: {  	_ =	shalt  }
0x7f: {  	_ =	shalt  }
0x80: {  	_ =	shalt  }
0x81: {  	_ =	shalt  }
0x82: {  	_ =	shalt  }
0x83: {  	_ =	shalt  }
0x84: {  	_ =	shalt  }
0x85: {  	_ =	shalt  }
0x86: {  	_ =	shalt  }
0x87: {  	_ =	shalt  }
.Lfunc_end0:
.L_simem_size_0:
called_computation.1_lowered:
.L_overlay_start_0:
0x88: {  	s2 =	sld [smem:$0x3FD9]  }
0x89: {  	s3 =	sld [smem:$0x3FFE];
	_ =	sdelay $0x1  }
0x8a: {  	s1 =	srdreg.scid  }
0x8b: {  	s0 =	sand.u32 $0x1, s1  }
0x8c: {  	s15 =	sshll.u32 s0, $0xA;
	s2 =	sadd.s32 s3, s2  }
0x8d: {  	s2 =	sadd.s32 s2, s15  }
0x8e: {  	[smem:$0x3FBA] =	sst s2  }
0x8f: {  	_ = 	snop  }
0x90: {  	s2 =	sld [smem:$0x3FD0];
	_ =	sdelay $0x2  }
0x91: {  	s16 =	simm.s32 $0xB;
	s4 =	simm.s32 $0x10  }
0x92: {  	[smem:s4], [sflag:s16] =	dma.local [hbm:s2], $0x1  }
0x93: {  	_ =	swait.eq [sflag:s16], $0x1  }
0x94: {  	[sflag:s16] =	ssyncset.done $0x0  }
0x95: {  	[sflag:s16] =	ssyncadd.s32 $0xFFFFFFFF  }
0x96: {  	s17 =	sld [smem:$0x10];
	(tm) =	ssettm $0x1  }
0x97: {  	s18 =	sld [smem:$0x3FFB];
	_ =	sdelay $0x3  }
0x98: {  	_ =	strace s18  }
0x99: {  	s2 =	sld [smem:$0x3FFC];
	_ =	sdelay $0x3  }
0x9a: {  	_ =	strace s2  }
0x9b: {  	s2 =	sld [smem:$0x3FFD];
	_ =	sdelay $0x3  }
0x9c: {  	_ =	strace s2  }
0x9d: {  	_ =	strace $0x8FFFFFFF  }
0x9e: {  	s19 =	sld [smem:$0x3FDB];
	_ =	sdelay $0x1  }
0x9f: {  	s20 =	simm.s32 $_scs_section_size  }
0xa0: {  	s5 =	simm.s32 $_size__tile_overlayer_lowered;
	s6 =	simm.s32 $_tile_overlayer_lowered  }
0xa1: {  	s7 =	simm.s32 $0x1BFF;
	s21 =	sshll.u32 s6, $0x1;
	s4 =	sadd.s32 s20, s19  }
0xa2: {  	s22 =	simm.s32 $0x0;
	s5 =	sshll.u32 s5, $0x1;
	s6 =	sadd.s32 s21, s4  }
0xa3: {  	[timem:s22], [sflag:s7] =	dma.local [hbm:s6], s5  }
0xa4: {  	_ =	swait.ge [sflag:s7], s5  }
0xa5: {  	s5 =	ssub.s32 $0x0, s5;
	[sflag:s7] =	ssyncset.done $0x0  }
0xa6: {  	[sflag:s7] =	ssyncadd.s32 s5;
	_ =	sdelay $0x1  }
0xa7: {  	s23 =	simm.s32 $0x1B8B  }
0xa8: {  	_ =	swait.ge [sflag:s23], $0x1  }
0xa9: {  	[sflag:s23] =	ssyncset.done $0x0  }
0xaa: {  	[sflag:s23] =	ssyncadd.s32 $0xFFFFFFFF  }
0xab: {  	s5 =	sld [smem:$0x0]  }
0xac: {  	s6 =	sand.u32 $0xFFFFFFFE, s1  }
0xad: {  	p0 =	sne.s32 s1, s6  }
0xae: {  	s6 =	sshll.u32 @p0 s6, $0xE  }
0xaf: {  	s6 =	sadd.s32 @p0 $0x11B8D, s6;
	s7 =	sshll.u32 @p0 s5, $0x11  }
0xb0: {  	s6 =	sor.u32 @p0 s7, s6  }
0xb1: {  	[sflag:s6] =	ssyncadd.remote.s32 @p0 $0x1;
	_ =	sdelay $0x1  }
0xb2: {  	s6 =	simm.s32 @p0 $0x1B8D  }
0xb3: {  	_ =	swait.eq @p0 [sflag:s6], $0x1  }
0xb4: {  	[sflag:s6] =	ssyncadd.s32 @p0 $0xFFFFFFFF  }
0xb5: {  	s7 =	sshll.u32 @!p0 s1, $0xE  }
0xb6: {  	s7 =	sor.u32 @!p0 $0x4000, s7;
	s6 =	simm.s32 @!p0 $0x1B8D  }
0xb7: {  	s5 =	sshll.u32 @!p0 s5, $0x11;
	s7 =	sadd.s32 @!p0 $0x11B8D, s7;
	_ =	swait.eq @!p0 [sflag:s6], $0x1  }
0xb8: {  	s5 =	sor.u32 @!p0 s5, s7;
	[sflag:s6] =	ssyncadd.s32 @!p0 $0xFFFFFFFF  }
0xb9: {  	s25 =	simm.s32 $0x1B8E;
	s24 =	sld [smem:$0x3FFE];
	[sflag:s5] =	ssyncadd.remote.s32 @!p0 $0x1  }
0xba: {  	s26 =	simm.s32 $execute0_lowered;
	[smem:$0x3FD2] =	sst s25  }
0xbb: {  	s6 =	sshll.u32 s26, $0x1;
	_ =	strace $0x80000049;
	[dreg:$0x1] =	wrdreg $0xFFFFFFFF  }
0xbc: {  	s28 =	simm.s32 $_size_execute0_lowered;
	s4 =	sadd.s32 s4, s6;
	[dreg:$0x0] =	wrdreg $0x0  }
0xbd: {  	s6 =	sshll.u32 s28, $0x1;
	[dreg:$0x2] =	wrdreg s4  }
0xbe: {  	[dreg:$0x3] =	wrdreg s6  }
0xbf: {  	[dreg:$0x4] =	wrdreg $0xC0  }
0xc0: {  	_ =	task [dreg:s22], $0x5FFFF  }
0xc1: {  	[dreg:$0x1] =	wrdreg $0xFFFFFFFF  }
0xc2: {  	[dreg:$0x0] =	wrdreg $0x60  }
0xc3: {  	[dreg:$0x2] =	wrdreg s17  }
0xc4: {  	[dreg:$0x3] =	wrdreg s24  }
0xc5: {  	[dreg:$0x4] =	wrdreg $0x41000  }
0xc6: {  	[dreg:$0x5] =	wrdreg $0xA  }
0xc7: {  	_ =	task.clear_ibuf [dreg:s22], $0x6FFFF;
	_ =	strace $0x90000049  }
0xc8: {  	s29 =	simm.s32 $0xA;
	_ =	strace $0x8000004B  }
0xc9: {  	_ =	swait.ge [sflag:s29], $0x1  }
0xca: {  	[sflag:s29] =	ssyncadd.s32 $0xFFFFFFFF  }
0xcb: {  	_ =	strace $0x9000004B  }
0xcc: {  	_ =	sfence  }
0xcd: {  	s30 =	sld [smem:$0x0];
	_ =	sdelay $0x2  }
0xce: {  	s31 =	sshll.u32 s1, $0xD;
	s1 =	sshrl.u32 s1, $0x2  }
0xcf: {  	s4 =	sand.u32 $0x4000, s31;
	s1 =	sadd.s32 s1, s30  }
0xd0: {  	s0 =	sor.u32 s4, s0;
	s1 =	sshll.u32 s1, $0x11  }
0xd1: {  	s0 =	sor.u32 s1, s0  }
0xd2: {  	s0 =	sadd.s32 $0x8F2B, s0  }
0xd3: {  	[sflag:s0] =	ssyncadd.remote.s32 $0x1  }
0xd4: {  	_ =	sfence.sel $0xFFFF  }
0xd5: {  	[dreg:$0x0] =	wrdreg $0xFFFFFFFF;
	(pc) =	sbr.abs _section_cstart, $3  }
0xd6: {  	[dreg:$0x1] =	wrdreg $0xFFFFFFFF  }
0xd7: {  	_ =	task.clear_ibuf [dreg:s22], $0x2FFFF;
	_ =	strace $0x9FFFFFFF  }
0xd8: {  	(tm) =	ssettm $0x7FFFFFFF  }
0xd9: {  	_ =	shalt  }
tec
execute0_lowered:
.L_overlay_start_1:
0x0: {  	(tag) =	ssettag $0x1  }
0x1: {  	s1 =	rddreg [dreg:$0x0]  }
0x2: {  	s8 =	rddreg [dreg:$0x1]  }
0x3: {  	s3 =	rddreg [dreg:$0x2]  }
0x4: {  	s0 =	rddreg [dreg:$0x3]  }
0x5: {  	s4 =	simm.s32 $0x0;
	s2 =	stileid.u32;
	s9 =	srdreg.scid  }
0x6: {  	s16 =	simm.s32 $0x80;
	s17 =	simm.s32 $0x100;
	s18 =	simm.s32 $0x1  }
0x7: {  	s19 =	simm.s32 $0x0;
	[smem:$0x7FF] =	sst s4;
	s7 =	smul.u32 $0x500, s2  }
0x8: {  	s5 =	sadd.s32 $0x88000, s8;
	s6 =	smul.u32 $0x2800, s2;
	s14 =	sand.u32 $0x1, s9  }
0x9: {  	s30 =	smul.u32 $0x50000, s2;
	s31 =	sshll.u32 s2, $0x6;
	_ =	strace $0x8000004A  }
0xa: {  	s11 =	ssub.s32 $0x2, s14;
	p0 =	sne.s32 s14, $0x0;
	s13 =	sadd.s32 s7, s8  }
.Ltmp0:
0xb: {  	s10 =	sadd.s32 s6, s8;
	s7 =	sadd.s32 $0xB0000, s8;
	(pc) =	sbr.rel .LBB2_1-.Ltmp0, $4  }
0xc: {  	s8 =	sadd.s32 $0xD8000, s8;
	s12 =	sshrl.u32 s11, $0x1;
	s9 =	sshrl.u32 s30, $0x2  }
0xd: {  	s11 =	ssub.s32 s11, s12;
	s15 =	sadd.s32 s9, s3;
	s9 =	sadd.s32 $0xB000, s10  }
0xe: {  	s10 =	sor.u32 $0x1C02, s31;
	s12 =	sadd.s32 $0x6000, s13;
	s13 =	sadd.s32 $0x83000, s13  }
0xf: {  	s11 =	smax.u32 s11, $0x1;
	s14 =	sshrl.u32 s15, $0x3;
	s15 =	simm.s32 $0x2  }
.LBB2_7:
0x10: {  	s21 =	sadd.s32 s20, s13;
	[sflag:s15] =	ssyncadd.s32 $0xFFFFC000  }
0x11: {  	[tilespmem:s4], [sflag:$0x2] =	stream.linear.gather [hbm4b:s21+s4], $0x80, $0x38;
	[tilespmem:$0x18100] =	vst v63  }
0x12: {  	_ =	swait.ge [sflag:s15], $0x80  }
0x13: {  	[sflag:s15] =	ssyncset.done $0x0  }
0x14: {  	s31 =	sadd.s32 s20, s12;
	[sflag:s15] =	ssyncadd.s32 $0xFFFFFF80  }
0x15: {  	[tilespmem:s16], [sflag:$0x2] =	stream.linear.gather [hbm4b:s31+s4], $0x80, $0x38;
	[tilespmem:$0x18100] =	vst v63  }
0x16: {  	_ =	swait.ge [sflag:s15], $0x80  }
0x17: {  	[sflag:s15] =	ssyncset.done $0x0  }
0x18: {  	[sflag:s15] =	ssyncadd.s32 $0xFFFFFF80  }
0x19: {  	[tilespmem:s17], [sflag:$0x1] =	stream.indirect.gather [hbm4b:s5+s16], $0x80, s4, s16, $0xb8;
	[tilespmem:$0x18100] =	vst v63  }
0x1a: {  	_ =	swait.ge [sflag:s18], $0x4000  }
0x1b: {  	[sflag:s18] =	ssyncset.done $0x0  }
0x1c: {  	[sflag:s18] =	ssyncadd.s32 $0xFFFFC000  }
0x1d: {  	[spmem:s3] =	stream.indirect.scatter.add.f32 [tilespmem:s17], [sflag:$0x2], $0x80, s16, s16, $0xb8;
	[tilespmem:$0x18100] =	vst v63  }
0x1e: {  	_ =	swait.ge [sflag:s15], $0x4000  }
0x1f: {  	[sflag:s15] =	ssyncset.done $0x0  }
0x20: {  	s20 =	smov.u32 s8;
	[sflag:s15] =	ssyncadd.s32 $0xFFFFC000  }
.LBB2_8:
0x21: {  	s19 =	sadd.s32 $0x1, s19  }
0x22: {  	p1 =	sne.s32 s19, s11  }
.Ltmp1:
0x23: {  	s20 =	sadd.s32 s20, s6;
	[bflag:$0x0] =	sbarrier.arrive $0xFFFF;
	(pc) =	sbr.rel @!p1 .LBB2_9-.Ltmp1, $4  }
0x24: {  	[hbm:s20], [sflag:s10] =	dma.local [spmem:s14], $0x2800  }
0x25: {  	_ =	swait.ge [sflag:s15], $0x2800  }
0x26: {  	[sflag:s15] =	ssyncset.done $0x0  }
0x27: {  	[sflag:s15] =	ssyncadd.s32 $0xFFFFD800  }
.LBB2_1:
0x28: {  	[spmem:s14], [sflag:s10] =	dma.local [hbm:s9], $0x2800  }
.Ltmp2:
0x29: {  	_ =	swait.ge [sflag:s15], $0x2800;
	(pc) =	sbr.rel @p0 .LBB2_5-.Ltmp2, $4  }
0x2a: {  	[sflag:s15] =	ssyncset.done $0x0  }
0x2b: {  	[sflag:s15] =	ssyncadd.s32 $0xFFFFD800  }
0x2c: {  	[bflag:$0x0] =	sbarrier.arrive $0xFFFF  }
0x2d: {  	s20 =	sadd.s32 $0x0, s13  }
0x2e: {  	[tilespmem:s4], [sflag:$0x2] =	stream.linear.gather [hbm4b:s20+s4], $0x80, $0x38;
	[tilespmem:$0x18100] =	vst v63  }
0x2f: {  	_ =	swait.ge [sflag:s15], $0x80  }
0x30: {  	[sflag:s15] =	ssyncset.done $0x0  }
0x31: {  	s31 =	sadd.s32 $0x0, s12;
	[sflag:s15] =	ssyncadd.s32 $0xFFFFFF80  }
0x32: {  	[tilespmem:s16], [sflag:$0x2] =	stream.linear.gather [hbm4b:s31+s4], $0x80, $0x38;
	[tilespmem:$0x18100] =	vst v63  }
0x33: {  	_ =	swait.ge [sflag:s15], $0x80  }
0x34: {  	[sflag:s15] =	ssyncset.done $0x0  }
0x35: {  	[sflag:s15] =	ssyncadd.s32 $0xFFFFFF80  }
0x36: {  	[tilespmem:s17], [sflag:$0x1] =	stream.indirect.gather [hbm4b:s1+s16], $0x80, s4, s16, $0xb8;
	[tilespmem:$0x18100] =	vst v63  }
0x37: {  	_ =	swait.ge [sflag:s18], $0x4000  }
0x38: {  	[sflag:s18] =	ssyncset.done $0x0  }
0x39: {  	[sflag:s18] =	ssyncadd.s32 $0xFFFFC000  }
0x3a: {  	[spmem:s3] =	stream.indirect.scatter.add.f32 [tilespmem:s17], [sflag:$0x2], $0x80, s16, s16, $0xb8;
	[tilespmem:$0x18100] =	vst v63  }
0x3b: {  	_ =	swait.ge [sflag:s15], $0x4000  }
0x3c: {  	s20 =	simm.s32 $0x10;
	s21 =	simm.s32 $0x20;
	[sflag:s15] =	ssyncset.done $0x0  }
.LBB2_3:
0x3d: {  	s22 =	sadd.s32 s20, s13  }
0x3e: {  	[sflag:s15] =	ssyncadd.s32 $0xFFFFC000;
	s23 =	smov.u32 s21;
	s24 =	sadd.s32 $0x10, s21  }
0x3f: {  	[tilespmem:s4], [sflag:$0x2] =	stream.linear.gather [hbm4b:s22+s4], $0x80, $0x38;
	[tilespmem:$0x18100] =	vst v63  }
0x40: {  	p1 =	seq.s32 s21, $0x4F0;
	_ =	swait.ge [sflag:s15], $0x80  }
0x41: {  	[sflag:s15] =	ssyncset.done $0x0  }
0x42: {  	s21 =	sadd.s32 s20, s12;
	s20 =	smov.u32 s23;
	[sflag:s15] =	ssyncadd.s32 $0xFFFFFF80  }
0x43: {  	[tilespmem:s16], [sflag:$0x2] =	stream.linear.gather [hbm4b:s21+s4], $0x80, $0x38;
	[tilespmem:$0x18100] =	vst v63  }
0x44: {  	_ =	swait.ge [sflag:s15], $0x80  }
0x45: {  	[sflag:s15] =	ssyncset.done $0x0  }
0x46: {  	[sflag:s15] =	ssyncadd.s32 $0xFFFFFF80  }
0x47: {  	[tilespmem:s17], [sflag:$0x1] =	stream.indirect.gather [hbm4b:s1+s16], $0x80, s4, s16, $0xb8;
	[tilespmem:$0x18100] =	vst v63  }
0x48: {  	_ =	swait.ge [sflag:s18], $0x4000  }
.Ltmp3:
0x49: {  	[sflag:s18] =	ssyncset.done $0x0;
	(pc) =	sbr.rel @!p1 .LBB2_3-.Ltmp3, $4  }
0x4a: {  	[sflag:s18] =	ssyncadd.s32 $0xFFFFC000  }
0x4b: {  	[spmem:s3] =	stream.indirect.scatter.add.f32 [tilespmem:s17], [sflag:$0x2], $0x80, s16, s16, $0xb8;
	[tilespmem:$0x18100] =	vst v63  }
0x4c: {  	_ =	swait.ge [sflag:s15], $0x4000  }
0x4d: {  	s21 =	smov.u32 s24;
	[sflag:s15] =	ssyncset.done $0x0  }
0x4e: {  	s21 =	sadd.s32 s20, s13;
	[sflag:s15] =	ssyncadd.s32 $0xFFFFC000  }
0x4f: {  	[tilespmem:s4], [sflag:$0x2] =	stream.linear.gather [hbm4b:s21+s4], $0x80, $0x38;
	[tilespmem:$0x18100] =	vst v63  }
0x50: {  	_ =	swait.ge [sflag:s15], $0x80  }
0x51: {  	[sflag:s15] =	ssyncset.done $0x0  }
0x52: {  	s31 =	sadd.s32 s20, s12;
	[sflag:s15] =	ssyncadd.s32 $0xFFFFFF80  }
0x53: {  	[tilespmem:s16], [sflag:$0x2] =	stream.linear.gather [hbm4b:s31+s4], $0x80, $0x38;
	[tilespmem:$0x18100] =	vst v63  }
0x54: {  	_ =	swait.ge [sflag:s15], $0x80  }
0x55: {  	[sflag:s15] =	ssyncset.done $0x0  }
0x56: {  	[sflag:s15] =	ssyncadd.s32 $0xFFFFFF80  }
0x57: {  	[tilespmem:s17], [sflag:$0x1] =	stream.indirect.gather [hbm4b:s1+s16], $0x80, s4, s16, $0xb8;
	[tilespmem:$0x18100] =	vst v63  }
0x58: {  	_ =	swait.ge [sflag:s18], $0x4000  }
0x59: {  	[sflag:s18] =	ssyncset.done $0x0  }
.Ltmp4:
0x5a: {  	[sflag:s18] =	ssyncadd.s32 $0xFFFFC000;
	(pc) =	sbr.rel .LBB2_8-.Ltmp4, $4  }
0x5b: {  	[spmem:s3] =	stream.indirect.scatter.add.f32 [tilespmem:s17], [sflag:$0x2], $0x80, s16, s16, $0xb8;
	[tilespmem:$0x18100] =	vst v63  }
0x5c: {  	_ =	swait.ge [sflag:s15], $0x4000  }
0x5d: {  	[sflag:s15] =	ssyncset.done $0x0  }
0x5e: {  	s20 =	smov.u32 s7;
	[sflag:s15] =	ssyncadd.s32 $0xFFFFC000  }
.LBB2_5:
0x5f: {  	[tilespmem:s4], [sflag:$0x2] =	stream.linear.gather [hbm4b:s20+s4], $0x80, $0x38;
	[tilespmem:$0x18100] =	vst v63  }
0x60: {  	_ =	swait.ge [sflag:s15], $0x80  }
0x61: {  	[sflag:s15] =	ssyncset.done $0x0  }
0x62: {  	s31 =	sadd.s32 $0x0, s12;
	[sflag:s15] =	ssyncadd.s32 $0xFFFFFF80  }
0x63: {  	[tilespmem:s16], [sflag:$0x2] =	stream.linear.gather [hbm4b:s31+s4], $0x80, $0x38;
	[tilespmem:$0x18100] =	vst v63  }
0x64: {  	_ =	swait.ge [sflag:s15], $0x80  }
0x65: {  	[sflag:s15] =	ssyncset.done $0x0  }
0x66: {  	[sflag:s15] =	ssyncadd.s32 $0xFFFFFF80  }
0x67: {  	[tilespmem:s17], [sflag:$0x1] =	stream.indirect.gather [hbm4b:s5+s16], $0x80, s4, s16, $0xb8;
	[tilespmem:$0x18100] =	vst v63  }
0x68: {  	_ =	swait.ge [sflag:s18], $0x4000  }
0x69: {  	[sflag:s18] =	ssyncset.done $0x0  }
0x6a: {  	[sflag:s18] =	ssyncadd.s32 $0xFFFFC000  }
0x6b: {  	[spmem:s3] =	stream.indirect.scatter.add.f32 [tilespmem:s17], [sflag:$0x2], $0x80, s16, s16, $0xb8;
	[tilespmem:$0x18100] =	vst v63  }
0x6c: {  	_ =	swait.ge [sflag:s15], $0x4000  }
0x6d: {  	s20 =	simm.s32 $0x10;
	s21 =	simm.s32 $0x20;
	[sflag:s15] =	ssyncset.done $0x0  }
.LBB2_6:
0x6e: {  	s22 =	sadd.s32 s20, s13  }
0x6f: {  	[sflag:s15] =	ssyncadd.s32 $0xFFFFC000;
	s23 =	smov.u32 s21;
	s24 =	sadd.s32 $0x10, s21  }
0x70: {  	[tilespmem:s4], [sflag:$0x2] =	stream.linear.gather [hbm4b:s22+s4], $0x80, $0x38;
	[tilespmem:$0x18100] =	vst v63  }
0x71: {  	p1 =	sne.s32 s21, $0x4F0;
	_ =	swait.ge [sflag:s15], $0x80  }
0x72: {  	[sflag:s15] =	ssyncset.done $0x0  }
0x73: {  	s21 =	sadd.s32 s20, s12;
	s20 =	smov.u32 s23;
	[sflag:s15] =	ssyncadd.s32 $0xFFFFFF80  }
0x74: {  	[tilespmem:s16], [sflag:$0x2] =	stream.linear.gather [hbm4b:s21+s4], $0x80, $0x38;
	[tilespmem:$0x18100] =	vst v63  }
0x75: {  	_ =	swait.ge [sflag:s15], $0x80  }
0x76: {  	[sflag:s15] =	ssyncset.done $0x0  }
0x77: {  	[sflag:s15] =	ssyncadd.s32 $0xFFFFFF80  }
0x78: {  	[tilespmem:s17], [sflag:$0x1] =	stream.indirect.gather [hbm4b:s5+s16], $0x80, s4, s16, $0xb8;
	[tilespmem:$0x18100] =	vst v63  }
0x79: {  	_ =	swait.ge [sflag:s18], $0x4000  }
.Ltmp5:
0x7a: {  	[sflag:s18] =	ssyncset.done $0x0;
	(pc) =	sbr.rel @p1 .LBB2_6-.Ltmp5, $4  }
0x7b: {  	[sflag:s18] =	ssyncadd.s32 $0xFFFFC000  }
0x7c: {  	[spmem:s3] =	stream.indirect.scatter.add.f32 [tilespmem:s17], [sflag:$0x2], $0x80, s16, s16, $0xb8;
	[tilespmem:$0x18100] =	vst v63  }
0x7d: {  	_ =	swait.ge [sflag:s15], $0x4000  }
0x7e: {  	s21 =	smov.u32 s24;
	[sflag:s15] =	ssyncset.done $0x0  }
.Ltmp6:
0x7f: {  	_ = 	snop;
	(pc) =	sbr.rel .LBB2_7-.Ltmp6, $1  }
0x80: {  	_ =	sdelay $0x3  }
.LBB2_9:
0x81: {  	_ =	sfence.sel $0x180000  }
0x82: {  	[bflag:$0x0] =	sbarrier.arrive $0xFFFF  }
0x83: {  	p0 =	sne.s32 s2, $0x0;
	_ =	strace $0x9000004A  }
0x84: {  	s0 =	sadd.s32 @!p0 $0x100000, s0;
	[bflag:$0x2] =	sbarrier.arrive $0xFFFF  }
0x85: {  	[sflag:s0] =	ssyncadd.tile.s32 @!p0 $0x1;
	_ =	shalt  }
.Lfunc_end2:
_tile_overlayer_lowered:
.L_overlay_start_2:
0x86: {  	(tag) =	ssettag $0x2  }
0x87: {  	s0 =	rddreg [dreg:$0x0];
	s2 =	stileid.u32  }
0x88: {  	s1 =	rddreg [dreg:$0x1];
	p0 =	sne.s32 s2, $0x0  }
0x89: {  	s3 =	rddreg [dreg:$0x2];
	[bflag:$0x3] =	sbarrier.arrive $0xFFFF;
	s2 =	simm.s32 @!p0 $0x1C02  }
0x8a: {  	[timem:s3], [sflag:s2] =	dma.local @!p0 [hbm:s0], s1  }
0x8b: {  	s0 =	simm.s32 @!p0 $0x2  }
0x8c: {  	_ =	swait.ge @!p0 [sflag:s0], s1  }
0x8d: {  	s1 =	ssub.s32 @!p0 $0x0, s1;
	[sflag:s0] =	ssyncset.done @!p0 $0x0  }
0x8e: {  	[sflag:s0] =	ssyncadd.s32 @!p0 s1  }
0x8f: {  	[bflag:$0x3] =	sbarrier.arrive $0xFFFF  }
0x90: {  	_ =	shalt  }

// kernel: kernel.17.cloned.1.call-start
scs
__scs_entry_jumppad:
0x0: {  	(pc) =	sbr.rel $0x88, $3  }
0x1: {  	(tag) =	ssettag $0x0;
	lr =	simm.s32 $0x1  }
0x2: {  	[smem:$0x3F93] =	sst lr;
	_ =	strace $0xD0000000  }
0x3: {  	_ = 	snop  }
0x4: {  	_ = 	snop  }
0x5: {  	_ = 	snop  }
0x6: {  	_ = 	snop  }
0x7: {  	_ = 	snop  }
__scs_overlays_trampoline_lowered:
0x8: {  	[smem:$0x3FA2] =	sst s0  }
0x9: {  	[smem:$0x3FA3] =	sst s1  }
0xa: {  	[smem:$0x3FA4] =	sst s2  }
0xb: {  	[smem:$0x3FA5] =	sst s3  }
0xc: {  	[smem:$0x3FA6] =	sst s4  }
0xd: {  	[smem:$0x3FA7] =	sst s5  }
0xe: {  	[smem:$0x3FA8] =	sst s6  }
0xf: {  	[smem:$0x3FA9] =	sst s7  }
0x10: {  	[smem:$0x3FAA] =	sst s8  }
0x11: {  	[smem:$0x3FAB] =	sst s9;
	s0 =	simm.s32 @!p0 $0x0  }
0x12: {  	s1 =	sld [smem:$0x3F91];
	s0 =	simm.s32 @p0 $0x1  }
0x13: {  	[smem:$0x3FAC] =	sst s0;
	s0 =	simm.s32 @!p1 $0x0  }
0x14: {  	s2 =	sld [smem:$0x3F90];
	s0 =	simm.s32 @p1 $0x1  }
0x15: {  	[smem:$0x3FAD] =	sst s0;
	s0 =	simm.s32 @!p2 $0x0  }
0x16: {  	s3 =	sld [smem:$0x3FDB];
	s0 =	simm.s32 @p2 $0x1  }
0x17: {  	s4 =	simm.s32 $0x1BF5;
	[smem:$0x3FAF] =	sst s0  }
0x18: {  	s0 =	sld [smem:$0x3F92];
	_ =	swait.ge [sflag:s4], $0x0  }
0x19: {  	s7 =	sld [smem:$0x3F93]  }
0x1a: {  	s8 =	sadd.s32 $0xFFFFE003, lr  }
0x1b: {  	s9 =	sadd.s32 $0xFFFFFEF7, lr;
	s5 =	simm.s32 $0xFFFFFFFF;
	p2 =	slt.u32 s8, $0xFFFFF086  }
0x1c: {  	p1 =	slt.u32 s9, $0xF7A;
	s5 =	simm.s32 @!p2 $0x0  }
0x1d: {  	s5 =	simm.s32 @p1 $0x1;
	p0 =	seq.s32 s7, s2  }
0x1e: {  	s7 =	smul.u32 @!p0 $0xF7A, s2;
	p2 =	seq.s32 @!p0 s5, $0x0  }
0x1f: {  	s9 =	smul.u32 $0xF7A, s1;
	s8 =	simm.s32 @!p0 $0x1BF5;
	p2 =	por !p2, p0  }
0x20: {  	[sflag:s8] =	ssyncset.s32 @!p0 $0xFFFFF086;
	s6 =	sadd.s32 @!p0 s3, s7;
	s7 =	simm.s32 @!p0 $0x108  }
0x21: {  	s3 =	sadd.s32 s3, s9;
	s6 =	sadd.s32 @!p0 $0x88, s6;
	s7 =	simm.s32 @p2 $0x1082  }
0x22: {  	[simem:s7], [sflag:s8] =	dma.local @!p0 [hbm:s6], $0xF7A  }
0x23: {  	s9 =	sor.u32 $0xD0000000, s2;
	s6 =	simm.s32 $0x108;
	_ =	swait.ge @!p0 [sflag:s8], $0x0  }
0x24: {  	s3 =	sadd.s32 $0x88, s3;
	s6 =	simm.s32 @!p1 $0x1082;
	[sflag:s4] =	ssyncset.s32 $0xFFFFF086  }
0x25: {  	[simem:s6], [sflag:s4] =	dma.local [hbm:s3], $0xF7A  }
0x26: {  	[smem:$0x3F93] =	sst s1;
	(tag) =	ssettag s2;
	_ =	strace s9  }
0x27: {  	s1 =	sld [smem:$0x3FA3]  }
0x28: {  	s2 =	sld [smem:$0x3FA4]  }
0x29: {  	s4 =	sld [smem:$0x3FA6]  }
0x2a: {  	p0 =	seq.s32 s5, $0x0;
	s5 =	sld [smem:$0x3FA7]  }
0x2b: {  	s6 =	sld [smem:$0x3FA8]  }
0x2c: {  	s7 =	sld [smem:$0x3FA9]  }
0x2d: {  	s3 =	simm.s32 $0x108;
	s8 =	sld [smem:$0x3FAA]  }
0x2e: {  	s3 =	simm.s32 @!p0 $0x1082;
	s9 =	sld [smem:$0x3FAB]  }
0x2f: {  	lr =	sadd.s32 s0, s3;
	s0 =	sld [smem:$0x3FA2]  }
0x30: {  	s3 =	sld [smem:$0x3FA5]  }
0x31: {  	[smem:$0x3FAE] =	sst s10  }
0x32: {  	s10 =	sld [smem:$0x3FAC];
	_ =	sdelay $0x3  }
0x33: {  	p0 =	seq.s32 s10, $0x1;
	s10 =	sld [smem:$0x3FAE];
	_ =	sdelay $0x3  }
0x34: {  	[smem:$0x3FAE] =	sst s10  }
0x35: {  	s10 =	sld [smem:$0x3FAD];
	_ =	sdelay $0x3  }
0x36: {  	p1 =	seq.s32 s10, $0x1;
	s10 =	sld [smem:$0x3FAE];
	_ =	sdelay $0x3  }
0x37: {  	[smem:$0x3FAE] =	sst s10  }
0x38: {  	s10 =	sld [smem:$0x3FAF]  }
0x39: {  	_ = 	snop;
	(pc) =	sbr.ind lr, $3  }
0x3a: {  	_ = 	snop  }
0x3b: {  	_ = 	snop  }
0x3c: {  	p2 =	seq.s32 s10, $0x1;
	s10 =	sld [smem:$0x3FAE]  }
0x3d: {  	_ =	shalt  }
0x3e: {  	_ =	shalt  }
0x3f: {  	_ =	shalt  }
0x40: {  	_ =	shalt  }
0x41: {  	_ =	shalt  }
0x42: {  	_ =	shalt  }
0x43: {  	_ =	shalt  }
0x44: {  	_ =	shalt  }
0x45: {  	_ =	shalt  }
0x46: {  	_ =	shalt  }
0x47: {  	_ =	shalt  }
0x48: {  	_ =	shalt  }
0x49: {  	_ =	shalt  }
0x4a: {  	_ =	shalt  }
0x4b: {  	_ =	shalt  }
0x4c: {  	_ =	shalt  }
0x4d: {  	_ =	shalt  }
0x4e: {  	_ =	shalt  }
0x4f: {  	_ =	shalt  }
0x50: {  	_ =	shalt  }
0x51: {  	_ =	shalt  }
0x52: {  	_ =	shalt  }
0x53: {  	_ =	shalt  }
0x54: {  	_ =	shalt  }
0x55: {  	_ =	shalt  }
0x56: {  	_ =	shalt  }
0x57: {  	_ =	shalt  }
0x58: {  	_ =	shalt  }
0x59: {  	_ =	shalt  }
0x5a: {  	_ =	shalt  }
0x5b: {  	_ =	shalt  }
0x5c: {  	_ =	shalt  }
0x5d: {  	_ =	shalt  }
0x5e: {  	_ =	shalt  }
0x5f: {  	_ =	shalt  }
0x60: {  	_ =	shalt  }
0x61: {  	_ =	shalt  }
0x62: {  	_ =	shalt  }
0x63: {  	_ =	shalt  }
0x64: {  	_ =	shalt  }
0x65: {  	_ =	shalt  }
0x66: {  	_ =	shalt  }
0x67: {  	_ =	shalt  }
0x68: {  	_ =	shalt  }
0x69: {  	_ =	shalt  }
0x6a: {  	_ =	shalt  }
0x6b: {  	_ =	shalt  }
0x6c: {  	_ =	shalt  }
0x6d: {  	_ =	shalt  }
0x6e: {  	_ =	shalt  }
0x6f: {  	_ =	shalt  }
0x70: {  	_ =	shalt  }
0x71: {  	_ =	shalt  }
0x72: {  	_ =	shalt  }
0x73: {  	_ =	shalt  }
0x74: {  	_ =	shalt  }
0x75: {  	_ =	shalt  }
0x76: {  	_ =	shalt  }
0x77: {  	_ =	shalt  }
0x78: {  	_ =	shalt  }
0x79: {  	_ =	shalt  }
0x7a: {  	_ =	shalt  }
0x7b: {  	_ =	shalt  }
0x7c: {  	_ =	shalt  }
0x7d: {  	_ =	shalt  }
0x7e: {  	_ =	shalt  }
0x7f: {  	_ =	shalt  }
0x80: {  	_ =	shalt  }
0x81: {  	_ =	shalt  }
0x82: {  	_ =	shalt  }
0x83: {  	_ =	shalt  }
0x84: {  	_ =	shalt  }
0x85: {  	_ =	shalt  }
0x86: {  	_ =	shalt  }
0x87: {  	_ =	shalt  }
.Lfunc_end0:
.L_simem_size_0:
called_computation.2_lowered:
.L_overlay_start_0:
0x88: {  	s2 =	sld [smem:$0x3FD9]  }
0x89: {  	s3 =	sld [smem:$0x3FFE];
	_ =	sdelay $0x1  }
0x8a: {  	s1 =	srdreg.scid  }
0x8b: {  	s0 =	sand.u32 $0x1, s1  }
0x8c: {  	s14 =	sshll.u32 s0, $0xA;
	s2 =	sadd.s32 s3, s2  }
0x8d: {  	s2 =	sadd.s32 s2, s14  }
0x8e: {  	[smem:$0x3FBA] =	sst s2  }
0x8f: {  	_ = 	snop  }
0x90: {  	s2 =	sld [smem:$0x3FD0];
	_ =	sdelay $0x2  }
0x91: {  	s15 =	simm.s32 $0xB;
	s4 =	simm.s32 $0x10  }
0x92: {  	[smem:s4], [sflag:s15] =	dma.local [hbm:s2], $0x1  }
0x93: {  	_ =	swait.eq [sflag:s15], $0x1  }
0x94: {  	[sflag:s15] =	ssyncset.done $0x0  }
0x95: {  	[sflag:s15] =	ssyncadd.s32 $0xFFFFFFFF  }
0x96: {  	s16 =	sld [smem:$0x10];
	(tm) =	ssettm $0x1  }
0x97: {  	s17 =	sld [smem:$0x3FFB];
	_ =	sdelay $0x3  }
0x98: {  	_ =	strace s17  }
0x99: {  	s3 =	sld [smem:$0x3FFC];
	_ =	sdelay $0x3  }
0x9a: {  	_ =	strace s3  }
0x9b: {  	s3 =	sld [smem:$0x3FFD];
	_ =	sdelay $0x3  }
0x9c: {  	_ =	strace s3  }
0x9d: {  	_ =	strace $0x8FFFFFFF  }
0x9e: {  	s18 =	sld [smem:$0x3FDB];
	_ =	sdelay $0x1  }
0x9f: {  	s19 =	simm.s32 $_scs_section_size  }
0xa0: {  	s5 =	simm.s32 $_size__tile_overlayer_lowered;
	s6 =	simm.s32 $_tile_overlayer_lowered  }
0xa1: {  	s22 =	simm.s32 $0x1BFF;
	s21 =	sshll.u32 s6, $0x1;
	s3 =	sadd.s32 s19, s18  }
0xa2: {  	s7 =	simm.s32 $0x0;
	s20 =	sshll.u32 s5, $0x1;
	s5 =	sadd.s32 s21, s3  }
0xa3: {  	[timem:s7], [sflag:s22] =	dma.local [hbm:s5], s20  }
0xa4: {  	_ =	swait.ge [sflag:s22], s20  }
0xa5: {  	s4 =	ssub.s32 $0x0, s20;
	[sflag:s22] =	ssyncset.done $0x0  }
0xa6: {  	[sflag:s22] =	ssyncadd.s32 s4;
	_ =	sdelay $0x1  }
0xa7: {  	s23 =	simm.s32 $0x1B8B  }
0xa8: {  	_ =	swait.ge [sflag:s23], $0x1  }
0xa9: {  	[sflag:s23] =	ssyncset.done $0x0  }
0xaa: {  	s25 =	simm.s32 $0x1B8E;
	s24 =	sld [smem:$0x3FFE];
	[sflag:s23] =	ssyncadd.s32 $0xFFFFFFFF  }
0xab: {  	s26 =	simm.s32 $execute0_lowered;
	[smem:$0x3FD2] =	sst s25  }
0xac: {  	s5 =	sshll.u32 s26, $0x1;
	_ =	strace $0x8000004C;
	[dreg:$0x1] =	wrdreg $0xFFFFFFFF  }
0xad: {  	s28 =	simm.s32 $_size_execute0_lowered;
	s3 =	sadd.s32 s3, s5;
	[dreg:$0x0] =	wrdreg $0x0  }
0xae: {  	s5 =	sshll.u32 s28, $0x1;
	[dreg:$0x2] =	wrdreg s3  }
0xaf: {  	[dreg:$0x3] =	wrdreg s5  }
0xb0: {  	[dreg:$0x4] =	wrdreg $0xC0  }
0xb1: {  	_ =	task [dreg:s7], $0x5FFFF  }
0xb2: {  	[dreg:$0x1] =	wrdreg $0xFFFFFFFF  }
0xb3: {  	[dreg:$0x0] =	wrdreg $0x60  }
0xb4: {  	[dreg:$0x2] =	wrdreg s16  }
0xb5: {  	[dreg:$0x3] =	wrdreg s24  }
0xb6: {  	[dreg:$0x4] =	wrdreg $0x41000  }
0xb7: {  	[dreg:$0x5] =	wrdreg $0x9  }
0xb8: {  	_ =	task.clear_ibuf [dreg:s7], $0x6FFFF;
	_ =	strace $0x9000004C  }
0xb9: {  	s29 =	simm.s32 $0x9;
	_ =	strace $0x8000004E  }
0xba: {  	_ =	swait.ge [sflag:s29], $0x1  }
0xbb: {  	[sflag:s29] =	ssyncadd.s32 $0xFFFFFFFF  }
0xbc: {  	_ =	strace $0x9000004E  }
0xbd: {  	_ =	sfence  }
0xbe: {  	s30 =	sld [smem:$0x0];
	_ =	sdelay $0x2  }
0xbf: {  	s31 =	sshll.u32 s1, $0xD;
	s1 =	sshrl.u32 s1, $0x2  }
0xc0: {  	s3 =	sand.u32 $0x4000, s31;
	s1 =	sadd.s32 s1, s30  }
0xc1: {  	s0 =	sor.u32 s3, s0;
	s1 =	sshll.u32 s1, $0x11  }
0xc2: {  	s0 =	sor.u32 s1, s0  }
0xc3: {  	s0 =	sadd.s32 $0x8F2B, s0  }
0xc4: {  	[sflag:s0] =	ssyncadd.remote.s32 $0x1  }
0xc5: {  	_ =	sfence.sel $0xFFFF  }
0xc6: {  	[dreg:$0x0] =	wrdreg $0xFFFFFFFF;
	(pc) =	sbr.abs _section_cstart, $3  }
0xc7: {  	[dreg:$0x1] =	wrdreg $0xFFFFFFFF  }
0xc8: {  	_ =	task.clear_ibuf [dreg:s7], $0x2FFFF;
	_ =	strace $0x9FFFFFFF  }
0xc9: {  	(tm) =	ssettm $0x7FFFFFFF  }
tec
execute0_lowered:
.L_overlay_start_1:
0x0: {  	(tag) =	ssettag $0x1  }
0x1: {  	s1 =	rddreg [dreg:$0x0]  }
0x2: {  	s8 =	rddreg [dreg:$0x1]  }
0x3: {  	s3 =	rddreg [dreg:$0x2]  }
0x4: {  	s0 =	rddreg [dreg:$0x3]  }
0x5: {  	s4 =	simm.s32 $0x0;
	s2 =	stileid.u32;
	s9 =	srdreg.scid  }
0x6: {  	s16 =	simm.s32 $0x80;
	s17 =	simm.s32 $0x100;
	s18 =	simm.s32 $0x1  }
0x7: {  	s19 =	simm.s32 $0x0;
	[smem:$0x7FF] =	sst s4;
	s7 =	smul.u32 $0x500, s2  }
0x8: {  	s5 =	sadd.s32 $0x33000, s8;
	s6 =	smul.u32 $0x2800, s2;
	s14 =	sand.u32 $0x1, s9  }
0x9: {  	s30 =	smul.u32 $0x50000, s2;
	s31 =	sshll.u32 s2, $0x6;
	_ =	strace $0x8000004D  }
0xa: {  	s11 =	ssub.s32 $0x2, s14;
	p0 =	sne.s32 s14, $0x0;
	s13 =	sadd.s32 s7, s8  }
.Ltmp0:
0xb: {  	s10 =	sadd.s32 s6, s8;
	s7 =	sadd.s32 $0x5B000, s8;
	(pc) =	sbr.rel .LBB2_1-.Ltmp0, $4  }
0xc: {  	s8 =	sadd.s32 $0x88000, s8;
	s12 =	sshrl.u32 s11, $0x1;
	s9 =	sshrl.u32 s30, $0x2  }
0xd: {  	s11 =	ssub.s32 s11, s12;
	s15 =	sadd.s32 s9, s3;
	s9 =	sadd.s32 $0xB000, s10  }
0xe: {  	s10 =	sor.u32 $0x1C02, s31;
	s12 =	sadd.s32 $0x6000, s13;
	s13 =	sadd.s32 $0x83000, s13  }
0xf: {  	s11 =	smax.u32 s11, $0x1;
	s14 =	sshrl.u32 s15, $0x3;
	s15 =	simm.s32 $0x2  }
.LBB2_7:
0x10: {  	s21 =	sadd.s32 s20, s13;
	[sflag:s15] =	ssyncadd.s32 $0xFFFFC000  }
0x11: {  	[tilespmem:s4], [sflag:$0x2] =	stream.linear.gather [hbm4b:s21+s4], $0x80, $0x38;
	[tilespmem:$0x18100] =	vst v63  }
0x12: {  	_ =	swait.ge [sflag:s15], $0x80  }
0x13: {  	[sflag:s15] =	ssyncset.done $0x0  }
0x14: {  	s31 =	sadd.s32 s20, s12;
	[sflag:s15] =	ssyncadd.s32 $0xFFFFFF80  }
0x15: {  	[tilespmem:s16], [sflag:$0x2] =	stream.linear.gather [hbm4b:s31+s4], $0x80, $0x38;
	[tilespmem:$0x18100] =	vst v63  }
0x16: {  	_ =	swait.ge [sflag:s15], $0x80  }
0x17: {  	[sflag:s15] =	ssyncset.done $0x0  }
0x18: {  	[sflag:s15] =	ssyncadd.s32 $0xFFFFFF80  }
0x19: {  	[tilespmem:s17], [sflag:$0x1] =	stream.indirect.gather [hbm4b:s5+s16], $0x80, s4, s16, $0xb8;
	[tilespmem:$0x18100] =	vst v63  }
0x1a: {  	_ =	swait.ge [sflag:s18], $0x4000  }
0x1b: {  	[sflag:s18] =	ssyncset.done $0x0  }
0x1c: {  	[sflag:s18] =	ssyncadd.s32 $0xFFFFC000  }
0x1d: {  	[spmem:s3] =	stream.indirect.scatter.add.f32 [tilespmem:s17], [sflag:$0x2], $0x80, s16, s16, $0xb8;
	[tilespmem:$0x18100] =	vst v63  }
0x1e: {  	_ =	swait.ge [sflag:s15], $0x4000  }
0x1f: {  	[sflag:s15] =	ssyncset.done $0x0  }
0x20: {  	s20 =	smov.u32 s8;
	[sflag:s15] =	ssyncadd.s32 $0xFFFFC000  }
.LBB2_8:
0x21: {  	s19 =	sadd.s32 $0x1, s19  }
0x22: {  	p1 =	sne.s32 s19, s11  }
.Ltmp1:
0x23: {  	s20 =	sadd.s32 s20, s6;
	[bflag:$0x0] =	sbarrier.arrive $0xFFFF;
	(pc) =	sbr.rel @!p1 .LBB2_9-.Ltmp1, $4  }
0x24: {  	[hbm:s20], [sflag:s10] =	dma.local [spmem:s14], $0x2800  }
0x25: {  	_ =	swait.ge [sflag:s15], $0x2800  }
0x26: {  	[sflag:s15] =	ssyncset.done $0x0  }
0x27: {  	[sflag:s15] =	ssyncadd.s32 $0xFFFFD800  }
.LBB2_1:
0x28: {  	[spmem:s14], [sflag:s10] =	dma.local [hbm:s9], $0x2800  }
.Ltmp2:
0x29: {  	_ =	swait.ge [sflag:s15], $0x2800;
	(pc) =	sbr.rel @p0 .LBB2_5-.Ltmp2, $4  }
0x2a: {  	[sflag:s15] =	ssyncset.done $0x0  }
0x2b: {  	[sflag:s15] =	ssyncadd.s32 $0xFFFFD800  }
0x2c: {  	[bflag:$0x0] =	sbarrier.arrive $0xFFFF  }
0x2d: {  	s20 =	sadd.s32 $0x0, s13  }
0x2e: {  	[tilespmem:s4], [sflag:$0x2] =	stream.linear.gather [hbm4b:s20+s4], $0x80, $0x38;
	[tilespmem:$0x18100] =	vst v63  }
0x2f: {  	_ =	swait.ge [sflag:s15], $0x80  }
0x30: {  	[sflag:s15] =	ssyncset.done $0x0  }
0x31: {  	s31 =	sadd.s32 $0x0, s12;
	[sflag:s15] =	ssyncadd.s32 $0xFFFFFF80  }
0x32: {  	[tilespmem:s16], [sflag:$0x2] =	stream.linear.gather [hbm4b:s31+s4], $0x80, $0x38;
	[tilespmem:$0x18100] =	vst v63  }
0x33: {  	_ =	swait.ge [sflag:s15], $0x80  }
0x34: {  	[sflag:s15] =	ssyncset.done $0x0  }
0x35: {  	[sflag:s15] =	ssyncadd.s32 $0xFFFFFF80  }
0x36: {  	[tilespmem:s17], [sflag:$0x1] =	stream.indirect.gather [hbm4b:s1+s16], $0x80, s4, s16, $0xb8;
	[tilespmem:$0x18100] =	vst v63  }
0x37: {  	_ =	swait.ge [sflag:s18], $0x4000  }
0x38: {  	[sflag:s18] =	ssyncset.done $0x0  }
0x39: {  	[sflag:s18] =	ssyncadd.s32 $0xFFFFC000  }
0x3a: {  	[spmem:s3] =	stream.indirect.scatter.add.f32 [tilespmem:s17], [sflag:$0x2], $0x80, s16, s16, $0xb8;
	[tilespmem:$0x18100] =	vst v63  }
0x3b: {  	_ =	swait.ge [sflag:s15], $0x4000  }
0x3c: {  	s20 =	simm.s32 $0x10;
	s21 =	simm.s32 $0x20;
	[sflag:s15] =	ssyncset.done $0x0  }
.LBB2_3:
0x3d: {  	s22 =	sadd.s32 s20, s13  }
0x3e: {  	[sflag:s15] =	ssyncadd.s32 $0xFFFFC000;
	s23 =	smov.u32 s21;
	s24 =	sadd.s32 $0x10, s21  }
0x3f: {  	[tilespmem:s4], [sflag:$0x2] =	stream.linear.gather [hbm4b:s22+s4], $0x80, $0x38;
	[tilespmem:$0x18100] =	vst v63  }
0x40: {  	p1 =	seq.s32 s21, $0x4F0;
	_ =	swait.ge [sflag:s15], $0x80  }
0x41: {  	[sflag:s15] =	ssyncset.done $0x0  }
0x42: {  	s21 =	sadd.s32 s20, s12;
	s20 =	smov.u32 s23;
	[sflag:s15] =	ssyncadd.s32 $0xFFFFFF80  }
0x43: {  	[tilespmem:s16], [sflag:$0x2] =	stream.linear.gather [hbm4b:s21+s4], $0x80, $0x38;
	[tilespmem:$0x18100] =	vst v63  }
0x44: {  	_ =	swait.ge [sflag:s15], $0x80  }
0x45: {  	[sflag:s15] =	ssyncset.done $0x0  }
0x46: {  	[sflag:s15] =	ssyncadd.s32 $0xFFFFFF80  }
0x47: {  	[tilespmem:s17], [sflag:$0x1] =	stream.indirect.gather [hbm4b:s1+s16], $0x80, s4, s16, $0xb8;
	[tilespmem:$0x18100] =	vst v63  }
0x48: {  	_ =	swait.ge [sflag:s18], $0x4000  }
.Ltmp3:
0x49: {  	[sflag:s18] =	ssyncset.done $0x0;
	(pc) =	sbr.rel @!p1 .LBB2_3-.Ltmp3, $4  }
0x4a: {  	[sflag:s18] =	ssyncadd.s32 $0xFFFFC000  }
0x4b: {  	[spmem:s3] =	stream.indirect.scatter.add.f32 [tilespmem:s17], [sflag:$0x2], $0x80, s16, s16, $0xb8;
	[tilespmem:$0x18100] =	vst v63  }
0x4c: {  	_ =	swait.ge [sflag:s15], $0x4000  }
0x4d: {  	s21 =	smov.u32 s24;
	[sflag:s15] =	ssyncset.done $0x0  }
0x4e: {  	s21 =	sadd.s32 s20, s13;
	[sflag:s15] =	ssyncadd.s32 $0xFFFFC000  }
0x4f: {  	[tilespmem:s4], [sflag:$0x2] =	stream.linear.gather [hbm4b:s21+s4], $0x80, $0x38;
	[tilespmem:$0x18100] =	vst v63  }
0x50: {  	_ =	swait.ge [sflag:s15], $0x80  }
0x51: {  	[sflag:s15] =	ssyncset.done $0x0  }
0x52: {  	s31 =	sadd.s32 s20, s12;
	[sflag:s15] =	ssyncadd.s32 $0xFFFFFF80  }
0x53: {  	[tilespmem:s16], [sflag:$0x2] =	stream.linear.gather [hbm4b:s31+s4], $0x80, $0x38;
	[tilespmem:$0x18100] =	vst v63  }
0x54: {  	_ =	swait.ge [sflag:s15], $0x80  }
0x55: {  	[sflag:s15] =	ssyncset.done $0x0  }
0x56: {  	[sflag:s15] =	ssyncadd.s32 $0xFFFFFF80  }
0x57: {  	[tilespmem:s17], [sflag:$0x1] =	stream.indirect.gather [hbm4b:s1+s16], $0x80, s4, s16, $0xb8;
	[tilespmem:$0x18100] =	vst v63  }
0x58: {  	_ =	swait.ge [sflag:s18], $0x4000  }
0x59: {  	[sflag:s18] =	ssyncset.done $0x0  }
.Ltmp4:
0x5a: {  	[sflag:s18] =	ssyncadd.s32 $0xFFFFC000;
	(pc) =	sbr.rel .LBB2_8-.Ltmp4, $4  }
0x5b: {  	[spmem:s3] =	stream.indirect.scatter.add.f32 [tilespmem:s17], [sflag:$0x2], $0x80, s16, s16, $0xb8;
	[tilespmem:$0x18100] =	vst v63  }
0x5c: {  	_ =	swait.ge [sflag:s15], $0x4000  }
0x5d: {  	[sflag:s15] =	ssyncset.done $0x0  }
0x5e: {  	s20 =	smov.u32 s7;
	[sflag:s15] =	ssyncadd.s32 $0xFFFFC000  }
.LBB2_5:
0x5f: {  	[tilespmem:s4], [sflag:$0x2] =	stream.linear.gather [hbm4b:s20+s4], $0x80, $0x38;
	[tilespmem:$0x18100] =	vst v63  }
0x60: {  	_ =	swait.ge [sflag:s15], $0x80  }
0x61: {  	[sflag:s15] =	ssyncset.done $0x0  }
0x62: {  	s31 =	sadd.s32 $0x0, s12;
	[sflag:s15] =	ssyncadd.s32 $0xFFFFFF80  }
0x63: {  	[tilespmem:s16], [sflag:$0x2] =	stream.linear.gather [hbm4b:s31+s4], $0x80, $0x38;
	[tilespmem:$0x18100] =	vst v63  }
0x64: {  	_ =	swait.ge [sflag:s15], $0x80  }
0x65: {  	[sflag:s15] =	ssyncset.done $0x0  }
0x66: {  	[sflag:s15] =	ssyncadd.s32 $0xFFFFFF80  }
0x67: {  	[tilespmem:s17], [sflag:$0x1] =	stream.indirect.gather [hbm4b:s5+s16], $0x80, s4, s16, $0xb8;
	[tilespmem:$0x18100] =	vst v63  }
0x68: {  	_ =	swait.ge [sflag:s18], $0x4000  }
0x69: {  	[sflag:s18] =	ssyncset.done $0x0  }
0x6a: {  	[sflag:s18] =	ssyncadd.s32 $0xFFFFC000  }
0x6b: {  	[spmem:s3] =	stream.indirect.scatter.add.f32 [tilespmem:s17], [sflag:$0x2], $0x80, s16, s16, $0xb8;
	[tilespmem:$0x18100] =	vst v63  }
0x6c: {  	_ =	swait.ge [sflag:s15], $0x4000  }
0x6d: {  	s20 =	simm.s32 $0x10;
	s21 =	simm.s32 $0x20;
	[sflag:s15] =	ssyncset.done $0x0  }
.LBB2_6:
0x6e: {  	s22 =	sadd.s32 s20, s13  }
0x6f: {  	[sflag:s15] =	ssyncadd.s32 $0xFFFFC000;
	s23 =	smov.u32 s21;
	s24 =	sadd.s32 $0x10, s21  }
0x70: {  	[tilespmem:s4], [sflag:$0x2] =	stream.linear.gather [hbm4b:s22+s4], $0x80, $0x38;
	[tilespmem:$0x18100] =	vst v63  }
0x71: {  	p1 =	sne.s32 s21, $0x4F0;
	_ =	swait.ge [sflag:s15], $0x80  }
0x72: {  	[sflag:s15] =	ssyncset.done $0x0  }
0x73: {  	s21 =	sadd.s32 s20, s12;
	s20 =	smov.u32 s23;
	[sflag:s15] =	ssyncadd.s32 $0xFFFFFF80  }
0x74: {  	[tilespmem:s16], [sflag:$0x2] =	stream.linear.gather [hbm4b:s21+s4], $0x80, $0x38;
	[tilespmem:$0x18100] =	vst v63  }
0x75: {  	_ =	swait.ge [sflag:s15], $0x80  }
0x76: {  	[sflag:s15] =	ssyncset.done $0x0  }
0x77: {  	[sflag:s15] =	ssyncadd.s32 $0xFFFFFF80  }
0x78: {  	[tilespmem:s17], [sflag:$0x1] =	stream.indirect.gather [hbm4b:s5+s16], $0x80, s4, s16, $0xb8;
	[tilespmem:$0x18100] =	vst v63  }
0x79: {  	_ =	swait.ge [sflag:s18], $0x4000  }
.Ltmp5:
0x7a: {  	[sflag:s18] =	ssyncset.done $0x0;
	(pc) =	sbr.rel @p1 .LBB2_6-.Ltmp5, $4  }
0x7b: {  	[sflag:s18] =	ssyncadd.s32 $0xFFFFC000  }
0x7c: {  	[spmem:s3] =	stream.indirect.scatter.add.f32 [tilespmem:s17], [sflag:$0x2], $0x80, s16, s16, $0xb8;
	[tilespmem:$0x18100] =	vst v63  }
0x7d: {  	_ =	swait.ge [sflag:s15], $0x4000  }
0x7e: {  	s21 =	smov.u32 s24;
	[sflag:s15] =	ssyncset.done $0x0  }
.Ltmp6:
0x7f: {  	_ = 	snop;
	(pc) =	sbr.rel .LBB2_7-.Ltmp6, $1  }
0x80: {  	_ =	sdelay $0x3  }
.LBB2_9:
0x81: {  	_ =	sfence.sel $0x180000  }
0x82: {  	[bflag:$0x0] =	sbarrier.arrive $0xFFFF  }
0x83: {  	p0 =	sne.s32 s2, $0x0;
	_ =	strace $0x9000004D  }
0x84: {  	s0 =	sadd.s32 @!p0 $0x100000, s0;
	[bflag:$0x2] =	sbarrier.arrive $0xFFFF  }
0x85: {  	[sflag:s0] =	ssyncadd.tile.s32 @!p0 $0x1;
	_ =	shalt  }
.Lfunc_end2:
_tile_overlayer_lowered:
.L_overlay_start_2:
0x86: {  	(tag) =	ssettag $0x2  }
0x87: {  	s0 =	rddreg [dreg:$0x0];
	s2 =	stileid.u32  }
0x88: {  	s1 =	rddreg [dreg:$0x1];
	p0 =	sne.s32 s2, $0x0  }
0x89: {  	s3 =	rddreg [dreg:$0x2];
	[bflag:$0x3] =	sbarrier.arrive $0xFFFF;
	s2 =	simm.s32 @!p0 $0x1C02  }
0x8a: {  	[timem:s3], [sflag:s2] =	dma.local @!p0 [hbm:s0], s1  }
0x8b: {  	s0 =	simm.s32 @!p0 $0x2  }
0x8c: {  	_ =	swait.ge @!p0 [sflag:s0], s1  }
0x8d: {  	s1 =	ssub.s32 @!p0 $0x0, s1;
	[sflag:s0] =	ssyncset.done @!p0 $0x0  }
0x8e: {  	[sflag:s0] =	ssyncadd.s32 @!p0 s1  }
0x8f: {  	[bflag:$0x3] =	sbarrier.arrive $0xFFFF  }
0x90: {  	_ =	shalt  }

// kernel: kernel.20.cloned.1.call-start
scs
__scs_entry_jumppad:
0x0: {  	(pc) =	sbr.rel $0x88, $3  }
0x1: {  	(tag) =	ssettag $0x0;
	lr =	simm.s32 $0x1  }
0x2: {  	[smem:$0x3F93] =	sst lr;
	_ =	strace $0xD0000000  }
0x3: {  	_ = 	snop  }
0x4: {  	_ = 	snop  }
0x5: {  	_ = 	snop  }
0x6: {  	_ = 	snop  }
0x7: {  	_ = 	snop  }
__scs_overlays_trampoline_lowered:
0x8: {  	[smem:$0x3FA2] =	sst s0  }
0x9: {  	[smem:$0x3FA3] =	sst s1  }
0xa: {  	[smem:$0x3FA4] =	sst s2  }
0xb: {  	[smem:$0x3FA5] =	sst s3  }
0xc: {  	[smem:$0x3FA6] =	sst s4  }
0xd: {  	[smem:$0x3FA7] =	sst s5  }
0xe: {  	[smem:$0x3FA8] =	sst s6  }
0xf: {  	[smem:$0x3FA9] =	sst s7  }
0x10: {  	[smem:$0x3FAA] =	sst s8  }
0x11: {  	[smem:$0x3FAB] =	sst s9;
	s0 =	simm.s32 @!p0 $0x0  }
0x12: {  	s1 =	sld [smem:$0x3F91];
	s0 =	simm.s32 @p0 $0x1  }
0x13: {  	[smem:$0x3FAC] =	sst s0;
	s0 =	simm.s32 @!p1 $0x0  }
0x14: {  	s2 =	sld [smem:$0x3F90];
	s0 =	simm.s32 @p1 $0x1  }
0x15: {  	[smem:$0x3FAD] =	sst s0;
	s0 =	simm.s32 @!p2 $0x0  }
0x16: {  	s3 =	sld [smem:$0x3FDB];
	s0 =	simm.s32 @p2 $0x1  }
0x17: {  	s4 =	simm.s32 $0x1BF5;
	[smem:$0x3FAF] =	sst s0  }
0x18: {  	s0 =	sld [smem:$0x3F92];
	_ =	swait.ge [sflag:s4], $0x0  }
0x19: {  	s7 =	sld [smem:$0x3F93]  }
0x1a: {  	s8 =	sadd.s32 $0xFFFFE003, lr  }
0x1b: {  	s9 =	sadd.s32 $0xFFFFFEF7, lr;
	s5 =	simm.s32 $0xFFFFFFFF;
	p2 =	slt.u32 s8, $0xFFFFF086  }
0x1c: {  	p1 =	slt.u32 s9, $0xF7A;
	s5 =	simm.s32 @!p2 $0x0  }
0x1d: {  	s5 =	simm.s32 @p1 $0x1;
	p0 =	seq.s32 s7, s2  }
0x1e: {  	s7 =	smul.u32 @!p0 $0xF7A, s2;
	p2 =	seq.s32 @!p0 s5, $0x0  }
0x1f: {  	s9 =	smul.u32 $0xF7A, s1;
	s8 =	simm.s32 @!p0 $0x1BF5;
	p2 =	por !p2, p0  }
0x20: {  	[sflag:s8] =	ssyncset.s32 @!p0 $0xFFFFF086;
	s6 =	sadd.s32 @!p0 s3, s7;
	s7 =	simm.s32 @!p0 $0x108  }
0x21: {  	s3 =	sadd.s32 s3, s9;
	s6 =	sadd.s32 @!p0 $0x88, s6;
	s7 =	simm.s32 @p2 $0x1082  }
0x22: {  	[simem:s7], [sflag:s8] =	dma.local @!p0 [hbm:s6], $0xF7A  }
0x23: {  	s9 =	sor.u32 $0xD0000000, s2;
	s6 =	simm.s32 $0x108;
	_ =	swait.ge @!p0 [sflag:s8], $0x0  }
0x24: {  	s3 =	sadd.s32 $0x88, s3;
	s6 =	simm.s32 @!p1 $0x1082;
	[sflag:s4] =	ssyncset.s32 $0xFFFFF086  }
0x25: {  	[simem:s6], [sflag:s4] =	dma.local [hbm:s3], $0xF7A  }
0x26: {  	[smem:$0x3F93] =	sst s1;
	(tag) =	ssettag s2;
	_ =	strace s9  }
0x27: {  	s1 =	sld [smem:$0x3FA3]  }
0x28: {  	s2 =	sld [smem:$0x3FA4]  }
0x29: {  	s4 =	sld [smem:$0x3FA6]  }
0x2a: {  	p0 =	seq.s32 s5, $0x0;
	s5 =	sld [smem:$0x3FA7]  }
0x2b: {  	s6 =	sld [smem:$0x3FA8]  }
0x2c: {  	s7 =	sld [smem:$0x3FA9]  }
0x2d: {  	s3 =	simm.s32 $0x108;
	s8 =	sld [smem:$0x3FAA]  }
0x2e: {  	s3 =	simm.s32 @!p0 $0x1082;
	s9 =	sld [smem:$0x3FAB]  }
0x2f: {  	lr =	sadd.s32 s0, s3;
	s0 =	sld [smem:$0x3FA2]  }
0x30: {  	s3 =	sld [smem:$0x3FA5]  }
0x31: {  	[smem:$0x3FAE] =	sst s10  }
0x32: {  	s10 =	sld [smem:$0x3FAC];
	_ =	sdelay $0x3  }
0x33: {  	p0 =	seq.s32 s10, $0x1;
	s10 =	sld [smem:$0x3FAE];
	_ =	sdelay $0x3  }
0x34: {  	[smem:$0x3FAE] =	sst s10  }
0x35: {  	s10 =	sld [smem:$0x3FAD];
	_ =	sdelay $0x3  }
0x36: {  	p1 =	seq.s32 s10, $0x1;
	s10 =	sld [smem:$0x3FAE];
	_ =	sdelay $0x3  }
0x37: {  	[smem:$0x3FAE] =	sst s10  }
0x38: {  	s10 =	sld [smem:$0x3FAF]  }
0x39: {  	_ = 	snop;
	(pc) =	sbr.ind lr, $3  }
0x3a: {  	_ = 	snop  }
0x3b: {  	_ = 	snop  }
0x3c: {  	p2 =	seq.s32 s10, $0x1;
	s10 =	sld [smem:$0x3FAE]  }
0x3d: {  	_ =	shalt  }
0x3e: {  	_ =	shalt  }
0x3f: {  	_ =	shalt  }
0x40: {  	_ =	shalt  }
0x41: {  	_ =	shalt  }
0x42: {  	_ =	shalt  }
0x43: {  	_ =	shalt  }
0x44: {  	_ =	shalt  }
0x45: {  	_ =	shalt  }
0x46: {  	_ =	shalt  }
0x47: {  	_ =	shalt  }
0x48: {  	_ =	shalt  }
0x49: {  	_ =	shalt  }
0x4a: {  	_ =	shalt  }
0x4b: {  	_ =	shalt  }
0x4c: {  	_ =	shalt  }
0x4d: {  	_ =	shalt  }
0x4e: {  	_ =	shalt  }
0x4f: {  	_ =	shalt  }
0x50: {  	_ =	shalt  }
0x51: {  	_ =	shalt  }
0x52: {  	_ =	shalt  }
0x53: {  	_ =	shalt  }
0x54: {  	_ =	shalt  }
0x55: {  	_ =	shalt  }
0x56: {  	_ =	shalt  }
0x57: {  	_ =	shalt  }
0x58: {  	_ =	shalt  }
0x59: {  	_ =	shalt  }
0x5a: {  	_ =	shalt  }
0x5b: {  	_ =	shalt  }
0x5c: {  	_ =	shalt  }
0x5d: {  	_ =	shalt  }
0x5e: {  	_ =	shalt  }
0x5f: {  	_ =	shalt  }
0x60: {  	_ =	shalt  }
0x61: {  	_ =	shalt  }
0x62: {  	_ =	shalt  }
0x63: {  	_ =	shalt  }
0x64: {  	_ =	shalt  }
0x65: {  	_ =	shalt  }
0x66: {  	_ =	shalt  }
0x67: {  	_ =	shalt  }
0x68: {  	_ =	shalt  }
0x69: {  	_ =	shalt  }
0x6a: {  	_ =	shalt  }
0x6b: {  	_ =	shalt  }
0x6c: {  	_ =	shalt  }
0x6d: {  	_ =	shalt  }
0x6e: {  	_ =	shalt  }
0x6f: {  	_ =	shalt  }
0x70: {  	_ =	shalt  }
0x71: {  	_ =	shalt  }
0x72: {  	_ =	shalt  }
0x73: {  	_ =	shalt  }
0x74: {  	_ =	shalt  }
0x75: {  	_ =	shalt  }
0x76: {  	_ =	shalt  }
0x77: {  	_ =	shalt  }
0x78: {  	_ =	shalt  }
0x79: {  	_ =	shalt  }
0x7a: {  	_ =	shalt  }
0x7b: {  	_ =	shalt  }
0x7c: {  	_ =	shalt  }
0x7d: {  	_ =	shalt  }
0x7e: {  	_ =	shalt  }
0x7f: {  	_ =	shalt  }
0x80: {  	_ =	shalt  }
0x81: {  	_ =	shalt  }
0x82: {  	_ =	shalt  }
0x83: {  	_ =	shalt  }
0x84: {  	_ =	shalt  }
0x85: {  	_ =	shalt  }
0x86: {  	_ =	shalt  }
0x87: {  	_ =	shalt  }
.Lfunc_end0:
.L_simem_size_0:
called_computation.3_lowered:
.L_overlay_start_0:
0x88: {  	s2 =	sld [smem:$0x3FD9]  }
0x89: {  	s3 =	sld [smem:$0x3FFE];
	_ =	sdelay $0x1  }
0x8a: {  	s1 =	srdreg.scid  }
0x8b: {  	s0 =	sand.u32 $0x1, s1  }
0x8c: {  	s14 =	sshll.u32 s0, $0xA;
	s2 =	sadd.s32 s3, s2  }
0x8d: {  	s2 =	sadd.s32 s2, s14  }
0x8e: {  	[smem:$0x3FBA] =	sst s2  }
0x8f: {  	_ = 	snop  }
0x90: {  	s2 =	sld [smem:$0x3FD0];
	_ =	sdelay $0x2  }
0x91: {  	s15 =	simm.s32 $0xB;
	s4 =	simm.s32 $0x10  }
0x92: {  	[smem:s4], [sflag:s15] =	dma.local [hbm:s2], $0x1  }
0x93: {  	_ =	swait.eq [sflag:s15], $0x1  }
0x94: {  	[sflag:s15] =	ssyncset.done $0x0  }
0x95: {  	[sflag:s15] =	ssyncadd.s32 $0xFFFFFFFF  }
0x96: {  	s16 =	sld [smem:$0x10];
	(tm) =	ssettm $0x1  }
0x97: {  	s17 =	sld [smem:$0x3FFB];
	_ =	sdelay $0x3  }
0x98: {  	_ =	strace s17  }
0x99: {  	s3 =	sld [smem:$0x3FFC];
	_ =	sdelay $0x3  }
0x9a: {  	_ =	strace s3  }
0x9b: {  	s3 =	sld [smem:$0x3FFD];
	_ =	sdelay $0x3  }
0x9c: {  	_ =	strace s3  }
0x9d: {  	_ =	strace $0x8FFFFFFF  }
0x9e: {  	s18 =	sld [smem:$0x3FDB];
	_ =	sdelay $0x1  }
0x9f: {  	s19 =	simm.s32 $_scs_section_size  }
0xa0: {  	s5 =	simm.s32 $_size__tile_overlayer_lowered;
	s6 =	simm.s32 $_tile_overlayer_lowered  }
0xa1: {  	s22 =	simm.s32 $0x1BFF;
	s21 =	sshll.u32 s6, $0x1;
	s3 =	sadd.s32 s19, s18  }
0xa2: {  	s7 =	simm.s32 $0x0;
	s20 =	sshll.u32 s5, $0x1;
	s5 =	sadd.s32 s21, s3  }
0xa3: {  	[timem:s7], [sflag:s22] =	dma.local [hbm:s5], s20  }
0xa4: {  	_ =	swait.ge [sflag:s22], s20  }
0xa5: {  	s4 =	ssub.s32 $0x0, s20;
	[sflag:s22] =	ssyncset.done $0x0  }
0xa6: {  	[sflag:s22] =	ssyncadd.s32 s4;
	_ =	sdelay $0x1  }
0xa7: {  	s23 =	simm.s32 $0x1B8B  }
0xa8: {  	_ =	swait.ge [sflag:s23], $0x1  }
0xa9: {  	[sflag:s23] =	ssyncset.done $0x0  }
0xaa: {  	s25 =	simm.s32 $0x1B8E;
	s24 =	sld [smem:$0x3FFE];
	[sflag:s23] =	ssyncadd.s32 $0xFFFFFFFF  }
0xab: {  	s26 =	simm.s32 $execute0_lowered;
	[smem:$0x3FD2] =	sst s25  }
0xac: {  	s5 =	sshll.u32 s26, $0x1;
	_ =	strace $0x8000004F;
	[dreg:$0x1] =	wrdreg $0xFFFFFFFF  }
0xad: {  	s28 =	simm.s32 $_size_execute0_lowered;
	s3 =	sadd.s32 s3, s5;
	[dreg:$0x0] =	wrdreg $0x0  }
0xae: {  	s5 =	sshll.u32 s28, $0x1;
	[dreg:$0x2] =	wrdreg s3  }
0xaf: {  	[dreg:$0x3] =	wrdreg s5  }
0xb0: {  	[dreg:$0x4] =	wrdreg $0xC0  }
0xb1: {  	_ =	task [dreg:s7], $0x5FFFF  }
0xb2: {  	[dreg:$0x1] =	wrdreg $0xFFFFFFFF  }
0xb3: {  	[dreg:$0x0] =	wrdreg $0x60  }
0xb4: {  	[dreg:$0x2] =	wrdreg s16  }
0xb5: {  	[dreg:$0x3] =	wrdreg s24  }
0xb6: {  	[dreg:$0x4] =	wrdreg $0x41000  }
0xb7: {  	[dreg:$0x5] =	wrdreg $0x9  }
0xb8: {  	_ =	task.clear_ibuf [dreg:s7], $0x6FFFF;
	_ =	strace $0x9000004F  }
0xb9: {  	s29 =	simm.s32 $0x9;
	_ =	strace $0x80000051  }
0xba: {  	_ =	swait.ge [sflag:s29], $0x1  }
0xbb: {  	[sflag:s29] =	ssyncadd.s32 $0xFFFFFFFF  }
0xbc: {  	_ =	strace $0x90000051  }
0xbd: {  	_ =	sfence  }
0xbe: {  	s30 =	sld [smem:$0x0];
	_ =	sdelay $0x2  }
0xbf: {  	s31 =	sshll.u32 s1, $0xD;
	s1 =	sshrl.u32 s1, $0x2  }
0xc0: {  	s3 =	sand.u32 $0x4000, s31;
	s1 =	sadd.s32 s1, s30  }
0xc1: {  	s0 =	sor.u32 s3, s0;
	s1 =	sshll.u32 s1, $0x11  }
0xc2: {  	s0 =	sor.u32 s1, s0  }
0xc3: {  	s0 =	sadd.s32 $0x8F2B, s0  }
0xc4: {  	[sflag:s0] =	ssyncadd.remote.s32 $0x1  }
0xc5: {  	_ =	sfence.sel $0xFFFF  }
0xc6: {  	[dreg:$0x0] =	wrdreg $0xFFFFFFFF;
	(pc) =	sbr.abs _section_cstart, $3  }
0xc7: {  	[dreg:$0x1] =	wrdreg $0xFFFFFFFF  }
0xc8: {  	_ =	task.clear_ibuf [dreg:s7], $0x2FFFF;
	_ =	strace $0x9FFFFFFF  }
0xc9: {  	(tm) =	ssettm $0x7FFFFFFF  }
tec
execute0_lowered:
.L_overlay_start_1:
0x0: {  	(tag) =	ssettag $0x1  }
0x1: {  	s1 =	rddreg [dreg:$0x0]  }
0x2: {  	s8 =	rddreg [dreg:$0x1]  }
0x3: {  	s3 =	rddreg [dreg:$0x2]  }
0x4: {  	s0 =	rddreg [dreg:$0x3]  }
0x5: {  	s4 =	simm.s32 $0x0;
	s2 =	stileid.u32;
	s9 =	srdreg.scid  }
0x6: {  	s16 =	simm.s32 $0x80;
	s17 =	simm.s32 $0x100;
	s18 =	simm.s32 $0x1  }
0x7: {  	s19 =	simm.s32 $0x0;
	[smem:$0x7FF] =	sst s4;
	s7 =	smul.u32 $0x500, s2  }
0x8: {  	s5 =	sadd.s32 $0x33000, s8;
	s6 =	smul.u32 $0x2800, s2;
	s14 =	sand.u32 $0x1, s9  }
0x9: {  	s30 =	smul.u32 $0x50000, s2;
	s31 =	sshll.u32 s2, $0x6;
	_ =	strace $0x80000050  }
0xa: {  	s11 =	ssub.s32 $0x2, s14;
	p0 =	sne.s32 s14, $0x0;
	s13 =	sadd.s32 s7, s8  }
.Ltmp0:
0xb: {  	s10 =	sadd.s32 s6, s8;
	s7 =	sadd.s32 $0x5B000, s8;
	(pc) =	sbr.rel .LBB2_1-.Ltmp0, $4  }
0xc: {  	s8 =	sadd.s32 $0x88000, s8;
	s12 =	sshrl.u32 s11, $0x1;
	s9 =	sshrl.u32 s30, $0x2  }
0xd: {  	s11 =	ssub.s32 s11, s12;
	s15 =	sadd.s32 s9, s3;
	s9 =	sadd.s32 $0xB000, s10  }
0xe: {  	s10 =	sor.u32 $0x1C02, s31;
	s12 =	sadd.s32 $0x6000, s13;
	s13 =	sadd.s32 $0x83000, s13  }
0xf: {  	s11 =	smax.u32 s11, $0x1;
	s14 =	sshrl.u32 s15, $0x3;
	s15 =	simm.s32 $0x2  }
.LBB2_7:
0x10: {  	s21 =	sadd.s32 s20, s13;
	[sflag:s15] =	ssyncadd.s32 $0xFFFFC000  }
0x11: {  	[tilespmem:s4], [sflag:$0x2] =	stream.linear.gather [hbm4b:s21+s4], $0x80, $0x38;
	[tilespmem:$0x18100] =	vst v63  }
0x12: {  	_ =	swait.ge [sflag:s15], $0x80  }
0x13: {  	[sflag:s15] =	ssyncset.done $0x0  }
0x14: {  	s31 =	sadd.s32 s20, s12;
	[sflag:s15] =	ssyncadd.s32 $0xFFFFFF80  }
0x15: {  	[tilespmem:s16], [sflag:$0x2] =	stream.linear.gather [hbm4b:s31+s4], $0x80, $0x38;
	[tilespmem:$0x18100] =	vst v63  }
0x16: {  	_ =	swait.ge [sflag:s15], $0x80  }
0x17: {  	[sflag:s15] =	ssyncset.done $0x0  }
0x18: {  	[sflag:s15] =	ssyncadd.s32 $0xFFFFFF80  }
0x19: {  	[tilespmem:s17], [sflag:$0x1] =	stream.indirect.gather [hbm4b:s5+s16], $0x80, s4, s16, $0xb8;
	[tilespmem:$0x18100] =	vst v63  }
0x1a: {  	_ =	swait.ge [sflag:s18], $0x4000  }
0x1b: {  	[sflag:s18] =	ssyncset.done $0x0  }
0x1c: {  	[sflag:s18] =	ssyncadd.s32 $0xFFFFC000  }
0x1d: {  	[spmem:s3] =	stream.indirect.scatter.add.f32 [tilespmem:s17], [sflag:$0x2], $0x80, s16, s16, $0xb8;
	[tilespmem:$0x18100] =	vst v63  }
0x1e: {  	_ =	swait.ge [sflag:s15], $0x4000  }
0x1f: {  	[sflag:s15] =	ssyncset.done $0x0  }
0x20: {  	s20 =	smov.u32 s8;
	[sflag:s15] =	ssyncadd.s32 $0xFFFFC000  }
.LBB2_8:
0x21: {  	s19 =	sadd.s32 $0x1, s19  }
0x22: {  	p1 =	sne.s32 s19, s11  }
.Ltmp1:
0x23: {  	s20 =	sadd.s32 s20, s6;
	[bflag:$0x0] =	sbarrier.arrive $0xFFFF;
	(pc) =	sbr.rel @!p1 .LBB2_9-.Ltmp1, $4  }
0x24: {  	[hbm:s20], [sflag:s10] =	dma.local [spmem:s14], $0x2800  }
0x25: {  	_ =	swait.ge [sflag:s15], $0x2800  }
0x26: {  	[sflag:s15] =	ssyncset.done $0x0  }
0x27: {  	[sflag:s15] =	ssyncadd.s32 $0xFFFFD800  }
.LBB2_1:
0x28: {  	[spmem:s14], [sflag:s10] =	dma.local [hbm:s9], $0x2800  }
.Ltmp2:
0x29: {  	_ =	swait.ge [sflag:s15], $0x2800;
	(pc) =	sbr.rel @p0 .LBB2_5-.Ltmp2, $4  }
0x2a: {  	[sflag:s15] =	ssyncset.done $0x0  }
0x2b: {  	[sflag:s15] =	ssyncadd.s32 $0xFFFFD800  }
0x2c: {  	[bflag:$0x0] =	sbarrier.arrive $0xFFFF  }
0x2d: {  	s20 =	sadd.s32 $0x0, s13  }
0x2e: {  	[tilespmem:s4], [sflag:$0x2] =	stream.linear.gather [hbm4b:s20+s4], $0x80, $0x38;
	[tilespmem:$0x18100] =	vst v63  }
0x2f: {  	_ =	swait.ge [sflag:s15], $0x80  }
0x30: {  	[sflag:s15] =	ssyncset.done $0x0  }
0x31: {  	s31 =	sadd.s32 $0x0, s12;
	[sflag:s15] =	ssyncadd.s32 $0xFFFFFF80  }
0x32: {  	[tilespmem:s16], [sflag:$0x2] =	stream.linear.gather [hbm4b:s31+s4], $0x80, $0x38;
	[tilespmem:$0x18100] =	vst v63  }
0x33: {  	_ =	swait.ge [sflag:s15], $0x80  }
0x34: {  	[sflag:s15] =	ssyncset.done $0x0  }
0x35: {  	[sflag:s15] =	ssyncadd.s32 $0xFFFFFF80  }
0x36: {  	[tilespmem:s17], [sflag:$0x1] =	stream.indirect.gather [hbm4b:s1+s16], $0x80, s4, s16, $0xb8;
	[tilespmem:$0x18100] =	vst v63  }
0x37: {  	_ =	swait.ge [sflag:s18], $0x4000  }
0x38: {  	[sflag:s18] =	ssyncset.done $0x0  }
0x39: {  	[sflag:s18] =	ssyncadd.s32 $0xFFFFC000  }
0x3a: {  	[spmem:s3] =	stream.indirect.scatter.add.f32 [tilespmem:s17], [sflag:$0x2], $0x80, s16, s16, $0xb8;
	[tilespmem:$0x18100] =	vst v63  }
0x3b: {  	_ =	swait.ge [sflag:s15], $0x4000  }
0x3c: {  	s20 =	simm.s32 $0x10;
	s21 =	simm.s32 $0x20;
	[sflag:s15] =	ssyncset.done $0x0  }
.LBB2_3:
0x3d: {  	s22 =	sadd.s32 s20, s13  }
0x3e: {  	[sflag:s15] =	ssyncadd.s32 $0xFFFFC000;
	s23 =	smov.u32 s21;
	s24 =	sadd.s32 $0x10, s21  }
0x3f: {  	[tilespmem:s4], [sflag:$0x2] =	stream.linear.gather [hbm4b:s22+s4], $0x80, $0x38;
	[tilespmem:$0x18100] =	vst v63  }
0x40: {  	p1 =	seq.s32 s21, $0x4F0;
	_ =	swait.ge [sflag:s15], $0x80  }
0x41: {  	[sflag:s15] =	ssyncset.done $0x0  }
0x42: {  	s21 =	sadd.s32 s20, s12;
	s20 =	smov.u32 s23;
	[sflag:s15] =	ssyncadd.s32 $0xFFFFFF80  }
0x43: {  	[tilespmem:s16], [sflag:$0x2] =	stream.linear.gather [hbm4b:s21+s4], $0x80, $0x38;
	[tilespmem:$0x18100] =	vst v63  }
0x44: {  	_ =	swait.ge [sflag:s15], $0x80  }
0x45: {  	[sflag:s15] =	ssyncset.done $0x0  }
0x46: {  	[sflag:s15] =	ssyncadd.s32 $0xFFFFFF80  }
0x47: {  	[tilespmem:s17], [sflag:$0x1] =	stream.indirect.gather [hbm4b:s1+s16], $0x80, s4, s16, $0xb8;
	[tilespmem:$0x18100] =	vst v63  }
0x48: {  	_ =	swait.ge [sflag:s18], $0x4000  }
.Ltmp3:
0x49: {  	[sflag:s18] =	ssyncset.done $0x0;
	(pc) =	sbr.rel @!p1 .LBB2_3-.Ltmp3, $4  }
0x4a: {  	[sflag:s18] =	ssyncadd.s32 $0xFFFFC000  }
0x4b: {  	[spmem:s3] =	stream.indirect.scatter.add.f32 [tilespmem:s17], [sflag:$0x2], $0x80, s16, s16, $0xb8;
	[tilespmem:$0x18100] =	vst v63  }
0x4c: {  	_ =	swait.ge [sflag:s15], $0x4000  }
0x4d: {  	s21 =	smov.u32 s24;
	[sflag:s15] =	ssyncset.done $0x0  }
0x4e: {  	s21 =	sadd.s32 s20, s13;
	[sflag:s15] =	ssyncadd.s32 $0xFFFFC000  }
0x4f: {  	[tilespmem:s4], [sflag:$0x2] =	stream.linear.gather [hbm4b:s21+s4], $0x80, $0x38;
	[tilespmem:$0x18100] =	vst v63  }
0x50: {  	_ =	swait.ge [sflag:s15], $0x80  }
0x51: {  	[sflag:s15] =	ssyncset.done $0x0  }
0x52: {  	s31 =	sadd.s32 s20, s12;
	[sflag:s15] =	ssyncadd.s32 $0xFFFFFF80  }
0x53: {  	[tilespmem:s16], [sflag:$0x2] =	stream.linear.gather [hbm4b:s31+s4], $0x80, $0x38;
	[tilespmem:$0x18100] =	vst v63  }
0x54: {  	_ =	swait.ge [sflag:s15], $0x80  }
0x55: {  	[sflag:s15] =	ssyncset.done $0x0  }
0x56: {  	[sflag:s15] =	ssyncadd.s32 $0xFFFFFF80  }
0x57: {  	[tilespmem:s17], [sflag:$0x1] =	stream.indirect.gather [hbm4b:s1+s16], $0x80, s4, s16, $0xb8;
	[tilespmem:$0x18100] =	vst v63  }
0x58: {  	_ =	swait.ge [sflag:s18], $0x4000  }
0x59: {  	[sflag:s18] =	ssyncset.done $0x0  }
.Ltmp4:
0x5a: {  	[sflag:s18] =	ssyncadd.s32 $0xFFFFC000;
	(pc) =	sbr.rel .LBB2_8-.Ltmp4, $4  }
0x5b: {  	[spmem:s3] =	stream.indirect.scatter.add.f32 [tilespmem:s17], [sflag:$0x2], $0x80, s16, s16, $0xb8;
	[tilespmem:$0x18100] =	vst v63  }
0x5c: {  	_ =	swait.ge [sflag:s15], $0x4000  }
0x5d: {  	[sflag:s15] =	ssyncset.done $0x0  }
0x5e: {  	s20 =	smov.u32 s7;
	[sflag:s15] =	ssyncadd.s32 $0xFFFFC000  }
.LBB2_5:
0x5f: {  	[tilespmem:s4], [sflag:$0x2] =	stream.linear.gather [hbm4b:s20+s4], $0x80, $0x38;
	[tilespmem:$0x18100] =	vst v63  }
0x60: {  	_ =	swait.ge [sflag:s15], $0x80  }
0x61: {  	[sflag:s15] =	ssyncset.done $0x0  }
0x62: {  	s31 =	sadd.s32 $0x0, s12;
	[sflag:s15] =	ssyncadd.s32 $0xFFFFFF80  }
0x63: {  	[tilespmem:s16], [sflag:$0x2] =	stream.linear.gather [hbm4b:s31+s4], $0x80, $0x38;
	[tilespmem:$0x18100] =	vst v63  }
0x64: {  	_ =	swait.ge [sflag:s15], $0x80  }
0x65: {  	[sflag:s15] =	ssyncset.done $0x0  }
0x66: {  	[sflag:s15] =	ssyncadd.s32 $0xFFFFFF80  }
0x67: {  	[tilespmem:s17], [sflag:$0x1] =	stream.indirect.gather [hbm4b:s5+s16], $0x80, s4, s16, $0xb8;
	[tilespmem:$0x18100] =	vst v63  }
0x68: {  	_ =	swait.ge [sflag:s18], $0x4000  }
0x69: {  	[sflag:s18] =	ssyncset.done $0x0  }
0x6a: {  	[sflag:s18] =	ssyncadd.s32 $0xFFFFC000  }
0x6b: {  	[spmem:s3] =	stream.indirect.scatter.add.f32 [tilespmem:s17], [sflag:$0x2], $0x80, s16, s16, $0xb8;
	[tilespmem:$0x18100] =	vst v63  }
0x6c: {  	_ =	swait.ge [sflag:s15], $0x4000  }
0x6d: {  	s20 =	simm.s32 $0x10;
	s21 =	simm.s32 $0x20;
	[sflag:s15] =	ssyncset.done $0x0  }
.LBB2_6:
0x6e: {  	s22 =	sadd.s32 s20, s13  }
0x6f: {  	[sflag:s15] =	ssyncadd.s32 $0xFFFFC000;
	s23 =	smov.u32 s21;
	s24 =	sadd.s32 $0x10, s21  }
0x70: {  	[tilespmem:s4], [sflag:$0x2] =	stream.linear.gather [hbm4b:s22+s4], $0x80, $0x38;
	[tilespmem:$0x18100] =	vst v63  }
0x71: {  	p1 =	sne.s32 s21, $0x4F0;
	_ =	swait.ge [sflag:s15], $0x80  }
0x72: {  	[sflag:s15] =	ssyncset.done $0x0  }
0x73: {  	s21 =	sadd.s32 s20, s12;
	s20 =	smov.u32 s23;
	[sflag:s15] =	ssyncadd.s32 $0xFFFFFF80  }
0x74: {  	[tilespmem:s16], [sflag:$0x2] =	stream.linear.gather [hbm4b:s21+s4], $0x80, $0x38;
	[tilespmem:$0x18100] =	vst v63  }
0x75: {  	_ =	swait.ge [sflag:s15], $0x80  }
0x76: {  	[sflag:s15] =	ssyncset.done $0x0  }
0x77: {  	[sflag:s15] =	ssyncadd.s32 $0xFFFFFF80  }
0x78: {  	[tilespmem:s17], [sflag:$0x1] =	stream.indirect.gather [hbm4b:s5+s16], $0x80, s4, s16, $0xb8;
	[tilespmem:$0x18100] =	vst v63  }
0x79: {  	_ =	swait.ge [sflag:s18], $0x4000  }
.Ltmp5:
0x7a: {  	[sflag:s18] =	ssyncset.done $0x0;
	(pc) =	sbr.rel @p1 .LBB2_6-.Ltmp5, $4  }
0x7b: {  	[sflag:s18] =	ssyncadd.s32 $0xFFFFC000  }
0x7c: {  	[spmem:s3] =	stream.indirect.scatter.add.f32 [tilespmem:s17], [sflag:$0x2], $0x80, s16, s16, $0xb8;
	[tilespmem:$0x18100] =	vst v63  }
0x7d: {  	_ =	swait.ge [sflag:s15], $0x4000  }
0x7e: {  	s21 =	smov.u32 s24;
	[sflag:s15] =	ssyncset.done $0x0  }
.Ltmp6:
0x7f: {  	_ = 	snop;
	(pc) =	sbr.rel .LBB2_7-.Ltmp6, $1  }
0x80: {  	_ =	sdelay $0x3  }
.LBB2_9:
0x81: {  	_ =	sfence.sel $0x180000  }
0x82: {  	[bflag:$0x0] =	sbarrier.arrive $0xFFFF  }
0x83: {  	p0 =	sne.s32 s2, $0x0;
	_ =	strace $0x90000050  }
0x84: {  	s0 =	sadd.s32 @!p0 $0x100000, s0;
	[bflag:$0x2] =	sbarrier.arrive $0xFFFF  }
0x85: {  	[sflag:s0] =	ssyncadd.tile.s32 @!p0 $0x1;
	_ =	shalt  }
.Lfunc_end2:
_tile_overlayer_lowered:
.L_overlay_start_2:
0x86: {  	(tag) =	ssettag $0x2  }
0x87: {  	s0 =	rddreg [dreg:$0x0];
	s2 =	stileid.u32  }
0x88: {  	s1 =	rddreg [dreg:$0x1];
	p0 =	sne.s32 s2, $0x0  }
0x89: {  	s3 =	rddreg [dreg:$0x2];
	[bflag:$0x3] =	sbarrier.arrive $0xFFFF;
	s2 =	simm.s32 @!p0 $0x1C02  }
0x8a: {  	[timem:s3], [sflag:s2] =	dma.local @!p0 [hbm:s0], s1  }
0x8b: {  	s0 =	simm.s32 @!p0 $0x2  }
0x8c: {  	_ =	swait.ge @!p0 [sflag:s0], s1  }
0x8d: {  	s1 =	ssub.s32 @!p0 $0x0, s1;
	[sflag:s0] =	ssyncset.done @!p0 $0x0  }
0x8e: {  	[sflag:s0] =	ssyncadd.s32 @!p0 s1  }
0x8f: {  	[bflag:$0x3] =	sbarrier.arrive $0xFFFF  }
0x90: {  	_ =	shalt  }

</sc_bundles>
